<compile_context>
chip_gen: v7x
topology: tpu7x:2x2x1
jax: 0.10.2.dev20260603
libtpu: 0.0.44.dev20260713+nightly
codegen_flags: <defaults>
</compile_context>

<pallas_src>
import functools

import jax
import jax.numpy as jnp
from jax import lax
from jax.experimental import pallas as pl
from jax.experimental.pallas import tpu as pltpu
from jax.experimental.pallas import tpu_sc as plsc

N = 10000
E = 320000
D = 128
DE = 16
H = 64

NW = 32
EPT = E // NW
CB = 80
CD = 40
NWR = 10
RPT = N // NWR
ZC = 8

_mesh = plsc.VectorSubcoreMesh(core_axis_name="c", subcore_axis_name="s")



def _precompute_body(hs_ref, hd_ref, wa_ref, wb_ref, b_ref, pq_ref):
    f32 = jnp.float32
    pq_ref[...] = (jnp.dot(hs_ref[...], wa_ref[...], preferred_element_type=f32)
                   + jnp.dot(hd_ref[...], wb_ref[...], preferred_element_type=f32)
                   + b_ref[...])


def _precompute(h_s, h_d, Wa, Wb, bias):
    NB = 2000
    return pl.pallas_call(
        _precompute_body,
        grid=(N // NB,),
        in_specs=[
            pl.BlockSpec((NB, D), lambda i: (i, 0)),
            pl.BlockSpec((NB, D), lambda i: (i, 0)),
            pl.BlockSpec((D, 2 * H), lambda i: (0, 0)),
            pl.BlockSpec((D, 2 * H), lambda i: (0, 0)),
            pl.BlockSpec((1, 2 * H), lambda i: (0, 0)),
        ],
        out_specs=pl.BlockSpec((NB, 2 * H), lambda i: (i, 0)),
        out_shape=jax.ShapeDtypeStruct((N, 2 * H), jnp.float32),
    )(h_s, h_d, Wa, Wb, bias.reshape(1, 2 * H))



_CHB = EPT // CB


@functools.partial(
    pl.kernel,
    mesh=_mesh,
    out_type=jax.ShapeDtypeStruct((E, H), jnp.float32),
    scratch_types=[
        pltpu.VMEM((CB,), jnp.int32),
        pltpu.VMEM((CB,), jnp.int32),
        pltpu.VMEM((CB,), jnp.int32),
        pltpu.VMEM((CB,), jnp.int32),
        pltpu.VMEM((CB, 2 * H), jnp.float32),
        pltpu.VMEM((CB, 2 * H), jnp.float32),
        pltpu.VMEM((CB, 2 * H), jnp.float32),
        pltpu.VMEM((CB, 2 * H), jnp.float32),
        pltpu.VMEM((CB, H), jnp.float32),
        pltpu.VMEM((CB, H), jnp.float32),
        pltpu.SemaphoreType.DMA,
        pltpu.SemaphoreType.DMA,
        pltpu.SemaphoreType.DMA,
        pltpu.SemaphoreType.DMA,
        pltpu.SemaphoreType.DMA,
        pltpu.SemaphoreType.DMA,
    ],
)
def _gather_combine(pq_hbm, sidx_hbm, ridx_hbm, out_hbm,
                    si0, si1, ri0, ri1, bs0, bs1, br0, br1, res0, res1,
                    semi0, semi1, semg0, semg1, sems0, sems1):
    wid = lax.axis_index("s") * 2 + lax.axis_index("c")
    base = wid * EPT
    sidx = [si0, si1]
    ridx = [ri0, ri1]
    bufs = [bs0, bs1]
    bufr = [br0, br1]
    resv = [res0, res1]
    semi = [semi0, semi1]
    semg = [semg0, semg1]
    sems = [sems0, sems1]

    def eoff(c):
        return pl.multiple_of(base + c * CB, 8)

    def fire_idx(c, b):
        pltpu.async_copy(sidx_hbm.at[pl.ds(eoff(c), CB)], sidx[b], semi[b])
        pltpu.async_copy(ridx_hbm.at[pl.ds(eoff(c), CB)], ridx[b], semi[b])

    def fire_gather(c, b):
        pltpu.make_async_copy(sidx_hbm.at[pl.ds(eoff(c), CB)], sidx[b], semi[b]).wait()
        pltpu.make_async_copy(ridx_hbm.at[pl.ds(eoff(c), CB)], ridx[b], semi[b]).wait()
        pltpu.async_copy(pq_hbm.at[sidx[b]], bufs[b], semg[b])
        pltpu.async_copy(pq_hbm.at[ridx[b]], bufr[b], semg[b])

    def proc_a(c, b):
        pltpu.make_async_copy(pq_hbm.at[sidx[b]], bufs[b], semg[b]).wait()
        pltpu.make_async_copy(pq_hbm.at[ridx[b]], bufr[b], semg[b]).wait()

    def proc_b(c, b):
        @pl.when(c >= 2)
        def _drain_store():
            pltpu.make_async_copy(
                resv[b], out_hbm.at[pl.ds(eoff(c - 2), CB)], sems[b]).wait()

        def row(r, c2):
            for k in range(H // 16):
                sl = pl.ds(16 * k, 16)
                resv[b][r, sl] = (bufs[b][r, sl]
                                  + bufr[b][r, pl.ds(H + 16 * k, 16)])
            return c2

        lax.fori_loop(0, CB, row, 0)
        pltpu.async_copy(resv[b], out_hbm.at[pl.ds(eoff(c), CB)], sems[b])

    fire_idx(0, 0)
    fire_idx(1, 1)
    fire_gather(0, 0)

    def pair(g, carry):
        a = g * 2
        fire_gather(a + 1, 1)
        proc_a(a, 0)

        @pl.when(a + 2 < _CHB)
        def _f0():
            fire_idx(a + 2, 0)

        proc_b(a, 0)

        @pl.when(a + 2 < _CHB)
        def _g0():
            fire_gather(a + 2, 0)

        proc_a(a + 1, 1)

        @pl.when(a + 3 < _CHB)
        def _f1():
            fire_idx(a + 3, 1)

        proc_b(a + 1, 1)
        return carry

    lax.fori_loop(0, _CHB // 2, pair, 0)
    if _CHB % 2 == 1:
        proc_a(_CHB - 1, 0)
        proc_b(_CHB - 1, 0)
    pltpu.make_async_copy(
        resv[0], out_hbm.at[pl.ds(eoff(_CHB - 1), CB)], sems[0]).wait()
    pltpu.make_async_copy(
        resv[1], out_hbm.at[pl.ds(eoff(_CHB - 2), CB)], sems[1]).wait()



def _mlp_body(hpre_ref, ef_ref, w1e_ref, w2_ref, b2_ref, out_ref):
    f32 = jnp.float32
    hidden = jnp.maximum(
        hpre_ref[...].astype(f32)
        + jnp.dot(ef_ref[...], w1e_ref[...], preferred_element_type=f32),
        0.0)
    out_ref[...] = jnp.maximum(
        jnp.dot(hidden, w2_ref[...], preferred_element_type=f32) + b2_ref[...],
        0.0)


def _edge_mlp(hpre, ef, W1e, W2, b2):
    EB = 2000
    return pl.pallas_call(
        _mlp_body,
        grid=(E // EB,),
        in_specs=[
            pl.BlockSpec((EB, H), lambda i: (i, 0)),
            pl.BlockSpec((EB, DE), lambda i: (i, 0)),
            pl.BlockSpec((DE, H), lambda i: (0, 0)),
            pl.BlockSpec((H, D), lambda i: (0, 0)),
            pl.BlockSpec((1, D), lambda i: (0, 0)),
        ],
        out_specs=pl.BlockSpec((EB, D), lambda i: (i, 0)),
        out_shape=jax.ShapeDtypeStruct((E, D), jnp.float32),
    )(hpre, ef, W1e, W2, b2.reshape(1, D))



_CHD = EPT // CD


@functools.partial(
    pl.kernel,
    mesh=_mesh,
    out_type=jax.ShapeDtypeStruct((2, N, D), jnp.float32),
    scratch_types=[
        pltpu.VMEM((CD,), jnp.int32),
        pltpu.VMEM((CD,), jnp.int32),
        pltpu.VMEM((CD,), jnp.int32),
        pltpu.VMEM((CD,), jnp.int32),
        pltpu.VMEM((CD,), jnp.int32),
        pltpu.VMEM((CD,), jnp.int32),
        pltpu.VMEM((CD, D), jnp.float32),
        pltpu.VMEM((CD, D), jnp.float32),
        pltpu.VMEM((CD, D), jnp.float32),
        pltpu.VMEM((CD, D), jnp.float32),
        pltpu.VMEM((CD, D), jnp.float32),
        pltpu.VMEM((CD, D), jnp.float32),
        pltpu.VMEM((CD, D), jnp.float32),
        pltpu.VMEM((CD, D), jnp.float32),
        pltpu.VMEM((ZC, D), jnp.float32),
        pltpu.VMEM_SHARED((N, D), jnp.float32),
        pltpu.SemaphoreType.DMA,
        pltpu.SemaphoreType.DMA,
        pltpu.SemaphoreType.DMA,
        pltpu.SemaphoreType.DMA,
        pltpu.SemaphoreType.DMA,
        pltpu.SemaphoreType.DMA,
        pltpu.SemaphoreType.DMA,
        pltpu.SemaphoreType.DMA,
    ],
)
def _flux_scatter(hdq_hbm, psi_hbm, sidx_hbm, ridx_hbm, out_hbm,
                  si0, si1, ri0, ri1, rs0, rs1, br0, br1, bs0, bs1, ps0, ps1,
                  res0, res1, zbuf, agg,
                  semi0, semi1, semr0, semr1, semg0, semg1, sems0, sems1):
    cid = lax.axis_index("c")
    sid = lax.axis_index("s")
    wid = sid * 2 + cid
    sidx = [si0, si1]
    ridx = [ri0, ri1]
    rsidx = [rs0, rs1]
    bufr = [br0, br1]
    bufs = [bs0, bs1]
    psiv = [ps0, ps1]
    resv = [res0, res1]
    semi = [semi0, semi1]
    semr = [semr0, semr1]
    semg = [semg0, semg1]
    sems = [sems0, sems1]

    zero = jnp.zeros((16,), jnp.float32)

    def zrow(r, c2):
        for k in range(D // 16):
            zbuf[r, pl.ds(k * 16, 16)] = zero
        return c2

    lax.fori_loop(0, ZC, zrow, 0)

    @pl.when(sid < NWR)
    def _zero_agg():
        def zcopy(t, c2):
            off = pl.multiple_of(sid * RPT + t * ZC, 8)
            pltpu.sync_copy(zbuf, agg.at[pl.ds(off, ZC)])
            return c2

        lax.fori_loop(0, RPT // ZC, zcopy, 0)

    plsc.subcore_barrier()

    base = wid * EPT

    def eoff(c):
        return pl.multiple_of(base + c * CD, 8)

    def fire_idx(c, b):
        pltpu.async_copy(sidx_hbm.at[pl.ds(eoff(c), CD)], sidx[b], semi[b])
        pltpu.async_copy(ridx_hbm.at[pl.ds(eoff(c), CD)], ridx[b], semi[b])

    def fire_gather(c, b):
        pltpu.make_async_copy(sidx_hbm.at[pl.ds(eoff(c), CD)], sidx[b], semi[b]).wait()
        pltpu.make_async_copy(ridx_hbm.at[pl.ds(eoff(c), CD)], ridx[b], semi[b]).wait()
        pltpu.async_copy(hdq_hbm.at[sidx[b]], bufs[b], semg[b])
        pltpu.async_copy(hdq_hbm.at[ridx[b]], bufr[b], semg[b])
        pltpu.async_copy(psi_hbm.at[pl.ds(eoff(c), CD)], psiv[b], semg[b])

    def proc_a(c, b):
        @pl.when(c >= 2)
        def _drain_scatter():
            pltpu.make_async_copy(resv[b], agg.at[rsidx[b]], sems[b]).wait()

        pltpu.make_async_copy(hdq_hbm.at[sidx[b]], bufs[b], semg[b]).wait()
        pltpu.make_async_copy(hdq_hbm.at[ridx[b]], bufr[b], semg[b]).wait()
        pltpu.make_async_copy(psi_hbm.at[pl.ds(eoff(c), CD)], psiv[b], semg[b]).wait()
        pltpu.async_copy(ridx_hbm.at[pl.ds(eoff(c), CD)], rsidx[b], semr[b])

    def proc_b(c, b):
        def row(r, c2):
            for k in range(D // 16):
                sl = pl.ds(16 * k, 16)
                resv[b][r, sl] = (psiv[b][r, sl]
                                  * (bufr[b][r, sl] - bufs[b][r, sl]))
            return c2

        lax.fori_loop(0, CD, row, 0)
        pltpu.make_async_copy(ridx_hbm.at[pl.ds(eoff(c), CD)], rsidx[b], semr[b]).wait()
        pltpu.async_copy(resv[b], agg.at[rsidx[b]], sems[b], add=True)

    fire_idx(0, 0)
    fire_idx(1, 1)
    fire_gather(0, 0)

    def pair(g, carry):
        a = g * 2
        fire_gather(a + 1, 1)
        proc_a(a, 0)

        @pl.when(a + 2 < _CHD)
        def _f0():
            fire_idx(a + 2, 0)

        proc_b(a, 0)

        @pl.when(a + 2 < _CHD)
        def _g0():
            fire_gather(a + 2, 0)

        proc_a(a + 1, 1)

        @pl.when(a + 3 < _CHD)
        def _f1():
            fire_idx(a + 3, 1)

        proc_b(a + 1, 1)
        return carry

    lax.fori_loop(0, _CHD // 2, pair, 0)
    if _CHD % 2 == 1:
        proc_a(_CHD - 1, 0)
        proc_b(_CHD - 1, 0)
    pltpu.make_async_copy(resv[0], agg.at[rsidx[0]], sems[0]).wait()
    pltpu.make_async_copy(resv[1], agg.at[rsidx[1]], sems[1]).wait()
    plsc.subcore_barrier()

    @pl.when(sid < NWR)
    def _write_out():
        off0 = pl.multiple_of(sid * RPT, 8)
        sl = pl.ds(off0, RPT)
        pltpu.sync_copy(agg.at[sl], out_hbm.at[cid, sl])



def _final_body(hd_ref, pa_ref, w_ref, out_ref):
    agg = pa_ref[0] + pa_ref[1]
    out_ref[...] = hd_ref[...] + jnp.dot(agg, w_ref[...],
                                         preferred_element_type=jnp.float32)


def _finalize(h_d, partials, W):
    NB = 2000
    return pl.pallas_call(
        _final_body,
        grid=(N // NB,),
        in_specs=[
            pl.BlockSpec((NB, D), lambda i: (i, 0)),
            pl.BlockSpec((2, NB, D), lambda i: (0, i, 0)),
            pl.BlockSpec((D, D), lambda i: (0, 0)),
        ],
        out_specs=pl.BlockSpec((NB, D), lambda i: (i, 0)),
        out_shape=jax.ShapeDtypeStruct((N, D), jnp.float32),
    )(h_d, partials, W)


def kernel(h_d_prev, h_s, edge_features_embedded, sender_indices,
           receiver_indices, W1, b1, W2, b2, W):
    Wa = jnp.concatenate([W1[0:D], W1[D:2 * D]], axis=1)
    Wb = jnp.concatenate([W1[2 * D:3 * D], W1[3 * D:4 * D]], axis=1)
    bias = jnp.concatenate([jnp.zeros_like(b1), b1])
    PQ = _precompute(h_s, h_d_prev, Wa, Wb, bias)
    hpre = _gather_combine(PQ, sender_indices, receiver_indices)
    psi = _edge_mlp(hpre, edge_features_embedded, W1[4 * D:], W2, b2)
    partials = _flux_scatter(h_d_prev, psi, sender_indices, receiver_indices)
    return _finalize(h_d_prev, partials, W)

# --- scband reference (transcript-rebuilt; emitter-appended) ---
"""Pipeline reference for scband-m-swegnnlayer-21114059227743 (READ-ONLY COPY).

The authoritative reference and input builder live on the scoring server;
editing this copy changes nothing except your own understanding.
"""

import jax, jax.numpy as jnp
import numpy as np

N = 10000
E = 320000
D = 128      # node feature dim == output_dim (residual requires match)
DE = 16      # embedded edge feature dim
H = 64       # psi MLP hidden units
DIN = 4 * D + DE  # psi MLP input: h_si, h_sj, h_di, h_dj, edge_feat


def setup_inputs(seed: int = 0) -> dict:
    key = jax.random.key(seed)
    ks = jax.random.split(key, 9)
    h_d_prev = jax.random.normal(ks[0], (N, D), dtype=jnp.float32)
    h_s = jax.random.normal(ks[1], (N, D), dtype=jnp.float32)
    edge_features_embedded = jax.random.normal(ks[2], (E, DE), dtype=jnp.float32)
    sender_indices = jax.random.randint(ks[3], (E,), 0, N)
    receiver_indices = jax.random.randint(ks[4], (E,), 0, N)
    # psi MLP params: Dense(H, relu) then Dense(D, relu)  (create_mlp uses relu on all layers;
    # final_activation=None keeps the default relu on the last layer)
    W1 = jax.random.normal(ks[5], (DIN, H), dtype=jnp.float32) * 0.05
    b1 = jnp.zeros((H,), dtype=jnp.float32)
    W2 = jax.random.normal(ks[6], (H, D), dtype=jnp.float32) * 0.05
    b2 = jnp.zeros((D,), dtype=jnp.float32)
    # W matrix: Dense(D, use_bias=False)
    W = jax.random.normal(ks[7], (D, D), dtype=jnp.float32) * 0.05
    return {
        'h_d_prev': h_d_prev,
        'h_s': h_s,
        'edge_features_embedded': edge_features_embedded,
        'sender_indices': sender_indices,
        'receiver_indices': receiver_indices,
        'W1': W1, 'b1': b1, 'W2': W2, 'b2': b2, 'W': W,
    }


def reference(h_d_prev, h_s, edge_features_embedded, sender_indices, receiver_indices,
              W1, b1, W2, b2, W):
    h_di_prev = jnp.take(h_d_prev, sender_indices, axis=0)
    h_dj_prev = jnp.take(h_d_prev, receiver_indices, axis=0)
    h_si = jnp.take(h_s, sender_indices, axis=0)
    h_sj = jnp.take(h_s, receiver_indices, axis=0)
    psi_input = jnp.concatenate([h_si, h_sj, h_di_prev, h_dj_prev, edge_features_embedded], axis=-1)
    hidden = jax.nn.relu(psi_input @ W1 + b1)
    psi_output = jax.nn.relu(hidden @ W2 + b2)
    diff_h_d = h_dj_prev - h_di_prev
    s_ij = psi_output * diff_h_d
    aggregated_fluxes = jax.ops.segment_sum(s_ij, receiver_indices, num_segments=N)
    transformed_fluxes = aggregated_fluxes @ W
    h_d_new = h_d_prev + transformed_fluxes
    return h_d_new

if __name__ == "__main__":
    import jax
    _d = setup_inputs()
    print(jax.jit(kernel)(*tuple(_d.values())))

</pallas_src>

<mosaic_0001>
#map = affine_map<(d0, d1) -> (0, 0)>
#map1 = affine_map<(d0, d1) -> (0)>
module attributes {stable_mosaic.version = 14 : i64} {
  func.func @_gather_combine(%arg0: i32, %arg1: i32, %arg2: memref<10000x128xf32, #tpu.memory_space<hbm>>, %arg3: memref<320000xi32, #tpu.memory_space<hbm>>, %arg4: memref<320000xi32, #tpu.memory_space<hbm>>, %arg5: memref<320000x64xf32, #tpu.memory_space<hbm>>, %arg6: memref<80xi32, #tpu.memory_space<vmem>>, %arg7: memref<80xi32, #tpu.memory_space<vmem>>, %arg8: memref<80xi32, #tpu.memory_space<vmem>>, %arg9: memref<80xi32, #tpu.memory_space<vmem>>, %arg10: memref<80x128xf32, #tpu.memory_space<vmem>>, %arg11: memref<80x128xf32, #tpu.memory_space<vmem>>, %arg12: memref<80x128xf32, #tpu.memory_space<vmem>>, %arg13: memref<80x128xf32, #tpu.memory_space<vmem>>, %arg14: memref<80x64xf32, #tpu.memory_space<vmem>>, %arg15: memref<80x64xf32, #tpu.memory_space<vmem>>, %arg16: memref<!tpu.dma_semaphore, #tpu.memory_space<semaphore_mem>>, %arg17: memref<!tpu.dma_semaphore, #tpu.memory_space<semaphore_mem>>, %arg18: memref<!tpu.dma_semaphore, #tpu.memory_space<semaphore_mem>>, %arg19: memref<!tpu.dma_semaphore, #tpu.memory_space<semaphore_mem>>, %arg20: memref<!tpu.dma_semaphore, #tpu.memory_space<semaphore_mem>>, %arg21: memref<!tpu.dma_semaphore, #tpu.memory_space<semaphore_mem>>) attributes {dimension_semantics = [#tpu.dimension_semantics<core_parallel>, #tpu.dimension_semantics<subcore_parallel>], iteration_bounds = array<i64: 2, 16>, scalar_prefetch = 0 : i64, scratch_operands = 16 : i64, tpu.core_type = #tpu.core_type<sc_vector_subcore>, window_params = [{transform_indices = #map}, {transform_indices = #map1}, {transform_indices = #map1}, {transform_indices = #map}]} {
    %mul3A = arith.constant 2 : i32
    %mul3A_0 = arith.muli %arg1, %mul3A : i32
    %add3A = arith.addi %mul3A_0, %arg0 : i32
    %mul3A_1 = arith.constant 10000 : i32
    %mul3A_2 = arith.muli %add3A, %mul3A_1 : i32
    %add3A_3 = arith.constant 0 : i32
    %add3A_4 = arith.addi %mul3A_2, %add3A_3 : i32
    %multiple_of3A = tpu.assume_multiple %add3A_4, 8 : i32
    %dma_start3A = tpu.memref_slice %arg3[%multiple_of3A] : memref<320000xi32, #tpu.memory_space<hbm>> -> memref<80xi32, #tpu.memory_space<hbm>>
    %dma_start3A_5 = tpu.memref_slice %arg3[%multiple_of3A] : memref<320000xi32, #tpu.memory_space<hbm>> -> memref<80xi32, #tpu.memory_space<hbm>>
    tpu.enqueue_dma source(%dma_start3A_5 : memref<80xi32, #tpu.memory_space<hbm>>) target(%arg6 : memref<80xi32, #tpu.memory_space<vmem>>) target_semaphore(%arg16 : memref<!tpu.dma_semaphore, #tpu.memory_space<semaphore_mem>>)
    %add3A_6 = arith.constant 0 : i32
    %add3A_7 = arith.addi %mul3A_2, %add3A_6 : i32
    %multiple_of3A_8 = tpu.assume_multiple %add3A_7, 8 : i32
    %dma_start3A_9 = tpu.memref_slice %arg4[%multiple_of3A_8] : memref<320000xi32, #tpu.memory_space<hbm>> -> memref<80xi32, #tpu.memory_space<hbm>>
    %dma_start3A_10 = tpu.memref_slice %arg4[%multiple_of3A_8] : memref<320000xi32, #tpu.memory_space<hbm>> -> memref<80xi32, #tpu.memory_space<hbm>>
    tpu.enqueue_dma source(%dma_start3A_10 : memref<80xi32, #tpu.memory_space<hbm>>) target(%arg8 : memref<80xi32, #tpu.memory_space<vmem>>) target_semaphore(%arg16 : memref<!tpu.dma_semaphore, #tpu.memory_space<semaphore_mem>>)
    %add3A_11 = arith.constant 80 : i32
    %add3A_12 = arith.addi %mul3A_2, %add3A_11 : i32
    %multiple_of3A_13 = tpu.assume_multiple %add3A_12, 8 : i32
    %dma_start3A_14 = tpu.memref_slice %arg3[%multiple_of3A_13] : memref<320000xi32, #tpu.memory_space<hbm>> -> memref<80xi32, #tpu.memory_space<hbm>>
    %dma_start3A_15 = tpu.memref_slice %arg3[%multiple_of3A_13] : memref<320000xi32, #tpu.memory_space<hbm>> -> memref<80xi32, #tpu.memory_space<hbm>>
    tpu.enqueue_dma source(%dma_start3A_15 : memref<80xi32, #tpu.memory_space<hbm>>) target(%arg7 : memref<80xi32, #tpu.memory_space<vmem>>) target_semaphore(%arg17 : memref<!tpu.dma_semaphore, #tpu.memory_space<semaphore_mem>>)
    %add3A_16 = arith.constant 80 : i32
    %add3A_17 = arith.addi %mul3A_2, %add3A_16 : i32
    %multiple_of3A_18 = tpu.assume_multiple %add3A_17, 8 : i32
    %dma_start3A_19 = tpu.memref_slice %arg4[%multiple_of3A_18] : memref<320000xi32, #tpu.memory_space<hbm>> -> memref<80xi32, #tpu.memory_space<hbm>>
    %dma_start3A_20 = tpu.memref_slice %arg4[%multiple_of3A_18] : memref<320000xi32, #tpu.memory_space<hbm>> -> memref<80xi32, #tpu.memory_space<hbm>>
    tpu.enqueue_dma source(%dma_start3A_20 : memref<80xi32, #tpu.memory_space<hbm>>) target(%arg9 : memref<80xi32, #tpu.memory_space<vmem>>) target_semaphore(%arg17 : memref<!tpu.dma_semaphore, #tpu.memory_space<semaphore_mem>>)
    %add3A_21 = arith.constant 0 : i32
    %add3A_22 = arith.addi %mul3A_2, %add3A_21 : i32
    %multiple_of3A_23 = tpu.assume_multiple %add3A_22, 8 : i32
    %dma_wait3A = tpu.memref_slice %arg3[%multiple_of3A_23] : memref<320000xi32, #tpu.memory_space<hbm>> -> memref<80xi32, #tpu.memory_space<hbm>>
    %dma_wait3A_24 = tpu.memref_slice %arg3[%multiple_of3A_23] : memref<320000xi32, #tpu.memory_space<hbm>> -> memref<80xi32, #tpu.memory_space<hbm>>
    tpu.wait_dma2 semaphore(%arg16 : memref<!tpu.dma_semaphore, #tpu.memory_space<semaphore_mem>>) src(%dma_wait3A_24 : memref<80xi32, #tpu.memory_space<hbm>>) dst(%arg6 : memref<80xi32, #tpu.memory_space<vmem>>)
    %add3A_25 = arith.constant 0 : i32
    %add3A_26 = arith.addi %mul3A_2, %add3A_25 : i32
    %multiple_of3A_27 = tpu.assume_multiple %add3A_26, 8 : i32
    %dma_wait3A_28 = tpu.memref_slice %arg4[%multiple_of3A_27] : memref<320000xi32, #tpu.memory_space<hbm>> -> memref<80xi32, #tpu.memory_space<hbm>>
    %dma_wait3A_29 = tpu.memref_slice %arg4[%multiple_of3A_27] : memref<320000xi32, #tpu.memory_space<hbm>> -> memref<80xi32, #tpu.memory_space<hbm>>
    tpu.wait_dma2 semaphore(%arg16 : memref<!tpu.dma_semaphore, #tpu.memory_space<semaphore_mem>>) src(%dma_wait3A_29 : memref<80xi32, #tpu.memory_space<hbm>>) dst(%arg8 : memref<80xi32, #tpu.memory_space<vmem>>)
    %dma_start3A_30 = arith.constant 0 : i32
    %dma_start3A_31 = arith.constant 0 : i32
    %dma_start3A_32 = tpu.memref_slice %arg2[%dma_start3A_30, %dma_start3A_31] : memref<10000x128xf32, #tpu.memory_space<hbm>> -> memref<10000x128xf32, #tpu.memory_space<hbm>>
    tpu.enqueue_indirect_dma source(%dma_start3A_32 : memref<10000x128xf32, #tpu.memory_space<hbm>>) target(%arg10 : memref<80x128xf32, #tpu.memory_space<vmem>>) offsets(%arg6 : memref<80xi32, #tpu.memory_space<vmem>>) semaphore(%arg18 : memref<!tpu.dma_semaphore, #tpu.memory_space<semaphore_mem>>)
    %dma_start3A_33 = arith.constant 0 : i32
    %dma_start3A_34 = arith.constant 0 : i32
    %dma_start3A_35 = tpu.memref_slice %arg2[%dma_start3A_33, %dma_start3A_34] : memref<10000x128xf32, #tpu.memory_space<hbm>> -> memref<10000x128xf32, #tpu.memory_space<hbm>>
    tpu.enqueue_indirect_dma source(%dma_start3A_35 : memref<10000x128xf32, #tpu.memory_space<hbm>>) target(%arg12 : memref<80x128xf32, #tpu.memory_space<vmem>>) offsets(%arg8 : memref<80xi32, #tpu.memory_space<vmem>>) semaphore(%arg18 : memref<!tpu.dma_semaphore, #tpu.memory_space<semaphore_mem>>)
    %scan3A = arith.constant 0 : i32
    %scan3A_36 = arith.constant 0 : i32
    %scan3A_37 = arith.constant 62 : i32
    %scan3A_38 = arith.addi %scan3A_36, %scan3A_37 : i32
    %scan3A_39 = arith.constant 1 : i32
    scf.for %scan3A_81 = %scan3A_36 to %scan3A_38 step %scan3A_39  : i32 {
      %mul3A_82 = arith.constant 2 : i32
      %mul3A_83 = arith.muli %scan3A_81, %mul3A_82 : i32
      %add3A_84 = arith.constant 1 : i32
      %add3A_85 = arith.addi %mul3A_83, %add3A_84 : i32
      %mul3A_86 = arith.constant 80 : i32
      %mul3A_87 = arith.muli %add3A_85, %mul3A_86 : i32
      %add3A_88 = arith.addi %mul3A_2, %mul3A_87 : i32
      %multiple_of3A_89 = tpu.assume_multiple %add3A_88, 8 : i32
      %dma_wait3A_90 = tpu.memref_slice %arg3[%multiple_of3A_89] : memref<320000xi32, #tpu.memory_space<hbm>> -> memref<80xi32, #tpu.memory_space<hbm>>
      %dma_wait3A_91 = tpu.memref_slice %arg3[%multiple_of3A_89] : memref<320000xi32, #tpu.memory_space<hbm>> -> memref<80xi32, #tpu.memory_space<hbm>>
      tpu.wait_dma2 semaphore(%arg17 : memref<!tpu.dma_semaphore, #tpu.memory_space<semaphore_mem>>) src(%dma_wait3A_91 : memref<80xi32, #tpu.memory_space<hbm>>) dst(%arg7 : memref<80xi32, #tpu.memory_space<vmem>>)
      %mul3A_92 = arith.constant 80 : i32
      %mul3A_93 = arith.muli %add3A_85, %mul3A_92 : i32
      %add3A_94 = arith.addi %mul3A_2, %mul3A_93 : i32
      %multiple_of3A_95 = tpu.assume_multiple %add3A_94, 8 : i32
      %dma_wait3A_96 = tpu.memref_slice %arg4[%multiple_of3A_95] : memref<320000xi32, #tpu.memory_space<hbm>> -> memref<80xi32, #tpu.memory_space<hbm>>
      %dma_wait3A_97 = tpu.memref_slice %arg4[%multiple_of3A_95] : memref<320000xi32, #tpu.memory_space<hbm>> -> memref<80xi32, #tpu.memory_space<hbm>>
      tpu.wait_dma2 semaphore(%arg17 : memref<!tpu.dma_semaphore, #tpu.memory_space<semaphore_mem>>) src(%dma_wait3A_97 : memref<80xi32, #tpu.memory_space<hbm>>) dst(%arg9 : memref<80xi32, #tpu.memory_space<vmem>>)
      %dma_start3A_98 = arith.constant 0 : i32
      %dma_start3A_99 = arith.constant 0 : i32
      %dma_start3A_100 = tpu.memref_slice %arg2[%dma_start3A_98, %dma_start3A_99] : memref<10000x128xf32, #tpu.memory_space<hbm>> -> memref<10000x128xf32, #tpu.memory_space<hbm>>
      tpu.enqueue_indirect_dma source(%dma_start3A_100 : memref<10000x128xf32, #tpu.memory_space<hbm>>) target(%arg11 : memref<80x128xf32, #tpu.memory_space<vmem>>) offsets(%arg7 : memref<80xi32, #tpu.memory_space<vmem>>) semaphore(%arg19 : memref<!tpu.dma_semaphore, #tpu.memory_space<semaphore_mem>>)
      %dma_start3A_101 = arith.constant 0 : i32
      %dma_start3A_102 = arith.constant 0 : i32
      %dma_start3A_103 = tpu.memref_slice %arg2[%dma_start3A_101, %dma_start3A_102] : memref<10000x128xf32, #tpu.memory_space<hbm>> -> memref<10000x128xf32, #tpu.memory_space<hbm>>
      tpu.enqueue_indirect_dma source(%dma_start3A_103 : memref<10000x128xf32, #tpu.memory_space<hbm>>) target(%arg13 : memref<80x128xf32, #tpu.memory_space<vmem>>) offsets(%arg9 : memref<80xi32, #tpu.memory_space<vmem>>) semaphore(%arg19 : memref<!tpu.dma_semaphore, #tpu.memory_space<semaphore_mem>>)
      %dma_wait3A_104 = arith.constant 0 : i32
      %dma_wait3A_105 = arith.constant 0 : i32
      %dma_wait3A_106 = tpu.memref_slice %arg2[%dma_wait3A_104, %dma_wait3A_105] : memref<10000x128xf32, #tpu.memory_space<hbm>> -> memref<10000x128xf32, #tpu.memory_space<hbm>>
      tpu.wait_indirect_dma semaphore(%arg18 : memref<!tpu.dma_semaphore, #tpu.memory_space<semaphore_mem>>) src(%dma_wait3A_106 : memref<10000x128xf32, #tpu.memory_space<hbm>>) dst(%arg10 : memref<80x128xf32, #tpu.memory_space<vmem>>)
      %dma_wait3A_107 = arith.constant 0 : i32
      %dma_wait3A_108 = arith.constant 0 : i32
      %dma_wait3A_109 = tpu.memref_slice %arg2[%dma_wait3A_107, %dma_wait3A_108] : memref<10000x128xf32, #tpu.memory_space<hbm>> -> memref<10000x128xf32, #tpu.memory_space<hbm>>
      tpu.wait_indirect_dma semaphore(%arg18 : memref<!tpu.dma_semaphore, #tpu.memory_space<semaphore_mem>>) src(%dma_wait3A_109 : memref<10000x128xf32, #tpu.memory_space<hbm>>) dst(%arg12 : memref<80x128xf32, #tpu.memory_space<vmem>>)
      %add3A_110 = arith.constant 2 : i32
      %add3A_111 = arith.addi %mul3A_83, %add3A_110 : i32
      %lt3A = arith.constant 125 : i32
      %lt3A_112 = arith.cmpi slt, %add3A_111, %lt3A : i32
      %convert_element_type3A = arith.extui %lt3A_112 : i1 to i32
      %cond3A = arith.constant 0 : i32
      %cond3A_113 = arith.cmpi ne, %convert_element_type3A, %cond3A : i32
      scf.if %cond3A_113 {
        %add3A_175 = arith.constant 2 : i32
        %add3A_176 = arith.addi %mul3A_83, %add3A_175 : i32
        %mul3A_177 = arith.constant 80 : i32
        %mul3A_178 = arith.muli %add3A_176, %mul3A_177 : i32
        %add3A_179 = arith.addi %mul3A_2, %mul3A_178 : i32
        %multiple_of3A_180 = tpu.assume_multiple %add3A_179, 8 : i32
        %dma_start3A_181 = tpu.memref_slice %arg3[%multiple_of3A_180] : memref<320000xi32, #tpu.memory_space<hbm>> -> memref<80xi32, #tpu.memory_space<hbm>>
        %dma_start3A_182 = tpu.memref_slice %arg3[%multiple_of3A_180] : memref<320000xi32, #tpu.memory_space<hbm>> -> memref<80xi32, #tpu.memory_space<hbm>>
        tpu.enqueue_dma source(%dma_start3A_182 : memref<80xi32, #tpu.memory_space<hbm>>) target(%arg6 : memref<80xi32, #tpu.memory_space<vmem>>) target_semaphore(%arg16 : memref<!tpu.dma_semaphore, #tpu.memory_space<semaphore_mem>>)
        %mul3A_183 = arith.constant 80 : i32
        %mul3A_184 = arith.muli %add3A_176, %mul3A_183 : i32
        %add3A_185 = arith.addi %mul3A_2, %mul3A_184 : i32
        %multiple_of3A_186 = tpu.assume_multiple %add3A_185, 8 : i32
        %dma_start3A_187 = tpu.memref_slice %arg4[%multiple_of3A_186] : memref<320000xi32, #tpu.memory_space<hbm>> -> memref<80xi32, #tpu.memory_space<hbm>>
        %dma_start3A_188 = tpu.memref_slice %arg4[%multiple_of3A_186] : memref<320000xi32, #tpu.memory_space<hbm>> -> memref<80xi32, #tpu.memory_space<hbm>>
        tpu.enqueue_dma source(%dma_start3A_188 : memref<80xi32, #tpu.memory_space<hbm>>) target(%arg8 : memref<80xi32, #tpu.memory_space<vmem>>) target_semaphore(%arg16 : memref<!tpu.dma_semaphore, #tpu.memory_space<semaphore_mem>>)
      } else {
      }
      %ge3A = arith.constant 2 : i32
      %ge3A_114 = arith.cmpi sge, %mul3A_83, %ge3A : i32
      %convert_element_type3A_115 = arith.extui %ge3A_114 : i1 to i32
      %cond3A_116 = arith.constant 0 : i32
      %cond3A_117 = arith.cmpi ne, %convert_element_type3A_115, %cond3A_116 : i32
      scf.if %cond3A_117 {
        %sub3A = arith.constant 2 : i32
        %sub3A_175 = arith.subi %mul3A_83, %sub3A : i32
        %mul3A_176 = arith.constant 80 : i32
        %mul3A_177 = arith.muli %sub3A_175, %mul3A_176 : i32
        %add3A_178 = arith.addi %mul3A_2, %mul3A_177 : i32
        %multiple_of3A_179 = tpu.assume_multiple %add3A_178, 8 : i32
        %dma_wait3A_180 = arith.constant 0 : i32
        %dma_wait3A_181 = tpu.memref_slice %arg5[%multiple_of3A_179, %dma_wait3A_180] : memref<320000x64xf32, #tpu.memory_space<hbm>> -> memref<80x64xf32, #tpu.memory_space<hbm>>
        %dma_wait3A_182 = arith.constant 0 : i32
        %dma_wait3A_183 = tpu.memref_slice %arg5[%multiple_of3A_179, %dma_wait3A_182] : memref<320000x64xf32, #tpu.memory_space<hbm>> -> memref<80x64xf32, #tpu.memory_space<hbm>>
        tpu.wait_dma2 semaphore(%arg20 : memref<!tpu.dma_semaphore, #tpu.memory_space<semaphore_mem>>) src(%arg14 : memref<80x64xf32, #tpu.memory_space<vmem>>) dst(%dma_wait3A_183 : memref<80x64xf32, #tpu.memory_space<hbm>>)
      } else {
      }
      %scan3A_118 = arith.constant 0 : i32
      %scan3A_119 = arith.constant 0 : i32
      %scan3A_120 = arith.constant 80 : i32
      %scan3A_121 = arith.addi %scan3A_119, %scan3A_120 : i32
      %scan3A_122 = arith.constant 1 : i32
      scf.for %scan3A_175 = %scan3A_119 to %scan3A_121 step %scan3A_122  : i32 {
        %get3A = arith.index_cast %scan3A_175 : i32 to index
        %get3A_176 = arith.constant 0 : index
        %get3A_177 = tpu.vector_load %arg10[%get3A, %get3A_176] {strides = array<i32>} : memref<80x128xf32, #tpu.memory_space<vmem>>, vector<1x16xf32>,
        %get3A_178 = vector.shape_cast %get3A_177 : vector<1x16xf32> to vector<16xf32>
        %get3A_179 = arith.index_cast %scan3A_175 : i32 to index
        %get3A_180 = arith.constant 64 : index
        %get3A_181 = tpu.vector_load %arg12[%get3A_179, %get3A_180] {strides = array<i32>} : memref<80x128xf32, #tpu.memory_space<vmem>>, vector<1x16xf32>,
        %get3A_182 = vector.shape_cast %get3A_181 : vector<1x16xf32> to vector<16xf32>
        %add3A_183 = arith.addf %get3A_178, %get3A_182 : vector<16xf32>
        %swap3A = arith.index_cast %scan3A_175 : i32 to index
        %swap3A_184 = arith.constant 0 : index
        %swap3A_185 = tpu.vector_load %arg14[%swap3A, %swap3A_184] {strides = array<i32>} : memref<80x64xf32, #tpu.memory_space<vmem>>, vector<1x16xf32>,
        %swap3A_186 = vector.shape_cast %swap3A_185 : vector<1x16xf32> to vector<16xf32>
        %swap3A_187 = vector.shape_cast %add3A_183 : vector<16xf32> to vector<1x16xf32>
        tpu.vector_store %arg14[%swap3A, %swap3A_184], %swap3A_187 {strides = array<i32>} : memref<80x64xf32, #tpu.memory_space<vmem>>, vector<1x16xf32>,
        %get3A_188 = arith.index_cast %scan3A_175 : i32 to index
        %get3A_189 = arith.constant 16 : index
        %get3A_190 = tpu.vector_load %arg10[%get3A_188, %get3A_189] {strides = array<i32>} : memref<80x128xf32, #tpu.memory_space<vmem>>, vector<1x16xf32>,
        %get3A_191 = vector.shape_cast %get3A_190 : vector<1x16xf32> to vector<16xf32>
        %get3A_192 = arith.index_cast %scan3A_175 : i32 to index
        %get3A_193 = arith.constant 80 : index
        %get3A_194 = tpu.vector_load %arg12[%get3A_192, %get3A_193] {strides = array<i32>} : memref<80x128xf32, #tpu.memory_space<vmem>>, vector<1x16xf32>,
        %get3A_195 = vector.shape_cast %get3A_194 : vector<1x16xf32> to vector<16xf32>
        %add3A_196 = arith.addf %get3A_191, %get3A_195 : vector<16xf32>
        %swap3A_197 = arith.index_cast %scan3A_175 : i32 to index
        %swap3A_198 = arith.constant 16 : index
        %swap3A_199 = tpu.vector_load %arg14[%swap3A_197, %swap3A_198] {strides = array<i32>} : memref<80x64xf32, #tpu.memory_space<vmem>>, vector<1x16xf32>,
        %swap3A_200 = vector.shape_cast %swap3A_199 : vector<1x16xf32> to vector<16xf32>
        %swap3A_201 = vector.shape_cast %add3A_196 : vector<16xf32> to vector<1x16xf32>
        tpu.vector_store %arg14[%swap3A_197, %swap3A_198], %swap3A_201 {strides = array<i32>} : memref<80x64xf32, #tpu.memory_space<vmem>>, vector<1x16xf32>,
        %get3A_202 = arith.index_cast %scan3A_175 : i32 to index
        %get3A_203 = arith.constant 32 : index
        %get3A_204 = tpu.vector_load %arg10[%get3A_202, %get3A_203] {strides = array<i32>} : memref<80x128xf32, #tpu.memory_space<vmem>>, vector<1x16xf32>,
        %get3A_205 = vector.shape_cast %get3A_204 : vector<1x16xf32> to vector<16xf32>
        %get3A_206 = arith.index_cast %scan3A_175 : i32 to index
        %get3A_207 = arith.constant 96 : index
        %get3A_208 = tpu.vector_load %arg12[%get3A_206, %get3A_207] {strides = array<i32>} : memref<80x128xf32, #tpu.memory_space<vmem>>, vector<1x16xf32>,
        %get3A_209 = vector.shape_cast %get3A_208 : vector<1x16xf32> to vector<16xf32>
        %add3A_210 = arith.addf %get3A_205, %get3A_209 : vector<16xf32>
        %swap3A_211 = arith.index_cast %scan3A_175 : i32 to index
        %swap3A_212 = arith.constant 32 : index
        %swap3A_213 = tpu.vector_load %arg14[%swap3A_211, %swap3A_212] {strides = array<i32>} : memref<80x64xf32, #tpu.memory_space<vmem>>, vector<1x16xf32>,
        %swap3A_214 = vector.shape_cast %swap3A_213 : vector<1x16xf32> to vector<16xf32>
        %swap3A_215 = vector.shape_cast %add3A_210 : vector<16xf32> to vector<1x16xf32>
        tpu.vector_store %arg14[%swap3A_211, %swap3A_212], %swap3A_215 {strides = array<i32>} : memref<80x64xf32, #tpu.memory_space<vmem>>, vector<1x16xf32>,
        %get3A_216 = arith.index_cast %scan3A_175 : i32 to index
        %get3A_217 = arith.constant 48 : index
        %get3A_218 = tpu.vector_load %arg10[%get3A_216, %get3A_217] {strides = array<i32>} : memref<80x128xf32, #tpu.memory_space<vmem>>, vector<1x16xf32>,
        %get3A_219 = vector.shape_cast %get3A_218 : vector<1x16xf32> to vector<16xf32>
        %get3A_220 = arith.index_cast %scan3A_175 : i32 to index
        %get3A_221 = arith.constant 112 : index
        %get3A_222 = tpu.vector_load %arg12[%get3A_220, %get3A_221] {strides = array<i32>} : memref<80x128xf32, #tpu.memory_space<vmem>>, vector<1x16xf32>,
        %get3A_223 = vector.shape_cast %get3A_222 : vector<1x16xf32> to vector<16xf32>
        %add3A_224 = arith.addf %get3A_219, %get3A_223 : vector<16xf32>
        %swap3A_225 = arith.index_cast %scan3A_175 : i32 to index
        %swap3A_226 = arith.constant 48 : index
        %swap3A_227 = tpu.vector_load %arg14[%swap3A_225, %swap3A_226] {strides = array<i32>} : memref<80x64xf32, #tpu.memory_space<vmem>>, vector<1x16xf32>,
        %swap3A_228 = vector.shape_cast %swap3A_227 : vector<1x16xf32> to vector<16xf32>
        %swap3A_229 = vector.shape_cast %add3A_224 : vector<16xf32> to vector<1x16xf32>
        tpu.vector_store %arg14[%swap3A_225, %swap3A_226], %swap3A_229 {strides = array<i32>} : memref<80x64xf32, #tpu.memory_space<vmem>>, vector<1x16xf32>,
      }
      %scan3A_123 = arith.constant 80 : i32
      %mul3A_124 = arith.constant 80 : i32
      %mul3A_125 = arith.muli %mul3A_83, %mul3A_124 : i32
      %add3A_126 = arith.addi %mul3A_2, %mul3A_125 : i32
      %multiple_of3A_127 = tpu.assume_multiple %add3A_126, 8 : i32
      %dma_start3A_128 = arith.constant 0 : i32
      %dma_start3A_129 = tpu.memref_slice %arg5[%multiple_of3A_127, %dma_start3A_128] : memref<320000x64xf32, #tpu.memory_space<hbm>> -> memref<80x64xf32, #tpu.memory_space<hbm>>
      %dma_start3A_130 = arith.constant 0 : i32
      %dma_start3A_131 = tpu.memref_slice %arg5[%multiple_of3A_127, %dma_start3A_130] : memref<320000x64xf32, #tpu.memory_space<hbm>> -> memref<80x64xf32, #tpu.memory_space<hbm>>
      tpu.enqueue_dma source(%arg14 : memref<80x64xf32, #tpu.memory_space<vmem>>) target(%dma_start3A_131 : memref<80x64xf32, #tpu.memory_space<hbm>>) target_semaphore(%arg20 : memref<!tpu.dma_semaphore, #tpu.memory_space<semaphore_mem>>)
      %add3A_132 = arith.constant 2 : i32
      %add3A_133 = arith.addi %mul3A_83, %add3A_132 : i32
      %lt3A_134 = arith.constant 125 : i32
      %lt3A_135 = arith.cmpi slt, %add3A_133, %lt3A_134 : i32
      %convert_element_type3A_136 = arith.extui %lt3A_135 : i1 to i32
      %cond3A_137 = arith.constant 0 : i32
      %cond3A_138 = arith.cmpi ne, %convert_element_type3A_136, %cond3A_137 : i32
      scf.if %cond3A_138 {
        %add3A_175 = arith.constant 2 : i32
        %add3A_176 = arith.addi %mul3A_83, %add3A_175 : i32
        %mul3A_177 = arith.constant 80 : i32
        %mul3A_178 = arith.muli %add3A_176, %mul3A_177 : i32
        %add3A_179 = arith.addi %mul3A_2, %mul3A_178 : i32
        %multiple_of3A_180 = tpu.assume_multiple %add3A_179, 8 : i32
        %dma_wait3A_181 = tpu.memref_slice %arg3[%multiple_of3A_180] : memref<320000xi32, #tpu.memory_space<hbm>> -> memref<80xi32, #tpu.memory_space<hbm>>
        %dma_wait3A_182 = tpu.memref_slice %arg3[%multiple_of3A_180] : memref<320000xi32, #tpu.memory_space<hbm>> -> memref<80xi32, #tpu.memory_space<hbm>>
        tpu.wait_dma2 semaphore(%arg16 : memref<!tpu.dma_semaphore, #tpu.memory_space<semaphore_mem>>) src(%dma_wait3A_182 : memref<80xi32, #tpu.memory_space<hbm>>) dst(%arg6 : memref<80xi32, #tpu.memory_space<vmem>>)
        %mul3A_183 = arith.constant 80 : i32
        %mul3A_184 = arith.muli %add3A_176, %mul3A_183 : i32
        %add3A_185 = arith.addi %mul3A_2, %mul3A_184 : i32
        %multiple_of3A_186 = tpu.assume_multiple %add3A_185, 8 : i32
        %dma_wait3A_187 = tpu.memref_slice %arg4[%multiple_of3A_186] : memref<320000xi32, #tpu.memory_space<hbm>> -> memref<80xi32, #tpu.memory_space<hbm>>
        %dma_wait3A_188 = tpu.memref_slice %arg4[%multiple_of3A_186] : memref<320000xi32, #tpu.memory_space<hbm>> -> memref<80xi32, #tpu.memory_space<hbm>>
        tpu.wait_dma2 semaphore(%arg16 : memref<!tpu.dma_semaphore, #tpu.memory_space<semaphore_mem>>) src(%dma_wait3A_188 : memref<80xi32, #tpu.memory_space<hbm>>) dst(%arg8 : memref<80xi32, #tpu.memory_space<vmem>>)
        %dma_start3A_189 = arith.constant 0 : i32
        %dma_start3A_190 = arith.constant 0 : i32
        %dma_start3A_191 = tpu.memref_slice %arg2[%dma_start3A_189, %dma_start3A_190] : memref<10000x128xf32, #tpu.memory_space<hbm>> -> memref<10000x128xf32, #tpu.memory_space<hbm>>
        tpu.enqueue_indirect_dma source(%dma_start3A_191 : memref<10000x128xf32, #tpu.memory_space<hbm>>) target(%arg10 : memref<80x128xf32, #tpu.memory_space<vmem>>) offsets(%arg6 : memref<80xi32, #tpu.memory_space<vmem>>) semaphore(%arg18 : memref<!tpu.dma_semaphore, #tpu.memory_space<semaphore_mem>>)
        %dma_start3A_192 = arith.constant 0 : i32
        %dma_start3A_193 = arith.constant 0 : i32
        %dma_start3A_194 = tpu.memref_slice %arg2[%dma_start3A_192, %dma_start3A_193] : memref<10000x128xf32, #tpu.memory_space<hbm>> -> memref<10000x128xf32, #tpu.memory_space<hbm>>
        tpu.enqueue_indirect_dma source(%dma_start3A_194 : memref<10000x128xf32, #tpu.memory_space<hbm>>) target(%arg12 : memref<80x128xf32, #tpu.memory_space<vmem>>) offsets(%arg8 : memref<80xi32, #tpu.memory_space<vmem>>) semaphore(%arg18 : memref<!tpu.dma_semaphore, #tpu.memory_space<semaphore_mem>>)
      } else {
      }
      %add3A_139 = arith.constant 1 : i32
      %add3A_140 = arith.addi %mul3A_83, %add3A_139 : i32
      %dma_wait3A_141 = arith.constant 0 : i32
      %dma_wait3A_142 = arith.constant 0 : i32
      %dma_wait3A_143 = tpu.memref_slice %arg2[%dma_wait3A_141, %dma_wait3A_142] : memref<10000x128xf32, #tpu.memory_space<hbm>> -> memref<10000x128xf32, #tpu.memory_space<hbm>>
      tpu.wait_indirect_dma semaphore(%arg19 : memref<!tpu.dma_semaphore, #tpu.memory_space<semaphore_mem>>) src(%dma_wait3A_143 : memref<10000x128xf32, #tpu.memory_space<hbm>>) dst(%arg11 : memref<80x128xf32, #tpu.memory_space<vmem>>)
      %dma_wait3A_144 = arith.constant 0 : i32
      %dma_wait3A_145 = arith.constant 0 : i32
      %dma_wait3A_146 = tpu.memref_slice %arg2[%dma_wait3A_144, %dma_wait3A_145] : memref<10000x128xf32, #tpu.memory_space<hbm>> -> memref<10000x128xf32, #tpu.memory_space<hbm>>
      tpu.wait_indirect_dma semaphore(%arg19 : memref<!tpu.dma_semaphore, #tpu.memory_space<semaphore_mem>>) src(%dma_wait3A_146 : memref<10000x128xf32, #tpu.memory_space<hbm>>) dst(%arg13 : memref<80x128xf32, #tpu.memory_space<vmem>>)
      %add3A_147 = arith.constant 3 : i32
      %add3A_148 = arith.addi %mul3A_83, %add3A_147 : i32
      %lt3A_149 = arith.constant 125 : i32
      %lt3A_150 = arith.cmpi slt, %add3A_148, %lt3A_149 : i32
      %convert_element_type3A_151 = arith.extui %lt3A_150 : i1 to i32
      %cond3A_152 = arith.constant 0 : i32
      %cond3A_153 = arith.cmpi ne, %convert_element_type3A_151, %cond3A_152 : i32
      scf.if %cond3A_153 {
        %add3A_175 = arith.constant 3 : i32
        %add3A_176 = arith.addi %mul3A_83, %add3A_175 : i32
        %mul3A_177 = arith.constant 80 : i32
        %mul3A_178 = arith.muli %add3A_176, %mul3A_177 : i32
        %add3A_179 = arith.addi %mul3A_2, %mul3A_178 : i32
        %multiple_of3A_180 = tpu.assume_multiple %add3A_179, 8 : i32
        %dma_start3A_181 = tpu.memref_slice %arg3[%multiple_of3A_180] : memref<320000xi32, #tpu.memory_space<hbm>> -> memref<80xi32, #tpu.memory_space<hbm>>
        %dma_start3A_182 = tpu.memref_slice %arg3[%multiple_of3A_180] : memref<320000xi32, #tpu.memory_space<hbm>> -> memref<80xi32, #tpu.memory_space<hbm>>
        tpu.enqueue_dma source(%dma_start3A_182 : memref<80xi32, #tpu.memory_space<hbm>>) target(%arg7 : memref<80xi32, #tpu.memory_space<vmem>>) target_semaphore(%arg17 : memref<!tpu.dma_semaphore, #tpu.memory_space<semaphore_mem>>)
        %mul3A_183 = arith.constant 80 : i32
        %mul3A_184 = arith.muli %add3A_176, %mul3A_183 : i32
        %add3A_185 = arith.addi %mul3A_2, %mul3A_184 : i32
        %multiple_of3A_186 = tpu.assume_multiple %add3A_185, 8 : i32
        %dma_start3A_187 = tpu.memref_slice %arg4[%multiple_of3A_186] : memref<320000xi32, #tpu.memory_space<hbm>> -> memref<80xi32, #tpu.memory_space<hbm>>
        %dma_start3A_188 = tpu.memref_slice %arg4[%multiple_of3A_186] : memref<320000xi32, #tpu.memory_space<hbm>> -> memref<80xi32, #tpu.memory_space<hbm>>
        tpu.enqueue_dma source(%dma_start3A_188 : memref<80xi32, #tpu.memory_space<hbm>>) target(%arg9 : memref<80xi32, #tpu.memory_space<vmem>>) target_semaphore(%arg17 : memref<!tpu.dma_semaphore, #tpu.memory_space<semaphore_mem>>)
      } else {
      }
      %add3A_154 = arith.constant 1 : i32
      %add3A_155 = arith.addi %mul3A_83, %add3A_154 : i32
      %ge3A_156 = arith.constant 2 : i32
      %ge3A_157 = arith.cmpi sge, %add3A_155, %ge3A_156 : i32
      %convert_element_type3A_158 = arith.extui %ge3A_157 : i1 to i32
      %cond3A_159 = arith.constant 0 : i32
      %cond3A_160 = arith.cmpi ne, %convert_element_type3A_158, %cond3A_159 : i32
      scf.if %cond3A_160 {
        %sub3A = arith.constant 2 : i32
        %sub3A_175 = arith.subi %add3A_155, %sub3A : i32
        %mul3A_176 = arith.constant 80 : i32
        %mul3A_177 = arith.muli %sub3A_175, %mul3A_176 : i32
        %add3A_178 = arith.addi %mul3A_2, %mul3A_177 : i32
        %multiple_of3A_179 = tpu.assume_multiple %add3A_178, 8 : i32
        %dma_wait3A_180 = arith.constant 0 : i32
        %dma_wait3A_181 = tpu.memref_slice %arg5[%multiple_of3A_179, %dma_wait3A_180] : memref<320000x64xf32, #tpu.memory_space<hbm>> -> memref<80x64xf32, #tpu.memory_space<hbm>>
        %dma_wait3A_182 = arith.constant 0 : i32
        %dma_wait3A_183 = tpu.memref_slice %arg5[%multiple_of3A_179, %dma_wait3A_182] : memref<320000x64xf32, #tpu.memory_space<hbm>> -> memref<80x64xf32, #tpu.memory_space<hbm>>
        tpu.wait_dma2 semaphore(%arg21 : memref<!tpu.dma_semaphore, #tpu.memory_space<semaphore_mem>>) src(%arg15 : memref<80x64xf32, #tpu.memory_space<vmem>>) dst(%dma_wait3A_183 : memref<80x64xf32, #tpu.memory_space<hbm>>)
      } else {
      }
      %scan3A_161 = arith.constant 0 : i32
      %scan3A_162 = arith.constant 0 : i32
      %scan3A_163 = arith.constant 80 : i32
      %scan3A_164 = arith.addi %scan3A_162, %scan3A_163 : i32
      %scan3A_165 = arith.constant 1 : i32
      scf.for %scan3A_175 = %scan3A_162 to %scan3A_164 step %scan3A_165  : i32 {
        %get3A = arith.index_cast %scan3A_175 : i32 to index
        %get3A_176 = arith.constant 0 : index
        %get3A_177 = tpu.vector_load %arg11[%get3A, %get3A_176] {strides = array<i32>} : memref<80x128xf32, #tpu.memory_space<vmem>>, vector<1x16xf32>,
        %get3A_178 = vector.shape_cast %get3A_177 : vector<1x16xf32> to vector<16xf32>
        %get3A_179 = arith.index_cast %scan3A_175 : i32 to index
        %get3A_180 = arith.constant 64 : index
        %get3A_181 = tpu.vector_load %arg13[%get3A_179, %get3A_180] {strides = array<i32>} : memref<80x128xf32, #tpu.memory_space<vmem>>, vector<1x16xf32>,
        %get3A_182 = vector.shape_cast %get3A_181 : vector<1x16xf32> to vector<16xf32>
        %add3A_183 = arith.addf %get3A_178, %get3A_182 : vector<16xf32>
        %swap3A = arith.index_cast %scan3A_175 : i32 to index
        %swap3A_184 = arith.constant 0 : index
        %swap3A_185 = tpu.vector_load %arg15[%swap3A, %swap3A_184] {strides = array<i32>} : memref<80x64xf32, #tpu.memory_space<vmem>>, vector<1x16xf32>,
        %swap3A_186 = vector.shape_cast %swap3A_185 : vector<1x16xf32> to vector<16xf32>
        %swap3A_187 = vector.shape_cast %add3A_183 : vector<16xf32> to vector<1x16xf32>
        tpu.vector_store %arg15[%swap3A, %swap3A_184], %swap3A_187 {strides = array<i32>} : memref<80x64xf32, #tpu.memory_space<vmem>>, vector<1x16xf32>,
        %get3A_188 = arith.index_cast %scan3A_175 : i32 to index
        %get3A_189 = arith.constant 16 : index
        %get3A_190 = tpu.vector_load %arg11[%get3A_188, %get3A_189] {strides = array<i32>} : memref<80x128xf32, #tpu.memory_space<vmem>>, vector<1x16xf32>,
        %get3A_191 = vector.shape_cast %get3A_190 : vector<1x16xf32> to vector<16xf32>
        %get3A_192 = arith.index_cast %scan3A_175 : i32 to index
        %get3A_193 = arith.constant 80 : index
        %get3A_194 = tpu.vector_load %arg13[%get3A_192, %get3A_193] {strides = array<i32>} : memref<80x128xf32, #tpu.memory_space<vmem>>, vector<1x16xf32>,
        %get3A_195 = vector.shape_cast %get3A_194 : vector<1x16xf32> to vector<16xf32>
        %add3A_196 = arith.addf %get3A_191, %get3A_195 : vector<16xf32>
        %swap3A_197 = arith.index_cast %scan3A_175 : i32 to index
        %swap3A_198 = arith.constant 16 : index
        %swap3A_199 = tpu.vector_load %arg15[%swap3A_197, %swap3A_198] {strides = array<i32>} : memref<80x64xf32, #tpu.memory_space<vmem>>, vector<1x16xf32>,
        %swap3A_200 = vector.shape_cast %swap3A_199 : vector<1x16xf32> to vector<16xf32>
        %swap3A_201 = vector.shape_cast %add3A_196 : vector<16xf32> to vector<1x16xf32>
        tpu.vector_store %arg15[%swap3A_197, %swap3A_198], %swap3A_201 {strides = array<i32>} : memref<80x64xf32, #tpu.memory_space<vmem>>, vector<1x16xf32>,
        %get3A_202 = arith.index_cast %scan3A_175 : i32 to index
        %get3A_203 = arith.constant 32 : index
        %get3A_204 = tpu.vector_load %arg11[%get3A_202, %get3A_203] {strides = array<i32>} : memref<80x128xf32, #tpu.memory_space<vmem>>, vector<1x16xf32>,
        %get3A_205 = vector.shape_cast %get3A_204 : vector<1x16xf32> to vector<16xf32>
        %get3A_206 = arith.index_cast %scan3A_175 : i32 to index
        %get3A_207 = arith.constant 96 : index
        %get3A_208 = tpu.vector_load %arg13[%get3A_206, %get3A_207] {strides = array<i32>} : memref<80x128xf32, #tpu.memory_space<vmem>>, vector<1x16xf32>,
        %get3A_209 = vector.shape_cast %get3A_208 : vector<1x16xf32> to vector<16xf32>
        %add3A_210 = arith.addf %get3A_205, %get3A_209 : vector<16xf32>
        %swap3A_211 = arith.index_cast %scan3A_175 : i32 to index
        %swap3A_212 = arith.constant 32 : index
        %swap3A_213 = tpu.vector_load %arg15[%swap3A_211, %swap3A_212] {strides = array<i32>} : memref<80x64xf32, #tpu.memory_space<vmem>>, vector<1x16xf32>,
        %swap3A_214 = vector.shape_cast %swap3A_213 : vector<1x16xf32> to vector<16xf32>
        %swap3A_215 = vector.shape_cast %add3A_210 : vector<16xf32> to vector<1x16xf32>
        tpu.vector_store %arg15[%swap3A_211, %swap3A_212], %swap3A_215 {strides = array<i32>} : memref<80x64xf32, #tpu.memory_space<vmem>>, vector<1x16xf32>,
        %get3A_216 = arith.index_cast %scan3A_175 : i32 to index
        %get3A_217 = arith.constant 48 : index
        %get3A_218 = tpu.vector_load %arg11[%get3A_216, %get3A_217] {strides = array<i32>} : memref<80x128xf32, #tpu.memory_space<vmem>>, vector<1x16xf32>,
        %get3A_219 = vector.shape_cast %get3A_218 : vector<1x16xf32> to vector<16xf32>
        %get3A_220 = arith.index_cast %scan3A_175 : i32 to index
        %get3A_221 = arith.constant 112 : index
        %get3A_222 = tpu.vector_load %arg13[%get3A_220, %get3A_221] {strides = array<i32>} : memref<80x128xf32, #tpu.memory_space<vmem>>, vector<1x16xf32>,
        %get3A_223 = vector.shape_cast %get3A_222 : vector<1x16xf32> to vector<16xf32>
        %add3A_224 = arith.addf %get3A_219, %get3A_223 : vector<16xf32>
        %swap3A_225 = arith.index_cast %scan3A_175 : i32 to index
        %swap3A_226 = arith.constant 48 : index
        %swap3A_227 = tpu.vector_load %arg15[%swap3A_225, %swap3A_226] {strides = array<i32>} : memref<80x64xf32, #tpu.memory_space<vmem>>, vector<1x16xf32>,
        %swap3A_228 = vector.shape_cast %swap3A_227 : vector<1x16xf32> to vector<16xf32>
        %swap3A_229 = vector.shape_cast %add3A_224 : vector<16xf32> to vector<1x16xf32>
        tpu.vector_store %arg15[%swap3A_225, %swap3A_226], %swap3A_229 {strides = array<i32>} : memref<80x64xf32, #tpu.memory_space<vmem>>, vector<1x16xf32>,
      }
      %scan3A_166 = arith.constant 80 : i32
      %mul3A_167 = arith.constant 80 : i32
      %mul3A_168 = arith.muli %add3A_155, %mul3A_167 : i32
      %add3A_169 = arith.addi %mul3A_2, %mul3A_168 : i32
      %multiple_of3A_170 = tpu.assume_multiple %add3A_169, 8 : i32
      %dma_start3A_171 = arith.constant 0 : i32
      %dma_start3A_172 = tpu.memref_slice %arg5[%multiple_of3A_170, %dma_start3A_171] : memref<320000x64xf32, #tpu.memory_space<hbm>> -> memref<80x64xf32, #tpu.memory_space<hbm>>
      %dma_start3A_173 = arith.constant 0 : i32
      %dma_start3A_174 = tpu.memref_slice %arg5[%multiple_of3A_170, %dma_start3A_173] : memref<320000x64xf32, #tpu.memory_space<hbm>> -> memref<80x64xf32, #tpu.memory_space<hbm>>
      tpu.enqueue_dma source(%arg15 : memref<80x64xf32, #tpu.memory_space<vmem>>) target(%dma_start3A_174 : memref<80x64xf32, #tpu.memory_space<hbm>>) target_semaphore(%arg21 : memref<!tpu.dma_semaphore, #tpu.memory_space<semaphore_mem>>)
    }
    %scan3A_40 = arith.constant 62 : i32
    %dma_wait3A_41 = arith.constant 0 : i32
    %dma_wait3A_42 = arith.constant 0 : i32
    %dma_wait3A_43 = tpu.memref_slice %arg2[%dma_wait3A_41, %dma_wait3A_42] : memref<10000x128xf32, #tpu.memory_space<hbm>> -> memref<10000x128xf32, #tpu.memory_space<hbm>>
    tpu.wait_indirect_dma semaphore(%arg18 : memref<!tpu.dma_semaphore, #tpu.memory_space<semaphore_mem>>) src(%dma_wait3A_43 : memref<10000x128xf32, #tpu.memory_space<hbm>>) dst(%arg10 : memref<80x128xf32, #tpu.memory_space<vmem>>)
    %dma_wait3A_44 = arith.constant 0 : i32
    %dma_wait3A_45 = arith.constant 0 : i32
    %dma_wait3A_46 = tpu.memref_slice %arg2[%dma_wait3A_44, %dma_wait3A_45] : memref<10000x128xf32, #tpu.memory_space<hbm>> -> memref<10000x128xf32, #tpu.memory_space<hbm>>
    tpu.wait_indirect_dma semaphore(%arg18 : memref<!tpu.dma_semaphore, #tpu.memory_space<semaphore_mem>>) src(%dma_wait3A_46 : memref<10000x128xf32, #tpu.memory_space<hbm>>) dst(%arg12 : memref<80x128xf32, #tpu.memory_space<vmem>>)
    %add3A_47 = arith.constant 9760 : i32
    %add3A_48 = arith.addi %mul3A_2, %add3A_47 : i32
    %multiple_of3A_49 = tpu.assume_multiple %add3A_48, 8 : i32
    %dma_wait3A_50 = arith.constant 0 : i32
    %dma_wait3A_51 = tpu.memref_slice %arg5[%multiple_of3A_49, %dma_wait3A_50] : memref<320000x64xf32, #tpu.memory_space<hbm>> -> memref<80x64xf32, #tpu.memory_space<hbm>>
    %dma_wait3A_52 = arith.constant 0 : i32
    %dma_wait3A_53 = tpu.memref_slice %arg5[%multiple_of3A_49, %dma_wait3A_52] : memref<320000x64xf32, #tpu.memory_space<hbm>> -> memref<80x64xf32, #tpu.memory_space<hbm>>
    tpu.wait_dma2 semaphore(%arg20 : memref<!tpu.dma_semaphore, #tpu.memory_space<semaphore_mem>>) src(%arg14 : memref<80x64xf32, #tpu.memory_space<vmem>>) dst(%dma_wait3A_53 : memref<80x64xf32, #tpu.memory_space<hbm>>)
    %scan3A_54 = arith.constant 0 : i32
    %scan3A_55 = arith.constant 0 : i32
    %scan3A_56 = arith.constant 80 : i32
    %scan3A_57 = arith.addi %scan3A_55, %scan3A_56 : i32
    %scan3A_58 = arith.constant 1 : i32
    scf.for %scan3A_81 = %scan3A_55 to %scan3A_57 step %scan3A_58  : i32 {
      %get3A = arith.index_cast %scan3A_81 : i32 to index
      %get3A_82 = arith.constant 0 : index
      %get3A_83 = tpu.vector_load %arg10[%get3A, %get3A_82] {strides = array<i32>} : memref<80x128xf32, #tpu.memory_space<vmem>>, vector<1x16xf32>,
      %get3A_84 = vector.shape_cast %get3A_83 : vector<1x16xf32> to vector<16xf32>
      %get3A_85 = arith.index_cast %scan3A_81 : i32 to index
      %get3A_86 = arith.constant 64 : index
      %get3A_87 = tpu.vector_load %arg12[%get3A_85, %get3A_86] {strides = array<i32>} : memref<80x128xf32, #tpu.memory_space<vmem>>, vector<1x16xf32>,
      %get3A_88 = vector.shape_cast %get3A_87 : vector<1x16xf32> to vector<16xf32>
      %add3A_89 = arith.addf %get3A_84, %get3A_88 : vector<16xf32>
      %swap3A = arith.index_cast %scan3A_81 : i32 to index
      %swap3A_90 = arith.constant 0 : index
      %swap3A_91 = tpu.vector_load %arg14[%swap3A, %swap3A_90] {strides = array<i32>} : memref<80x64xf32, #tpu.memory_space<vmem>>, vector<1x16xf32>,
      %swap3A_92 = vector.shape_cast %swap3A_91 : vector<1x16xf32> to vector<16xf32>
      %swap3A_93 = vector.shape_cast %add3A_89 : vector<16xf32> to vector<1x16xf32>
      tpu.vector_store %arg14[%swap3A, %swap3A_90], %swap3A_93 {strides = array<i32>} : memref<80x64xf32, #tpu.memory_space<vmem>>, vector<1x16xf32>,
      %get3A_94 = arith.index_cast %scan3A_81 : i32 to index
      %get3A_95 = arith.constant 16 : index
      %get3A_96 = tpu.vector_load %arg10[%get3A_94, %get3A_95] {strides = array<i32>} : memref<80x128xf32, #tpu.memory_space<vmem>>, vector<1x16xf32>,
      %get3A_97 = vector.shape_cast %get3A_96 : vector<1x16xf32> to vector<16xf32>
      %get3A_98 = arith.index_cast %scan3A_81 : i32 to index
      %get3A_99 = arith.constant 80 : index
      %get3A_100 = tpu.vector_load %arg12[%get3A_98, %get3A_99] {strides = array<i32>} : memref<80x128xf32, #tpu.memory_space<vmem>>, vector<1x16xf32>,
      %get3A_101 = vector.shape_cast %get3A_100 : vector<1x16xf32> to vector<16xf32>
      %add3A_102 = arith.addf %get3A_97, %get3A_101 : vector<16xf32>
      %swap3A_103 = arith.index_cast %scan3A_81 : i32 to index
      %swap3A_104 = arith.constant 16 : index
      %swap3A_105 = tpu.vector_load %arg14[%swap3A_103, %swap3A_104] {strides = array<i32>} : memref<80x64xf32, #tpu.memory_space<vmem>>, vector<1x16xf32>,
      %swap3A_106 = vector.shape_cast %swap3A_105 : vector<1x16xf32> to vector<16xf32>
      %swap3A_107 = vector.shape_cast %add3A_102 : vector<16xf32> to vector<1x16xf32>
      tpu.vector_store %arg14[%swap3A_103, %swap3A_104], %swap3A_107 {strides = array<i32>} : memref<80x64xf32, #tpu.memory_space<vmem>>, vector<1x16xf32>,
      %get3A_108 = arith.index_cast %scan3A_81 : i32 to index
      %get3A_109 = arith.constant 32 : index
      %get3A_110 = tpu.vector_load %arg10[%get3A_108, %get3A_109] {strides = array<i32>} : memref<80x128xf32, #tpu.memory_space<vmem>>, vector<1x16xf32>,
      %get3A_111 = vector.shape_cast %get3A_110 : vector<1x16xf32> to vector<16xf32>
      %get3A_112 = arith.index_cast %scan3A_81 : i32 to index
      %get3A_113 = arith.constant 96 : index
      %get3A_114 = tpu.vector_load %arg12[%get3A_112, %get3A_113] {strides = array<i32>} : memref<80x128xf32, #tpu.memory_space<vmem>>, vector<1x16xf32>,
      %get3A_115 = vector.shape_cast %get3A_114 : vector<1x16xf32> to vector<16xf32>
      %add3A_116 = arith.addf %get3A_111, %get3A_115 : vector<16xf32>
      %swap3A_117 = arith.index_cast %scan3A_81 : i32 to index
      %swap3A_118 = arith.constant 32 : index
      %swap3A_119 = tpu.vector_load %arg14[%swap3A_117, %swap3A_118] {strides = array<i32>} : memref<80x64xf32, #tpu.memory_space<vmem>>, vector<1x16xf32>,
      %swap3A_120 = vector.shape_cast %swap3A_119 : vector<1x16xf32> to vector<16xf32>
      %swap3A_121 = vector.shape_cast %add3A_116 : vector<16xf32> to vector<1x16xf32>
      tpu.vector_store %arg14[%swap3A_117, %swap3A_118], %swap3A_121 {strides = array<i32>} : memref<80x64xf32, #tpu.memory_space<vmem>>, vector<1x16xf32>,
      %get3A_122 = arith.index_cast %scan3A_81 : i32 to index
      %get3A_123 = arith.constant 48 : index
      %get3A_124 = tpu.vector_load %arg10[%get3A_122, %get3A_123] {strides = array<i32>} : memref<80x128xf32, #tpu.memory_space<vmem>>, vector<1x16xf32>,
      %get3A_125 = vector.shape_cast %get3A_124 : vector<1x16xf32> to vector<16xf32>
      %get3A_126 = arith.index_cast %scan3A_81 : i32 to index
      %get3A_127 = arith.constant 112 : index
      %get3A_128 = tpu.vector_load %arg12[%get3A_126, %get3A_127] {strides = array<i32>} : memref<80x128xf32, #tpu.memory_space<vmem>>, vector<1x16xf32>,
      %get3A_129 = vector.shape_cast %get3A_128 : vector<1x16xf32> to vector<16xf32>
      %add3A_130 = arith.addf %get3A_125, %get3A_129 : vector<16xf32>
      %swap3A_131 = arith.index_cast %scan3A_81 : i32 to index
      %swap3A_132 = arith.constant 48 : index
      %swap3A_133 = tpu.vector_load %arg14[%swap3A_131, %swap3A_132] {strides = array<i32>} : memref<80x64xf32, #tpu.memory_space<vmem>>, vector<1x16xf32>,
      %swap3A_134 = vector.shape_cast %swap3A_133 : vector<1x16xf32> to vector<16xf32>
      %swap3A_135 = vector.shape_cast %add3A_130 : vector<16xf32> to vector<1x16xf32>
      tpu.vector_store %arg14[%swap3A_131, %swap3A_132], %swap3A_135 {strides = array<i32>} : memref<80x64xf32, #tpu.memory_space<vmem>>, vector<1x16xf32>,
    }
    %scan3A_59 = arith.constant 80 : i32
    %add3A_60 = arith.constant 9920 : i32
    %add3A_61 = arith.addi %mul3A_2, %add3A_60 : i32
    %multiple_of3A_62 = tpu.assume_multiple %add3A_61, 8 : i32
    %dma_start3A_63 = arith.constant 0 : i32
    %dma_start3A_64 = tpu.memref_slice %arg5[%multiple_of3A_62, %dma_start3A_63] : memref<320000x64xf32, #tpu.memory_space<hbm>> -> memref<80x64xf32, #tpu.memory_space<hbm>>
    %dma_start3A_65 = arith.constant 0 : i32
    %dma_start3A_66 = tpu.memref_slice %arg5[%multiple_of3A_62, %dma_start3A_65] : memref<320000x64xf32, #tpu.memory_space<hbm>> -> memref<80x64xf32, #tpu.memory_space<hbm>>
    tpu.enqueue_dma source(%arg14 : memref<80x64xf32, #tpu.memory_space<vmem>>) target(%dma_start3A_66 : memref<80x64xf32, #tpu.memory_space<hbm>>) target_semaphore(%arg20 : memref<!tpu.dma_semaphore, #tpu.memory_space<semaphore_mem>>)
    %add3A_67 = arith.constant 9920 : i32
    %add3A_68 = arith.addi %mul3A_2, %add3A_67 : i32
    %multiple_of3A_69 = tpu.assume_multiple %add3A_68, 8 : i32
    %dma_wait3A_70 = arith.constant 0 : i32
    %dma_wait3A_71 = tpu.memref_slice %arg5[%multiple_of3A_69, %dma_wait3A_70] : memref<320000x64xf32, #tpu.memory_space<hbm>> -> memref<80x64xf32, #tpu.memory_space<hbm>>
    %dma_wait3A_72 = arith.constant 0 : i32
    %dma_wait3A_73 = tpu.memref_slice %arg5[%multiple_of3A_69, %dma_wait3A_72] : memref<320000x64xf32, #tpu.memory_space<hbm>> -> memref<80x64xf32, #tpu.memory_space<hbm>>
    tpu.wait_dma2 semaphore(%arg20 : memref<!tpu.dma_semaphore, #tpu.memory_space<semaphore_mem>>) src(%arg14 : memref<80x64xf32, #tpu.memory_space<vmem>>) dst(%dma_wait3A_73 : memref<80x64xf32, #tpu.memory_space<hbm>>)
    %add3A_74 = arith.constant 9840 : i32
    %add3A_75 = arith.addi %mul3A_2, %add3A_74 : i32
    %multiple_of3A_76 = tpu.assume_multiple %add3A_75, 8 : i32
    %dma_wait3A_77 = arith.constant 0 : i32
    %dma_wait3A_78 = tpu.memref_slice %arg5[%multiple_of3A_76, %dma_wait3A_77] : memref<320000x64xf32, #tpu.memory_space<hbm>> -> memref<80x64xf32, #tpu.memory_space<hbm>>
    %dma_wait3A_79 = arith.constant 0 : i32
    %dma_wait3A_80 = tpu.memref_slice %arg5[%multiple_of3A_76, %dma_wait3A_79] : memref<320000x64xf32, #tpu.memory_space<hbm>> -> memref<80x64xf32, #tpu.memory_space<hbm>>
    tpu.wait_dma2 semaphore(%arg21 : memref<!tpu.dma_semaphore, #tpu.memory_space<semaphore_mem>>) src(%arg15 : memref<80x64xf32, #tpu.memory_space<vmem>>) dst(%dma_wait3A_80 : memref<80x64xf32, #tpu.memory_space<hbm>>)
    return
  }
}

#map = affine_map<(d0, d1) -> (0, 0)>
#map1 = affine_map<(d0, d1) -> (0)>
#map2 = affine_map<(d0, d1) -> (0, 0, 0)>
module attributes {stable_mosaic.version = 14 : i64} {
  func.func @_flux_scatter(%arg0: i32, %arg1: i32, %arg2: memref<10000x128xf32, #tpu.memory_space<hbm>>, %arg3: memref<320000x128xf32, #tpu.memory_space<hbm>>, %arg4: memref<320000xi32, #tpu.memory_space<hbm>>, %arg5: memref<320000xi32, #tpu.memory_space<hbm>>, %arg6: memref<2x10000x128xf32, #tpu.memory_space<hbm>>, %arg7: memref<40xi32, #tpu.memory_space<vmem>>, %arg8: memref<40xi32, #tpu.memory_space<vmem>>, %arg9: memref<40xi32, #tpu.memory_space<vmem>>, %arg10: memref<40xi32, #tpu.memory_space<vmem>>, %arg11: memref<40xi32, #tpu.memory_space<vmem>>, %arg12: memref<40xi32, #tpu.memory_space<vmem>>, %arg13: memref<40x128xf32, #tpu.memory_space<vmem>>, %arg14: memref<40x128xf32, #tpu.memory_space<vmem>>, %arg15: memref<40x128xf32, #tpu.memory_space<vmem>>, %arg16: memref<40x128xf32, #tpu.memory_space<vmem>>, %arg17: memref<40x128xf32, #tpu.memory_space<vmem>>, %arg18: memref<40x128xf32, #tpu.memory_space<vmem>>, %arg19: memref<40x128xf32, #tpu.memory_space<vmem>>, %arg20: memref<40x128xf32, #tpu.memory_space<vmem>>, %arg21: memref<8x128xf32, #tpu.memory_space<vmem>>, %arg22: memref<10000x128xf32, #tpu.memory_space<vmem_shared>>, %arg23: memref<!tpu.dma_semaphore, #tpu.memory_space<semaphore_mem>>, %arg24: memref<!tpu.dma_semaphore, #tpu.memory_space<semaphore_mem>>, %arg25: memref<!tpu.dma_semaphore, #tpu.memory_space<semaphore_mem>>, %arg26: memref<!tpu.dma_semaphore, #tpu.memory_space<semaphore_mem>>, %arg27: memref<!tpu.dma_semaphore, #tpu.memory_space<semaphore_mem>>, %arg28: memref<!tpu.dma_semaphore, #tpu.memory_space<semaphore_mem>>, %arg29: memref<!tpu.dma_semaphore, #tpu.memory_space<semaphore_mem>>, %arg30: memref<!tpu.dma_semaphore, #tpu.memory_space<semaphore_mem>>) attributes {dimension_semantics = [#tpu.dimension_semantics<core_parallel>, #tpu.dimension_semantics<subcore_parallel>], iteration_bounds = array<i64: 2, 16>, scalar_prefetch = 0 : i64, scratch_operands = 24 : i64, tpu.core_type = #tpu.core_type<sc_vector_subcore>, window_params = [{transform_indices = #map}, {transform_indices = #map}, {transform_indices = #map1}, {transform_indices = #map1}, {transform_indices = #map2}]} {
    %mul3A = arith.constant 2 : i32
    %mul3A_0 = arith.muli %arg1, %mul3A : i32
    %add3A = arith.addi %mul3A_0, %arg0 : i32
    %broadcast_in_dim3A = arith.constant 0.000000e+00 : f32
    %broadcast_in_dim3A_1 = vector.broadcast %broadcast_in_dim3A : f32 to vector<16xf32>
    %scan3A = arith.constant 0 : i32
    %scan3A_2 = arith.constant 0 : i32
    %scan3A_3 = arith.constant 8 : i32
    %scan3A_4 = arith.addi %scan3A_2, %scan3A_3 : i32
    %scan3A_5 = arith.constant 1 : i32
    scf.for %scan3A_69 = %scan3A_2 to %scan3A_4 step %scan3A_5  : i32 {
      %swap3A = arith.index_cast %scan3A_69 : i32 to index
      %swap3A_70 = arith.constant 0 : index
      %swap3A_71 = tpu.vector_load %arg21[%swap3A, %swap3A_70] {strides = array<i32>} : memref<8x128xf32, #tpu.memory_space<vmem>>, vector<1x16xf32>,
      %swap3A_72 = vector.shape_cast %swap3A_71 : vector<1x16xf32> to vector<16xf32>
      %swap3A_73 = vector.shape_cast %broadcast_in_dim3A_1 : vector<16xf32> to vector<1x16xf32>
      tpu.vector_store %arg21[%swap3A, %swap3A_70], %swap3A_73 {strides = array<i32>} : memref<8x128xf32, #tpu.memory_space<vmem>>, vector<1x16xf32>,
      %swap3A_74 = arith.index_cast %scan3A_69 : i32 to index
      %swap3A_75 = arith.constant 16 : index
      %swap3A_76 = tpu.vector_load %arg21[%swap3A_74, %swap3A_75] {strides = array<i32>} : memref<8x128xf32, #tpu.memory_space<vmem>>, vector<1x16xf32>,
      %swap3A_77 = vector.shape_cast %swap3A_76 : vector<1x16xf32> to vector<16xf32>
      %swap3A_78 = vector.shape_cast %broadcast_in_dim3A_1 : vector<16xf32> to vector<1x16xf32>
      tpu.vector_store %arg21[%swap3A_74, %swap3A_75], %swap3A_78 {strides = array<i32>} : memref<8x128xf32, #tpu.memory_space<vmem>>, vector<1x16xf32>,
      %swap3A_79 = arith.index_cast %scan3A_69 : i32 to index
      %swap3A_80 = arith.constant 32 : index
      %swap3A_81 = tpu.vector_load %arg21[%swap3A_79, %swap3A_80] {strides = array<i32>} : memref<8x128xf32, #tpu.memory_space<vmem>>, vector<1x16xf32>,
      %swap3A_82 = vector.shape_cast %swap3A_81 : vector<1x16xf32> to vector<16xf32>
      %swap3A_83 = vector.shape_cast %broadcast_in_dim3A_1 : vector<16xf32> to vector<1x16xf32>
      tpu.vector_store %arg21[%swap3A_79, %swap3A_80], %swap3A_83 {strides = array<i32>} : memref<8x128xf32, #tpu.memory_space<vmem>>, vector<1x16xf32>,
      %swap3A_84 = arith.index_cast %scan3A_69 : i32 to index
      %swap3A_85 = arith.constant 48 : index
      %swap3A_86 = tpu.vector_load %arg21[%swap3A_84, %swap3A_85] {strides = array<i32>} : memref<8x128xf32, #tpu.memory_space<vmem>>, vector<1x16xf32>,
      %swap3A_87 = vector.shape_cast %swap3A_86 : vector<1x16xf32> to vector<16xf32>
      %swap3A_88 = vector.shape_cast %broadcast_in_dim3A_1 : vector<16xf32> to vector<1x16xf32>
      tpu.vector_store %arg21[%swap3A_84, %swap3A_85], %swap3A_88 {strides = array<i32>} : memref<8x128xf32, #tpu.memory_space<vmem>>, vector<1x16xf32>,
      %swap3A_89 = arith.index_cast %scan3A_69 : i32 to index
      %swap3A_90 = arith.constant 64 : index
      %swap3A_91 = tpu.vector_load %arg21[%swap3A_89, %swap3A_90] {strides = array<i32>} : memref<8x128xf32, #tpu.memory_space<vmem>>, vector<1x16xf32>,
      %swap3A_92 = vector.shape_cast %swap3A_91 : vector<1x16xf32> to vector<16xf32>
      %swap3A_93 = vector.shape_cast %broadcast_in_dim3A_1 : vector<16xf32> to vector<1x16xf32>
      tpu.vector_store %arg21[%swap3A_89, %swap3A_90], %swap3A_93 {strides = array<i32>} : memref<8x128xf32, #tpu.memory_space<vmem>>, vector<1x16xf32>,
      %swap3A_94 = arith.index_cast %scan3A_69 : i32 to index
      %swap3A_95 = arith.constant 80 : index
      %swap3A_96 = tpu.vector_load %arg21[%swap3A_94, %swap3A_95] {strides = array<i32>} : memref<8x128xf32, #tpu.memory_space<vmem>>, vector<1x16xf32>,
      %swap3A_97 = vector.shape_cast %swap3A_96 : vector<1x16xf32> to vector<16xf32>
      %swap3A_98 = vector.shape_cast %broadcast_in_dim3A_1 : vector<16xf32> to vector<1x16xf32>
      tpu.vector_store %arg21[%swap3A_94, %swap3A_95], %swap3A_98 {strides = array<i32>} : memref<8x128xf32, #tpu.memory_space<vmem>>, vector<1x16xf32>,
      %swap3A_99 = arith.index_cast %scan3A_69 : i32 to index
      %swap3A_100 = arith.constant 96 : index
      %swap3A_101 = tpu.vector_load %arg21[%swap3A_99, %swap3A_100] {strides = array<i32>} : memref<8x128xf32, #tpu.memory_space<vmem>>, vector<1x16xf32>,
      %swap3A_102 = vector.shape_cast %swap3A_101 : vector<1x16xf32> to vector<16xf32>
      %swap3A_103 = vector.shape_cast %broadcast_in_dim3A_1 : vector<16xf32> to vector<1x16xf32>
      tpu.vector_store %arg21[%swap3A_99, %swap3A_100], %swap3A_103 {strides = array<i32>} : memref<8x128xf32, #tpu.memory_space<vmem>>, vector<1x16xf32>,
      %swap3A_104 = arith.index_cast %scan3A_69 : i32 to index
      %swap3A_105 = arith.constant 112 : index
      %swap3A_106 = tpu.vector_load %arg21[%swap3A_104, %swap3A_105] {strides = array<i32>} : memref<8x128xf32, #tpu.memory_space<vmem>>, vector<1x16xf32>,
      %swap3A_107 = vector.shape_cast %swap3A_106 : vector<1x16xf32> to vector<16xf32>
      %swap3A_108 = vector.shape_cast %broadcast_in_dim3A_1 : vector<16xf32> to vector<1x16xf32>
      tpu.vector_store %arg21[%swap3A_104, %swap3A_105], %swap3A_108 {strides = array<i32>} : memref<8x128xf32, #tpu.memory_space<vmem>>, vector<1x16xf32>,
    }
    %scan3A_6 = arith.constant 8 : i32
    %lt3A = arith.constant 10 : i32
    %lt3A_7 = arith.cmpi slt, %arg1, %lt3A : i32
    %convert_element_type3A = arith.extui %lt3A_7 : i1 to i32
    %cond3A = arith.constant 0 : i32
    %cond3A_8 = arith.cmpi ne, %convert_element_type3A, %cond3A : i32
    scf.if %cond3A_8 {
      %scan3A_69 = arith.constant 0 : i32
      %scan3A_70 = arith.constant 0 : i32
      %scan3A_71 = arith.constant 125 : i32
      %scan3A_72 = arith.addi %scan3A_70, %scan3A_71 : i32
      %scan3A_73 = arith.constant 1 : i32
      scf.for %scan3A_75 = %scan3A_70 to %scan3A_72 step %scan3A_73  : i32 {
        %mul3A_76 = arith.constant 1000 : i32
        %mul3A_77 = arith.muli %arg1, %mul3A_76 : i32
        %mul3A_78 = arith.constant 8 : i32
        %mul3A_79 = arith.muli %scan3A_75, %mul3A_78 : i32
        %add3A_80 = arith.addi %mul3A_77, %mul3A_79 : i32
        %multiple_of3A_81 = tpu.assume_multiple %add3A_80, 8 : i32
        "tpu.region"() ({
          %run_scoped3A = tpu.sem_alloc : memref<!tpu.dma_semaphore, #tpu.memory_space<semaphore_mem>>
          %dma_start3A_82 = arith.constant 0 : i32
          %dma_start3A_83 = tpu.memref_slice %arg22[%multiple_of3A_81, %dma_start3A_82] : memref<10000x128xf32, #tpu.memory_space<vmem_shared>> -> memref<8x128xf32, #tpu.memory_space<vmem_shared>>
          %dma_start3A_84 = arith.constant 0 : i32
          %dma_start3A_85 = tpu.memref_slice %arg22[%multiple_of3A_81, %dma_start3A_84] : memref<10000x128xf32, #tpu.memory_space<vmem_shared>> -> memref<8x128xf32, #tpu.memory_space<vmem_shared>>
          tpu.enqueue_dma source(%arg21 : memref<8x128xf32, #tpu.memory_space<vmem>>) target(%dma_start3A_85 : memref<8x128xf32, #tpu.memory_space<vmem_shared>>) target_semaphore(%run_scoped3A : memref<!tpu.dma_semaphore, #tpu.memory_space<semaphore_mem>>)
          %dma_wait3A_86 = arith.constant 0 : i32
          %dma_wait3A_87 = tpu.memref_slice %arg22[%multiple_of3A_81, %dma_wait3A_86] : memref<10000x128xf32, #tpu.memory_space<vmem_shared>> -> memref<8x128xf32, #tpu.memory_space<vmem_shared>>
          %dma_wait3A_88 = arith.constant 0 : i32
          %dma_wait3A_89 = tpu.memref_slice %arg22[%multiple_of3A_81, %dma_wait3A_88] : memref<10000x128xf32, #tpu.memory_space<vmem_shared>> -> memref<8x128xf32, #tpu.memory_space<vmem_shared>>
          tpu.wait_dma2 semaphore(%run_scoped3A : memref<!tpu.dma_semaphore, #tpu.memory_space<semaphore_mem>>) src(%arg21 : memref<8x128xf32, #tpu.memory_space<vmem>>) dst(%dma_wait3A_89 : memref<8x128xf32, #tpu.memory_space<vmem_shared>>)
          tpu.yield
        }) : () -> ()
      }
      %scan3A_74 = arith.constant 125 : i32
    } else {
    }
    %barrier3A = arith.constant 0 : index
    tpu.barrier barrier_id(%barrier3A)
    %mul3A_9 = arith.constant 10000 : i32
    %mul3A_10 = arith.muli %add3A, %mul3A_9 : i32
    %add3A_11 = arith.constant 0 : i32
    %add3A_12 = arith.addi %mul3A_10, %add3A_11 : i32
    %multiple_of3A = tpu.assume_multiple %add3A_12, 8 : i32
    %dma_start3A = tpu.memref_slice %arg4[%multiple_of3A] : memref<320000xi32, #tpu.memory_space<hbm>> -> memref<40xi32, #tpu.memory_space<hbm>>
    %dma_start3A_13 = tpu.memref_slice %arg4[%multiple_of3A] : memref<320000xi32, #tpu.memory_space<hbm>> -> memref<40xi32, #tpu.memory_space<hbm>>
    tpu.enqueue_dma source(%dma_start3A_13 : memref<40xi32, #tpu.memory_space<hbm>>) target(%arg7 : memref<40xi32, #tpu.memory_space<vmem>>) target_semaphore(%arg23 : memref<!tpu.dma_semaphore, #tpu.memory_space<semaphore_mem>>)
    %add3A_14 = arith.constant 0 : i32
    %add3A_15 = arith.addi %mul3A_10, %add3A_14 : i32
    %multiple_of3A_16 = tpu.assume_multiple %add3A_15, 8 : i32
    %dma_start3A_17 = tpu.memref_slice %arg5[%multiple_of3A_16] : memref<320000xi32, #tpu.memory_space<hbm>> -> memref<40xi32, #tpu.memory_space<hbm>>
    %dma_start3A_18 = tpu.memref_slice %arg5[%multiple_of3A_16] : memref<320000xi32, #tpu.memory_space<hbm>> -> memref<40xi32, #tpu.memory_space<hbm>>
    tpu.enqueue_dma source(%dma_start3A_18 : memref<40xi32, #tpu.memory_space<hbm>>) target(%arg9 : memref<40xi32, #tpu.memory_space<vmem>>) target_semaphore(%arg23 : memref<!tpu.dma_semaphore, #tpu.memory_space<semaphore_mem>>)
    %add3A_19 = arith.constant 40 : i32
    %add3A_20 = arith.addi %mul3A_10, %add3A_19 : i32
    %multiple_of3A_21 = tpu.assume_multiple %add3A_20, 8 : i32
    %dma_start3A_22 = tpu.memref_slice %arg4[%multiple_of3A_21] : memref<320000xi32, #tpu.memory_space<hbm>> -> memref<40xi32, #tpu.memory_space<hbm>>
    %dma_start3A_23 = tpu.memref_slice %arg4[%multiple_of3A_21] : memref<320000xi32, #tpu.memory_space<hbm>> -> memref<40xi32, #tpu.memory_space<hbm>>
    tpu.enqueue_dma source(%dma_start3A_23 : memref<40xi32, #tpu.memory_space<hbm>>) target(%arg8 : memref<40xi32, #tpu.memory_space<vmem>>) target_semaphore(%arg24 : memref<!tpu.dma_semaphore, #tpu.memory_space<semaphore_mem>>)
    %add3A_24 = arith.constant 40 : i32
    %add3A_25 = arith.addi %mul3A_10, %add3A_24 : i32
    %multiple_of3A_26 = tpu.assume_multiple %add3A_25, 8 : i32
    %dma_start3A_27 = tpu.memref_slice %arg5[%multiple_of3A_26] : memref<320000xi32, #tpu.memory_space<hbm>> -> memref<40xi32, #tpu.memory_space<hbm>>
    %dma_start3A_28 = tpu.memref_slice %arg5[%multiple_of3A_26] : memref<320000xi32, #tpu.memory_space<hbm>> -> memref<40xi32, #tpu.memory_space<hbm>>
    tpu.enqueue_dma source(%dma_start3A_28 : memref<40xi32, #tpu.memory_space<hbm>>) target(%arg10 : memref<40xi32, #tpu.memory_space<vmem>>) target_semaphore(%arg24 : memref<!tpu.dma_semaphore, #tpu.memory_space<semaphore_mem>>)
    %add3A_29 = arith.constant 0 : i32
    %add3A_30 = arith.addi %mul3A_10, %add3A_29 : i32
    %multiple_of3A_31 = tpu.assume_multiple %add3A_30, 8 : i32
    %dma_wait3A = tpu.memref_slice %arg4[%multiple_of3A_31] : memref<320000xi32, #tpu.memory_space<hbm>> -> memref<40xi32, #tpu.memory_space<hbm>>
    %dma_wait3A_32 = tpu.memref_slice %arg4[%multiple_of3A_31] : memref<320000xi32, #tpu.memory_space<hbm>> -> memref<40xi32, #tpu.memory_space<hbm>>
    tpu.wait_dma2 semaphore(%arg23 : memref<!tpu.dma_semaphore, #tpu.memory_space<semaphore_mem>>) src(%dma_wait3A_32 : memref<40xi32, #tpu.memory_space<hbm>>) dst(%arg7 : memref<40xi32, #tpu.memory_space<vmem>>)
    %add3A_33 = arith.constant 0 : i32
    %add3A_34 = arith.addi %mul3A_10, %add3A_33 : i32
    %multiple_of3A_35 = tpu.assume_multiple %add3A_34, 8 : i32
    %dma_wait3A_36 = tpu.memref_slice %arg5[%multiple_of3A_35] : memref<320000xi32, #tpu.memory_space<hbm>> -> memref<40xi32, #tpu.memory_space<hbm>>
    %dma_wait3A_37 = tpu.memref_slice %arg5[%multiple_of3A_35] : memref<320000xi32, #tpu.memory_space<hbm>> -> memref<40xi32, #tpu.memory_space<hbm>>
    tpu.wait_dma2 semaphore(%arg23 : memref<!tpu.dma_semaphore, #tpu.memory_space<semaphore_mem>>) src(%dma_wait3A_37 : memref<40xi32, #tpu.memory_space<hbm>>) dst(%arg9 : memref<40xi32, #tpu.memory_space<vmem>>)
    %dma_start3A_38 = arith.constant 0 : i32
    %dma_start3A_39 = arith.constant 0 : i32
    %dma_start3A_40 = tpu.memref_slice %arg2[%dma_start3A_38, %dma_start3A_39] : memref<10000x128xf32, #tpu.memory_space<hbm>> -> memref<10000x128xf32, #tpu.memory_space<hbm>>
    tpu.enqueue_indirect_dma source(%dma_start3A_40 : memref<10000x128xf32, #tpu.memory_space<hbm>>) target(%arg15 : memref<40x128xf32, #tpu.memory_space<vmem>>) offsets(%arg7 : memref<40xi32, #tpu.memory_space<vmem>>) semaphore(%arg27 : memref<!tpu.dma_semaphore, #tpu.memory_space<semaphore_mem>>)
    %dma_start3A_41 = arith.constant 0 : i32
    %dma_start3A_42 = arith.constant 0 : i32
    %dma_start3A_43 = tpu.memref_slice %arg2[%dma_start3A_41, %dma_start3A_42] : memref<10000x128xf32, #tpu.memory_space<hbm>> -> memref<10000x128xf32, #tpu.memory_space<hbm>>
    tpu.enqueue_indirect_dma source(%dma_start3A_43 : memref<10000x128xf32, #tpu.memory_space<hbm>>) target(%arg13 : memref<40x128xf32, #tpu.memory_space<vmem>>) offsets(%arg9 : memref<40xi32, #tpu.memory_space<vmem>>) semaphore(%arg27 : memref<!tpu.dma_semaphore, #tpu.memory_space<semaphore_mem>>)
    %add3A_44 = arith.constant 0 : i32
    %add3A_45 = arith.addi %mul3A_10, %add3A_44 : i32
    %multiple_of3A_46 = tpu.assume_multiple %add3A_45, 8 : i32
    %dma_start3A_47 = arith.constant 0 : i32
    %dma_start3A_48 = tpu.memref_slice %arg3[%multiple_of3A_46, %dma_start3A_47] : memref<320000x128xf32, #tpu.memory_space<hbm>> -> memref<40x128xf32, #tpu.memory_space<hbm>>
    %dma_start3A_49 = arith.constant 0 : i32
    %dma_start3A_50 = tpu.memref_slice %arg3[%multiple_of3A_46, %dma_start3A_49] : memref<320000x128xf32, #tpu.memory_space<hbm>> -> memref<40x128xf32, #tpu.memory_space<hbm>>
    tpu.enqueue_dma source(%dma_start3A_50 : memref<40x128xf32, #tpu.memory_space<hbm>>) target(%arg17 : memref<40x128xf32, #tpu.memory_space<vmem>>) target_semaphore(%arg27 : memref<!tpu.dma_semaphore, #tpu.memory_space<semaphore_mem>>)
    %scan3A_51 = arith.constant 0 : i32
    %scan3A_52 = arith.constant 0 : i32
    %scan3A_53 = arith.constant 125 : i32
    %scan3A_54 = arith.addi %scan3A_52, %scan3A_53 : i32
    %scan3A_55 = arith.constant 1 : i32
    scf.for %scan3A_69 = %scan3A_52 to %scan3A_54 step %scan3A_55  : i32 {
      %mul3A_70 = arith.constant 2 : i32
      %mul3A_71 = arith.muli %scan3A_69, %mul3A_70 : i32
      %add3A_72 = arith.constant 1 : i32
      %add3A_73 = arith.addi %mul3A_71, %add3A_72 : i32
      %mul3A_74 = arith.constant 40 : i32
      %mul3A_75 = arith.muli %add3A_73, %mul3A_74 : i32
      %add3A_76 = arith.addi %mul3A_10, %mul3A_75 : i32
      %multiple_of3A_77 = tpu.assume_multiple %add3A_76, 8 : i32
      %dma_wait3A_78 = tpu.memref_slice %arg4[%multiple_of3A_77] : memref<320000xi32, #tpu.memory_space<hbm>> -> memref<40xi32, #tpu.memory_space<hbm>>
      %dma_wait3A_79 = tpu.memref_slice %arg4[%multiple_of3A_77] : memref<320000xi32, #tpu.memory_space<hbm>> -> memref<40xi32, #tpu.memory_space<hbm>>
      tpu.wait_dma2 semaphore(%arg24 : memref<!tpu.dma_semaphore, #tpu.memory_space<semaphore_mem>>) src(%dma_wait3A_79 : memref<40xi32, #tpu.memory_space<hbm>>) dst(%arg8 : memref<40xi32, #tpu.memory_space<vmem>>)
      %mul3A_80 = arith.constant 40 : i32
      %mul3A_81 = arith.muli %add3A_73, %mul3A_80 : i32
      %add3A_82 = arith.addi %mul3A_10, %mul3A_81 : i32
      %multiple_of3A_83 = tpu.assume_multiple %add3A_82, 8 : i32
      %dma_wait3A_84 = tpu.memref_slice %arg5[%multiple_of3A_83] : memref<320000xi32, #tpu.memory_space<hbm>> -> memref<40xi32, #tpu.memory_space<hbm>>
      %dma_wait3A_85 = tpu.memref_slice %arg5[%multiple_of3A_83] : memref<320000xi32, #tpu.memory_space<hbm>> -> memref<40xi32, #tpu.memory_space<hbm>>
      tpu.wait_dma2 semaphore(%arg24 : memref<!tpu.dma_semaphore, #tpu.memory_space<semaphore_mem>>) src(%dma_wait3A_85 : memref<40xi32, #tpu.memory_space<hbm>>) dst(%arg10 : memref<40xi32, #tpu.memory_space<vmem>>)
      %dma_start3A_86 = arith.constant 0 : i32
      %dma_start3A_87 = arith.constant 0 : i32
      %dma_start3A_88 = tpu.memref_slice %arg2[%dma_start3A_86, %dma_start3A_87] : memref<10000x128xf32, #tpu.memory_space<hbm>> -> memref<10000x128xf32, #tpu.memory_space<hbm>>
      tpu.enqueue_indirect_dma source(%dma_start3A_88 : memref<10000x128xf32, #tpu.memory_space<hbm>>) target(%arg16 : memref<40x128xf32, #tpu.memory_space<vmem>>) offsets(%arg8 : memref<40xi32, #tpu.memory_space<vmem>>) semaphore(%arg28 : memref<!tpu.dma_semaphore, #tpu.memory_space<semaphore_mem>>)
      %dma_start3A_89 = arith.constant 0 : i32
      %dma_start3A_90 = arith.constant 0 : i32
      %dma_start3A_91 = tpu.memref_slice %arg2[%dma_start3A_89, %dma_start3A_90] : memref<10000x128xf32, #tpu.memory_space<hbm>> -> memref<10000x128xf32, #tpu.memory_space<hbm>>
      tpu.enqueue_indirect_dma source(%dma_start3A_91 : memref<10000x128xf32, #tpu.memory_space<hbm>>) target(%arg14 : memref<40x128xf32, #tpu.memory_space<vmem>>) offsets(%arg10 : memref<40xi32, #tpu.memory_space<vmem>>) semaphore(%arg28 : memref<!tpu.dma_semaphore, #tpu.memory_space<semaphore_mem>>)
      %mul3A_92 = arith.constant 40 : i32
      %mul3A_93 = arith.muli %add3A_73, %mul3A_92 : i32
      %add3A_94 = arith.addi %mul3A_10, %mul3A_93 : i32
      %multiple_of3A_95 = tpu.assume_multiple %add3A_94, 8 : i32
      %dma_start3A_96 = arith.constant 0 : i32
      %dma_start3A_97 = tpu.memref_slice %arg3[%multiple_of3A_95, %dma_start3A_96] : memref<320000x128xf32, #tpu.memory_space<hbm>> -> memref<40x128xf32, #tpu.memory_space<hbm>>
      %dma_start3A_98 = arith.constant 0 : i32
      %dma_start3A_99 = tpu.memref_slice %arg3[%multiple_of3A_95, %dma_start3A_98] : memref<320000x128xf32, #tpu.memory_space<hbm>> -> memref<40x128xf32, #tpu.memory_space<hbm>>
      tpu.enqueue_dma source(%dma_start3A_99 : memref<40x128xf32, #tpu.memory_space<hbm>>) target(%arg18 : memref<40x128xf32, #tpu.memory_space<vmem>>) target_semaphore(%arg28 : memref<!tpu.dma_semaphore, #tpu.memory_space<semaphore_mem>>)
      %ge3A = arith.constant 2 : i32
      %ge3A_100 = arith.cmpi sge, %mul3A_71, %ge3A : i32
      %convert_element_type3A_101 = arith.extui %ge3A_100 : i1 to i32
      %cond3A_102 = arith.constant 0 : i32
      %cond3A_103 = arith.cmpi ne, %convert_element_type3A_101, %cond3A_102 : i32
      scf.if %cond3A_103 {
        %dma_wait3A_204 = arith.constant 0 : i32
        %dma_wait3A_205 = arith.constant 0 : i32
        %dma_wait3A_206 = tpu.memref_slice %arg22[%dma_wait3A_204, %dma_wait3A_205] : memref<10000x128xf32, #tpu.memory_space<vmem_shared>> -> memref<10000x128xf32, #tpu.memory_space<vmem_shared>>
        tpu.wait_indirect_dma semaphore(%arg29 : memref<!tpu.dma_semaphore, #tpu.memory_space<semaphore_mem>>) src(%arg19 : memref<40x128xf32, #tpu.memory_space<vmem>>) dst(%dma_wait3A_206 : memref<10000x128xf32, #tpu.memory_space<vmem_shared>>)
      } else {
      }
      %dma_wait3A_104 = arith.constant 0 : i32
      %dma_wait3A_105 = arith.constant 0 : i32
      %dma_wait3A_106 = tpu.memref_slice %arg2[%dma_wait3A_104, %dma_wait3A_105] : memref<10000x128xf32, #tpu.memory_space<hbm>> -> memref<10000x128xf32, #tpu.memory_space<hbm>>
      tpu.wait_indirect_dma semaphore(%arg27 : memref<!tpu.dma_semaphore, #tpu.memory_space<semaphore_mem>>) src(%dma_wait3A_106 : memref<10000x128xf32, #tpu.memory_space<hbm>>) dst(%arg15 : memref<40x128xf32, #tpu.memory_space<vmem>>)
      %dma_wait3A_107 = arith.constant 0 : i32
      %dma_wait3A_108 = arith.constant 0 : i32
      %dma_wait3A_109 = tpu.memref_slice %arg2[%dma_wait3A_107, %dma_wait3A_108] : memref<10000x128xf32, #tpu.memory_space<hbm>> -> memref<10000x128xf32, #tpu.memory_space<hbm>>
      tpu.wait_indirect_dma semaphore(%arg27 : memref<!tpu.dma_semaphore, #tpu.memory_space<semaphore_mem>>) src(%dma_wait3A_109 : memref<10000x128xf32, #tpu.memory_space<hbm>>) dst(%arg13 : memref<40x128xf32, #tpu.memory_space<vmem>>)
      %mul3A_110 = arith.constant 40 : i32
      %mul3A_111 = arith.muli %mul3A_71, %mul3A_110 : i32
      %add3A_112 = arith.addi %mul3A_10, %mul3A_111 : i32
      %multiple_of3A_113 = tpu.assume_multiple %add3A_112, 8 : i32
      %dma_wait3A_114 = arith.constant 0 : i32
      %dma_wait3A_115 = tpu.memref_slice %arg3[%multiple_of3A_113, %dma_wait3A_114] : memref<320000x128xf32, #tpu.memory_space<hbm>> -> memref<40x128xf32, #tpu.memory_space<hbm>>
      %dma_wait3A_116 = arith.constant 0 : i32
      %dma_wait3A_117 = tpu.memref_slice %arg3[%multiple_of3A_113, %dma_wait3A_116] : memref<320000x128xf32, #tpu.memory_space<hbm>> -> memref<40x128xf32, #tpu.memory_space<hbm>>
      tpu.wait_dma2 semaphore(%arg27 : memref<!tpu.dma_semaphore, #tpu.memory_space<semaphore_mem>>) src(%dma_wait3A_117 : memref<40x128xf32, #tpu.memory_space<hbm>>) dst(%arg17 : memref<40x128xf32, #tpu.memory_space<vmem>>)
      %mul3A_118 = arith.constant 40 : i32
      %mul3A_119 = arith.muli %mul3A_71, %mul3A_118 : i32
      %add3A_120 = arith.addi %mul3A_10, %mul3A_119 : i32
      %multiple_of3A_121 = tpu.assume_multiple %add3A_120, 8 : i32
      %dma_start3A_122 = tpu.memref_slice %arg5[%multiple_of3A_121] : memref<320000xi32, #tpu.memory_space<hbm>> -> memref<40xi32, #tpu.memory_space<hbm>>
      %dma_start3A_123 = tpu.memref_slice %arg5[%multiple_of3A_121] : memref<320000xi32, #tpu.memory_space<hbm>> -> memref<40xi32, #tpu.memory_space<hbm>>
      tpu.enqueue_dma source(%dma_start3A_123 : memref<40xi32, #tpu.memory_space<hbm>>) target(%arg11 : memref<40xi32, #tpu.memory_space<vmem>>) target_semaphore(%arg25 : memref<!tpu.dma_semaphore, #tpu.memory_space<semaphore_mem>>)
      %add3A_124 = arith.constant 2 : i32
      %add3A_125 = arith.addi %mul3A_71, %add3A_124 : i32
      %lt3A_126 = arith.constant 250 : i32
      %lt3A_127 = arith.cmpi slt, %add3A_125, %lt3A_126 : i32
      %convert_element_type3A_128 = arith.extui %lt3A_127 : i1 to i32
      %cond3A_129 = arith.constant 0 : i32
      %cond3A_130 = arith.cmpi ne, %convert_element_type3A_128, %cond3A_129 : i32
      scf.if %cond3A_130 {
        %add3A_204 = arith.constant 2 : i32
        %add3A_205 = arith.addi %mul3A_71, %add3A_204 : i32
        %mul3A_206 = arith.constant 40 : i32
        %mul3A_207 = arith.muli %add3A_205, %mul3A_206 : i32
        %add3A_208 = arith.addi %mul3A_10, %mul3A_207 : i32
        %multiple_of3A_209 = tpu.assume_multiple %add3A_208, 8 : i32
        %dma_start3A_210 = tpu.memref_slice %arg4[%multiple_of3A_209] : memref<320000xi32, #tpu.memory_space<hbm>> -> memref<40xi32, #tpu.memory_space<hbm>>
        %dma_start3A_211 = tpu.memref_slice %arg4[%multiple_of3A_209] : memref<320000xi32, #tpu.memory_space<hbm>> -> memref<40xi32, #tpu.memory_space<hbm>>
        tpu.enqueue_dma source(%dma_start3A_211 : memref<40xi32, #tpu.memory_space<hbm>>) target(%arg7 : memref<40xi32, #tpu.memory_space<vmem>>) target_semaphore(%arg23 : memref<!tpu.dma_semaphore, #tpu.memory_space<semaphore_mem>>)
        %mul3A_212 = arith.constant 40 : i32
        %mul3A_213 = arith.muli %add3A_205, %mul3A_212 : i32
        %add3A_214 = arith.addi %mul3A_10, %mul3A_213 : i32
        %multiple_of3A_215 = tpu.assume_multiple %add3A_214, 8 : i32
        %dma_start3A_216 = tpu.memref_slice %arg5[%multiple_of3A_215] : memref<320000xi32, #tpu.memory_space<hbm>> -> memref<40xi32, #tpu.memory_space<hbm>>
        %dma_start3A_217 = tpu.memref_slice %arg5[%multiple_of3A_215] : memref<320000xi32, #tpu.memory_space<hbm>> -> memref<40xi32, #tpu.memory_space<hbm>>
        tpu.enqueue_dma source(%dma_start3A_217 : memref<40xi32, #tpu.memory_space<hbm>>) target(%arg9 : memref<40xi32, #tpu.memory_space<vmem>>) target_semaphore(%arg23 : memref<!tpu.dma_semaphore, #tpu.memory_space<semaphore_mem>>)
      } else {
      }
      %scan3A_131 = arith.constant 0 : i32
      %scan3A_132 = arith.constant 0 : i32
      %scan3A_133 = arith.constant 40 : i32
      %scan3A_134 = arith.addi %scan3A_132, %scan3A_133 : i32
      %scan3A_135 = arith.constant 1 : i32
      scf.for %scan3A_204 = %scan3A_132 to %scan3A_134 step %scan3A_135  : i32 {
        %get3A = arith.index_cast %scan3A_204 : i32 to index
        %get3A_205 = arith.constant 0 : index
        %get3A_206 = tpu.vector_load %arg17[%get3A, %get3A_205] {strides = array<i32>} : memref<40x128xf32, #tpu.memory_space<vmem>>, vector<1x16xf32>,
        %get3A_207 = vector.shape_cast %get3A_206 : vector<1x16xf32> to vector<16xf32>
        %get3A_208 = arith.index_cast %scan3A_204 : i32 to index
        %get3A_209 = arith.constant 0 : index
        %get3A_210 = tpu.vector_load %arg13[%get3A_208, %get3A_209] {strides = array<i32>} : memref<40x128xf32, #tpu.memory_space<vmem>>, vector<1x16xf32>,
        %get3A_211 = vector.shape_cast %get3A_210 : vector<1x16xf32> to vector<16xf32>
        %get3A_212 = arith.index_cast %scan3A_204 : i32 to index
        %get3A_213 = arith.constant 0 : index
        %get3A_214 = tpu.vector_load %arg15[%get3A_212, %get3A_213] {strides = array<i32>} : memref<40x128xf32, #tpu.memory_space<vmem>>, vector<1x16xf32>,
        %get3A_215 = vector.shape_cast %get3A_214 : vector<1x16xf32> to vector<16xf32>
        %sub3A = arith.subf %get3A_211, %get3A_215 : vector<16xf32>
        %mul3A_216 = arith.mulf %get3A_207, %sub3A : vector<16xf32>
        %swap3A = arith.index_cast %scan3A_204 : i32 to index
        %swap3A_217 = arith.constant 0 : index
        %swap3A_218 = tpu.vector_load %arg19[%swap3A, %swap3A_217] {strides = array<i32>} : memref<40x128xf32, #tpu.memory_space<vmem>>, vector<1x16xf32>,
        %swap3A_219 = vector.shape_cast %swap3A_218 : vector<1x16xf32> to vector<16xf32>
        %swap3A_220 = vector.shape_cast %mul3A_216 : vector<16xf32> to vector<1x16xf32>
        tpu.vector_store %arg19[%swap3A, %swap3A_217], %swap3A_220 {strides = array<i32>} : memref<40x128xf32, #tpu.memory_space<vmem>>, vector<1x16xf32>,
        %get3A_221 = arith.index_cast %scan3A_204 : i32 to index
        %get3A_222 = arith.constant 16 : index
        %get3A_223 = tpu.vector_load %arg17[%get3A_221, %get3A_222] {strides = array<i32>} : memref<40x128xf32, #tpu.memory_space<vmem>>, vector<1x16xf32>,
        %get3A_224 = vector.shape_cast %get3A_223 : vector<1x16xf32> to vector<16xf32>
        %get3A_225 = arith.index_cast %scan3A_204 : i32 to index
        %get3A_226 = arith.constant 16 : index
        %get3A_227 = tpu.vector_load %arg13[%get3A_225, %get3A_226] {strides = array<i32>} : memref<40x128xf32, #tpu.memory_space<vmem>>, vector<1x16xf32>,
        %get3A_228 = vector.shape_cast %get3A_227 : vector<1x16xf32> to vector<16xf32>
        %get3A_229 = arith.index_cast %scan3A_204 : i32 to index
        %get3A_230 = arith.constant 16 : index
        %get3A_231 = tpu.vector_load %arg15[%get3A_229, %get3A_230] {strides = array<i32>} : memref<40x128xf32, #tpu.memory_space<vmem>>, vector<1x16xf32>,
        %get3A_232 = vector.shape_cast %get3A_231 : vector<1x16xf32> to vector<16xf32>
        %sub3A_233 = arith.subf %get3A_228, %get3A_232 : vector<16xf32>
        %mul3A_234 = arith.mulf %get3A_224, %sub3A_233 : vector<16xf32>
        %swap3A_235 = arith.index_cast %scan3A_204 : i32 to index
        %swap3A_236 = arith.constant 16 : index
        %swap3A_237 = tpu.vector_load %arg19[%swap3A_235, %swap3A_236] {strides = array<i32>} : memref<40x128xf32, #tpu.memory_space<vmem>>, vector<1x16xf32>,
        %swap3A_238 = vector.shape_cast %swap3A_237 : vector<1x16xf32> to vector<16xf32>
        %swap3A_239 = vector.shape_cast %mul3A_234 : vector<16xf32> to vector<1x16xf32>
        tpu.vector_store %arg19[%swap3A_235, %swap3A_236], %swap3A_239 {strides = array<i32>} : memref<40x128xf32, #tpu.memory_space<vmem>>, vector<1x16xf32>,
        %get3A_240 = arith.index_cast %scan3A_204 : i32 to index
        %get3A_241 = arith.constant 32 : index
        %get3A_242 = tpu.vector_load %arg17[%get3A_240, %get3A_241] {strides = array<i32>} : memref<40x128xf32, #tpu.memory_space<vmem>>, vector<1x16xf32>,
        %get3A_243 = vector.shape_cast %get3A_242 : vector<1x16xf32> to vector<16xf32>
        %get3A_244 = arith.index_cast %scan3A_204 : i32 to index
        %get3A_245 = arith.constant 32 : index
        %get3A_246 = tpu.vector_load %arg13[%get3A_244, %get3A_245] {strides = array<i32>} : memref<40x128xf32, #tpu.memory_space<vmem>>, vector<1x16xf32>,
        %get3A_247 = vector.shape_cast %get3A_246 : vector<1x16xf32> to vector<16xf32>
        %get3A_248 = arith.index_cast %scan3A_204 : i32 to index
        %get3A_249 = arith.constant 32 : index
        %get3A_250 = tpu.vector_load %arg15[%get3A_248, %get3A_249] {strides = array<i32>} : memref<40x128xf32, #tpu.memory_space<vmem>>, vector<1x16xf32>,
        %get3A_251 = vector.shape_cast %get3A_250 : vector<1x16xf32> to vector<16xf32>
        %sub3A_252 = arith.subf %get3A_247, %get3A_251 : vector<16xf32>
        %mul3A_253 = arith.mulf %get3A_243, %sub3A_252 : vector<16xf32>
        %swap3A_254 = arith.index_cast %scan3A_204 : i32 to index
        %swap3A_255 = arith.constant 32 : index
        %swap3A_256 = tpu.vector_load %arg19[%swap3A_254, %swap3A_255] {strides = array<i32>} : memref<40x128xf32, #tpu.memory_space<vmem>>, vector<1x16xf32>,
        %swap3A_257 = vector.shape_cast %swap3A_256 : vector<1x16xf32> to vector<16xf32>
        %swap3A_258 = vector.shape_cast %mul3A_253 : vector<16xf32> to vector<1x16xf32>
        tpu.vector_store %arg19[%swap3A_254, %swap3A_255], %swap3A_258 {strides = array<i32>} : memref<40x128xf32, #tpu.memory_space<vmem>>, vector<1x16xf32>,
        %get3A_259 = arith.index_cast %scan3A_204 : i32 to index
        %get3A_260 = arith.constant 48 : index
        %get3A_261 = tpu.vector_load %arg17[%get3A_259, %get3A_260] {strides = array<i32>} : memref<40x128xf32, #tpu.memory_space<vmem>>, vector<1x16xf32>,
        %get3A_262 = vector.shape_cast %get3A_261 : vector<1x16xf32> to vector<16xf32>
        %get3A_263 = arith.index_cast %scan3A_204 : i32 to index
        %get3A_264 = arith.constant 48 : index
        %get3A_265 = tpu.vector_load %arg13[%get3A_263, %get3A_264] {strides = array<i32>} : memref<40x128xf32, #tpu.memory_space<vmem>>, vector<1x16xf32>,
        %get3A_266 = vector.shape_cast %get3A_265 : vector<1x16xf32> to vector<16xf32>
        %get3A_267 = arith.index_cast %scan3A_204 : i32 to index
        %get3A_268 = arith.constant 48 : index
        %get3A_269 = tpu.vector_load %arg15[%get3A_267, %get3A_268] {strides = array<i32>} : memref<40x128xf32, #tpu.memory_space<vmem>>, vector<1x16xf32>,
        %get3A_270 = vector.shape_cast %get3A_269 : vector<1x16xf32> to vector<16xf32>
        %sub3A_271 = arith.subf %get3A_266, %get3A_270 : vector<16xf32>
        %mul3A_272 = arith.mulf %get3A_262, %sub3A_271 : vector<16xf32>
        %swap3A_273 = arith.index_cast %scan3A_204 : i32 to index
        %swap3A_274 = arith.constant 48 : index
        %swap3A_275 = tpu.vector_load %arg19[%swap3A_273, %swap3A_274] {strides = array<i32>} : memref<40x128xf32, #tpu.memory_space<vmem>>, vector<1x16xf32>,
        %swap3A_276 = vector.shape_cast %swap3A_275 : vector<1x16xf32> to vector<16xf32>
        %swap3A_277 = vector.shape_cast %mul3A_272 : vector<16xf32> to vector<1x16xf32>
        tpu.vector_store %arg19[%swap3A_273, %swap3A_274], %swap3A_277 {strides = array<i32>} : memref<40x128xf32, #tpu.memory_space<vmem>>, vector<1x16xf32>,
        %get3A_278 = arith.index_cast %scan3A_204 : i32 to index
        %get3A_279 = arith.constant 64 : index
        %get3A_280 = tpu.vector_load %arg17[%get3A_278, %get3A_279] {strides = array<i32>} : memref<40x128xf32, #tpu.memory_space<vmem>>, vector<1x16xf32>,
        %get3A_281 = vector.shape_cast %get3A_280 : vector<1x16xf32> to vector<16xf32>
        %get3A_282 = arith.index_cast %scan3A_204 : i32 to index
        %get3A_283 = arith.constant 64 : index
        %get3A_284 = tpu.vector_load %arg13[%get3A_282, %get3A_283] {strides = array<i32>} : memref<40x128xf32, #tpu.memory_space<vmem>>, vector<1x16xf32>,
        %get3A_285 = vector.shape_cast %get3A_284 : vector<1x16xf32> to vector<16xf32>
        %get3A_286 = arith.index_cast %scan3A_204 : i32 to index
        %get3A_287 = arith.constant 64 : index
        %get3A_288 = tpu.vector_load %arg15[%get3A_286, %get3A_287] {strides = array<i32>} : memref<40x128xf32, #tpu.memory_space<vmem>>, vector<1x16xf32>,
        %get3A_289 = vector.shape_cast %get3A_288 : vector<1x16xf32> to vector<16xf32>
        %sub3A_290 = arith.subf %get3A_285, %get3A_289 : vector<16xf32>
        %mul3A_291 = arith.mulf %get3A_281, %sub3A_290 : vector<16xf32>
        %swap3A_292 = arith.index_cast %scan3A_204 : i32 to index
        %swap3A_293 = arith.constant 64 : index
        %swap3A_294 = tpu.vector_load %arg19[%swap3A_292, %swap3A_293] {strides = array<i32>} : memref<40x128xf32, #tpu.memory_space<vmem>>, vector<1x16xf32>,
        %swap3A_295 = vector.shape_cast %swap3A_294 : vector<1x16xf32> to vector<16xf32>
        %swap3A_296 = vector.shape_cast %mul3A_291 : vector<16xf32> to vector<1x16xf32>
        tpu.vector_store %arg19[%swap3A_292, %swap3A_293], %swap3A_296 {strides = array<i32>} : memref<40x128xf32, #tpu.memory_space<vmem>>, vector<1x16xf32>,
        %get3A_297 = arith.index_cast %scan3A_204 : i32 to index
        %get3A_298 = arith.constant 80 : index
        %get3A_299 = tpu.vector_load %arg17[%get3A_297, %get3A_298] {strides = array<i32>} : memref<40x128xf32, #tpu.memory_space<vmem>>, vector<1x16xf32>,
        %get3A_300 = vector.shape_cast %get3A_299 : vector<1x16xf32> to vector<16xf32>
        %get3A_301 = arith.index_cast %scan3A_204 : i32 to index
        %get3A_302 = arith.constant 80 : index
        %get3A_303 = tpu.vector_load %arg13[%get3A_301, %get3A_302] {strides = array<i32>} : memref<40x128xf32, #tpu.memory_space<vmem>>, vector<1x16xf32>,
        %get3A_304 = vector.shape_cast %get3A_303 : vector<1x16xf32> to vector<16xf32>
        %get3A_305 = arith.index_cast %scan3A_204 : i32 to index
        %get3A_306 = arith.constant 80 : index
        %get3A_307 = tpu.vector_load %arg15[%get3A_305, %get3A_306] {strides = array<i32>} : memref<40x128xf32, #tpu.memory_space<vmem>>, vector<1x16xf32>,
        %get3A_308 = vector.shape_cast %get3A_307 : vector<1x16xf32> to vector<16xf32>
        %sub3A_309 = arith.subf %get3A_304, %get3A_308 : vector<16xf32>
        %mul3A_310 = arith.mulf %get3A_300, %sub3A_309 : vector<16xf32>
        %swap3A_311 = arith.index_cast %scan3A_204 : i32 to index
        %swap3A_312 = arith.constant 80 : index
        %swap3A_313 = tpu.vector_load %arg19[%swap3A_311, %swap3A_312] {strides = array<i32>} : memref<40x128xf32, #tpu.memory_space<vmem>>, vector<1x16xf32>,
        %swap3A_314 = vector.shape_cast %swap3A_313 : vector<1x16xf32> to vector<16xf32>
        %swap3A_315 = vector.shape_cast %mul3A_310 : vector<16xf32> to vector<1x16xf32>
        tpu.vector_store %arg19[%swap3A_311, %swap3A_312], %swap3A_315 {strides = array<i32>} : memref<40x128xf32, #tpu.memory_space<vmem>>, vector<1x16xf32>,
        %get3A_316 = arith.index_cast %scan3A_204 : i32 to index
        %get3A_317 = arith.constant 96 : index
        %get3A_318 = tpu.vector_load %arg17[%get3A_316, %get3A_317] {strides = array<i32>} : memref<40x128xf32, #tpu.memory_space<vmem>>, vector<1x16xf32>,
        %get3A_319 = vector.shape_cast %get3A_318 : vector<1x16xf32> to vector<16xf32>
        %get3A_320 = arith.index_cast %scan3A_204 : i32 to index
        %get3A_321 = arith.constant 96 : index
        %get3A_322 = tpu.vector_load %arg13[%get3A_320, %get3A_321] {strides = array<i32>} : memref<40x128xf32, #tpu.memory_space<vmem>>, vector<1x16xf32>,
        %get3A_323 = vector.shape_cast %get3A_322 : vector<1x16xf32> to vector<16xf32>
        %get3A_324 = arith.index_cast %scan3A_204 : i32 to index
        %get3A_325 = arith.constant 96 : index
        %get3A_326 = tpu.vector_load %arg15[%get3A_324, %get3A_325] {strides = array<i32>} : memref<40x128xf32, #tpu.memory_space<vmem>>, vector<1x16xf32>,
        %get3A_327 = vector.shape_cast %get3A_326 : vector<1x16xf32> to vector<16xf32>
        %sub3A_328 = arith.subf %get3A_323, %get3A_327 : vector<16xf32>
        %mul3A_329 = arith.mulf %get3A_319, %sub3A_328 : vector<16xf32>
        %swap3A_330 = arith.index_cast %scan3A_204 : i32 to index
        %swap3A_331 = arith.constant 96 : index
        %swap3A_332 = tpu.vector_load %arg19[%swap3A_330, %swap3A_331] {strides = array<i32>} : memref<40x128xf32, #tpu.memory_space<vmem>>, vector<1x16xf32>,
        %swap3A_333 = vector.shape_cast %swap3A_332 : vector<1x16xf32> to vector<16xf32>
        %swap3A_334 = vector.shape_cast %mul3A_329 : vector<16xf32> to vector<1x16xf32>
        tpu.vector_store %arg19[%swap3A_330, %swap3A_331], %swap3A_334 {strides = array<i32>} : memref<40x128xf32, #tpu.memory_space<vmem>>, vector<1x16xf32>,
        %get3A_335 = arith.index_cast %scan3A_204 : i32 to index
        %get3A_336 = arith.constant 112 : index
        %get3A_337 = tpu.vector_load %arg17[%get3A_335, %get3A_336] {strides = array<i32>} : memref<40x128xf32, #tpu.memory_space<vmem>>, vector<1x16xf32>,
        %get3A_338 = vector.shape_cast %get3A_337 : vector<1x16xf32> to vector<16xf32>
        %get3A_339 = arith.index_cast %scan3A_204 : i32 to index
        %get3A_340 = arith.constant 112 : index
        %get3A_341 = tpu.vector_load %arg13[%get3A_339, %get3A_340] {strides = array<i32>} : memref<40x128xf32, #tpu.memory_space<vmem>>, vector<1x16xf32>,
        %get3A_342 = vector.shape_cast %get3A_341 : vector<1x16xf32> to vector<16xf32>
        %get3A_343 = arith.index_cast %scan3A_204 : i32 to index
        %get3A_344 = arith.constant 112 : index
        %get3A_345 = tpu.vector_load %arg15[%get3A_343, %get3A_344] {strides = array<i32>} : memref<40x128xf32, #tpu.memory_space<vmem>>, vector<1x16xf32>,
        %get3A_346 = vector.shape_cast %get3A_345 : vector<1x16xf32> to vector<16xf32>
        %sub3A_347 = arith.subf %get3A_342, %get3A_346 : vector<16xf32>
        %mul3A_348 = arith.mulf %get3A_338, %sub3A_347 : vector<16xf32>
        %swap3A_349 = arith.index_cast %scan3A_204 : i32 to index
        %swap3A_350 = arith.constant 112 : index
        %swap3A_351 = tpu.vector_load %arg19[%swap3A_349, %swap3A_350] {strides = array<i32>} : memref<40x128xf32, #tpu.memory_space<vmem>>, vector<1x16xf32>,
        %swap3A_352 = vector.shape_cast %swap3A_351 : vector<1x16xf32> to vector<16xf32>
        %swap3A_353 = vector.shape_cast %mul3A_348 : vector<16xf32> to vector<1x16xf32>
        tpu.vector_store %arg19[%swap3A_349, %swap3A_350], %swap3A_353 {strides = array<i32>} : memref<40x128xf32, #tpu.memory_space<vmem>>, vector<1x16xf32>,
      }
      %scan3A_136 = arith.constant 40 : i32
      %mul3A_137 = arith.constant 40 : i32
      %mul3A_138 = arith.muli %mul3A_71, %mul3A_137 : i32
      %add3A_139 = arith.addi %mul3A_10, %mul3A_138 : i32
      %multiple_of3A_140 = tpu.assume_multiple %add3A_139, 8 : i32
      %dma_wait3A_141 = tpu.memref_slice %arg5[%multiple_of3A_140] : memref<320000xi32, #tpu.memory_space<hbm>> -> memref<40xi32, #tpu.memory_space<hbm>>
      %dma_wait3A_142 = tpu.memref_slice %arg5[%multiple_of3A_140] : memref<320000xi32, #tpu.memory_space<hbm>> -> memref<40xi32, #tpu.memory_space<hbm>>
      tpu.wait_dma2 semaphore(%arg25 : memref<!tpu.dma_semaphore, #tpu.memory_space<semaphore_mem>>) src(%dma_wait3A_142 : memref<40xi32, #tpu.memory_space<hbm>>) dst(%arg11 : memref<40xi32, #tpu.memory_space<vmem>>)
      %dma_start3A_143 = arith.constant 0 : i32
      %dma_start3A_144 = arith.constant 0 : i32
      %dma_start3A_145 = tpu.memref_slice %arg22[%dma_start3A_143, %dma_start3A_144] : memref<10000x128xf32, #tpu.memory_space<vmem_shared>> -> memref<10000x128xf32, #tpu.memory_space<vmem_shared>>
      tpu.enqueue_indirect_dma source(%arg19 : memref<40x128xf32, #tpu.memory_space<vmem>>) target(%dma_start3A_145 : memref<10000x128xf32, #tpu.memory_space<vmem_shared>>) offsets(%arg11 : memref<40xi32, #tpu.memory_space<vmem>>) semaphore(%arg29 : memref<!tpu.dma_semaphore, #tpu.memory_space<semaphore_mem>>) {add = true}
      %add3A_146 = arith.constant 2 : i32
      %add3A_147 = arith.addi %mul3A_71, %add3A_146 : i32
      %lt3A_148 = arith.constant 250 : i32
      %lt3A_149 = arith.cmpi slt, %add3A_147, %lt3A_148 : i32
      %convert_element_type3A_150 = arith.extui %lt3A_149 : i1 to i32
      %cond3A_151 = arith.constant 0 : i32
      %cond3A_152 = arith.cmpi ne, %convert_element_type3A_150, %cond3A_151 : i32
      scf.if %cond3A_152 {
        %add3A_204 = arith.constant 2 : i32
        %add3A_205 = arith.addi %mul3A_71, %add3A_204 : i32
        %mul3A_206 = arith.constant 40 : i32
        %mul3A_207 = arith.muli %add3A_205, %mul3A_206 : i32
        %add3A_208 = arith.addi %mul3A_10, %mul3A_207 : i32
        %multiple_of3A_209 = tpu.assume_multiple %add3A_208, 8 : i32
        %dma_wait3A_210 = tpu.memref_slice %arg4[%multiple_of3A_209] : memref<320000xi32, #tpu.memory_space<hbm>> -> memref<40xi32, #tpu.memory_space<hbm>>
        %dma_wait3A_211 = tpu.memref_slice %arg4[%multiple_of3A_209] : memref<320000xi32, #tpu.memory_space<hbm>> -> memref<40xi32, #tpu.memory_space<hbm>>
        tpu.wait_dma2 semaphore(%arg23 : memref<!tpu.dma_semaphore, #tpu.memory_space<semaphore_mem>>) src(%dma_wait3A_211 : memref<40xi32, #tpu.memory_space<hbm>>) dst(%arg7 : memref<40xi32, #tpu.memory_space<vmem>>)
        %mul3A_212 = arith.constant 40 : i32
        %mul3A_213 = arith.muli %add3A_205, %mul3A_212 : i32
        %add3A_214 = arith.addi %mul3A_10, %mul3A_213 : i32
        %multiple_of3A_215 = tpu.assume_multiple %add3A_214, 8 : i32
        %dma_wait3A_216 = tpu.memref_slice %arg5[%multiple_of3A_215] : memref<320000xi32, #tpu.memory_space<hbm>> -> memref<40xi32, #tpu.memory_space<hbm>>
        %dma_wait3A_217 = tpu.memref_slice %arg5[%multiple_of3A_215] : memref<320000xi32, #tpu.memory_space<hbm>> -> memref<40xi32, #tpu.memory_space<hbm>>
        tpu.wait_dma2 semaphore(%arg23 : memref<!tpu.dma_semaphore, #tpu.memory_space<semaphore_mem>>) src(%dma_wait3A_217 : memref<40xi32, #tpu.memory_space<hbm>>) dst(%arg9 : memref<40xi32, #tpu.memory_space<vmem>>)
        %dma_start3A_218 = arith.constant 0 : i32
        %dma_start3A_219 = arith.constant 0 : i32
        %dma_start3A_220 = tpu.memref_slice %arg2[%dma_start3A_218, %dma_start3A_219] : memref<10000x128xf32, #tpu.memory_space<hbm>> -> memref<10000x128xf32, #tpu.memory_space<hbm>>
        tpu.enqueue_indirect_dma source(%dma_start3A_220 : memref<10000x128xf32, #tpu.memory_space<hbm>>) target(%arg15 : memref<40x128xf32, #tpu.memory_space<vmem>>) offsets(%arg7 : memref<40xi32, #tpu.memory_space<vmem>>) semaphore(%arg27 : memref<!tpu.dma_semaphore, #tpu.memory_space<semaphore_mem>>)
        %dma_start3A_221 = arith.constant 0 : i32
        %dma_start3A_222 = arith.constant 0 : i32
        %dma_start3A_223 = tpu.memref_slice %arg2[%dma_start3A_221, %dma_start3A_222] : memref<10000x128xf32, #tpu.memory_space<hbm>> -> memref<10000x128xf32, #tpu.memory_space<hbm>>
        tpu.enqueue_indirect_dma source(%dma_start3A_223 : memref<10000x128xf32, #tpu.memory_space<hbm>>) target(%arg13 : memref<40x128xf32, #tpu.memory_space<vmem>>) offsets(%arg9 : memref<40xi32, #tpu.memory_space<vmem>>) semaphore(%arg27 : memref<!tpu.dma_semaphore, #tpu.memory_space<semaphore_mem>>)
        %mul3A_224 = arith.constant 40 : i32
        %mul3A_225 = arith.muli %add3A_205, %mul3A_224 : i32
        %add3A_226 = arith.addi %mul3A_10, %mul3A_225 : i32
        %multiple_of3A_227 = tpu.assume_multiple %add3A_226, 8 : i32
        %dma_start3A_228 = arith.constant 0 : i32
        %dma_start3A_229 = tpu.memref_slice %arg3[%multiple_of3A_227, %dma_start3A_228] : memref<320000x128xf32, #tpu.memory_space<hbm>> -> memref<40x128xf32, #tpu.memory_space<hbm>>
        %dma_start3A_230 = arith.constant 0 : i32
        %dma_start3A_231 = tpu.memref_slice %arg3[%multiple_of3A_227, %dma_start3A_230] : memref<320000x128xf32, #tpu.memory_space<hbm>> -> memref<40x128xf32, #tpu.memory_space<hbm>>
        tpu.enqueue_dma source(%dma_start3A_231 : memref<40x128xf32, #tpu.memory_space<hbm>>) target(%arg17 : memref<40x128xf32, #tpu.memory_space<vmem>>) target_semaphore(%arg27 : memref<!tpu.dma_semaphore, #tpu.memory_space<semaphore_mem>>)
      } else {
      }
      %add3A_153 = arith.constant 1 : i32
      %add3A_154 = arith.addi %mul3A_71, %add3A_153 : i32
      %ge3A_155 = arith.constant 2 : i32
      %ge3A_156 = arith.cmpi sge, %add3A_154, %ge3A_155 : i32
      %convert_element_type3A_157 = arith.extui %ge3A_156 : i1 to i32
      %cond3A_158 = arith.constant 0 : i32
      %cond3A_159 = arith.cmpi ne, %convert_element_type3A_157, %cond3A_158 : i32
      scf.if %cond3A_159 {
        %dma_wait3A_204 = arith.constant 0 : i32
        %dma_wait3A_205 = arith.constant 0 : i32
        %dma_wait3A_206 = tpu.memref_slice %arg22[%dma_wait3A_204, %dma_wait3A_205] : memref<10000x128xf32, #tpu.memory_space<vmem_shared>> -> memref<10000x128xf32, #tpu.memory_space<vmem_shared>>
        tpu.wait_indirect_dma semaphore(%arg30 : memref<!tpu.dma_semaphore, #tpu.memory_space<semaphore_mem>>) src(%arg20 : memref<40x128xf32, #tpu.memory_space<vmem>>) dst(%dma_wait3A_206 : memref<10000x128xf32, #tpu.memory_space<vmem_shared>>)
      } else {
      }
      %dma_wait3A_160 = arith.constant 0 : i32
      %dma_wait3A_161 = arith.constant 0 : i32
      %dma_wait3A_162 = tpu.memref_slice %arg2[%dma_wait3A_160, %dma_wait3A_161] : memref<10000x128xf32, #tpu.memory_space<hbm>> -> memref<10000x128xf32, #tpu.memory_space<hbm>>
      tpu.wait_indirect_dma semaphore(%arg28 : memref<!tpu.dma_semaphore, #tpu.memory_space<semaphore_mem>>) src(%dma_wait3A_162 : memref<10000x128xf32, #tpu.memory_space<hbm>>) dst(%arg16 : memref<40x128xf32, #tpu.memory_space<vmem>>)
      %dma_wait3A_163 = arith.constant 0 : i32
      %dma_wait3A_164 = arith.constant 0 : i32
      %dma_wait3A_165 = tpu.memref_slice %arg2[%dma_wait3A_163, %dma_wait3A_164] : memref<10000x128xf32, #tpu.memory_space<hbm>> -> memref<10000x128xf32, #tpu.memory_space<hbm>>
      tpu.wait_indirect_dma semaphore(%arg28 : memref<!tpu.dma_semaphore, #tpu.memory_space<semaphore_mem>>) src(%dma_wait3A_165 : memref<10000x128xf32, #tpu.memory_space<hbm>>) dst(%arg14 : memref<40x128xf32, #tpu.memory_space<vmem>>)
      %mul3A_166 = arith.constant 40 : i32
      %mul3A_167 = arith.muli %add3A_154, %mul3A_166 : i32
      %add3A_168 = arith.addi %mul3A_10, %mul3A_167 : i32
      %multiple_of3A_169 = tpu.assume_multiple %add3A_168, 8 : i32
      %dma_wait3A_170 = arith.constant 0 : i32
      %dma_wait3A_171 = tpu.memref_slice %arg3[%multiple_of3A_169, %dma_wait3A_170] : memref<320000x128xf32, #tpu.memory_space<hbm>> -> memref<40x128xf32, #tpu.memory_space<hbm>>
      %dma_wait3A_172 = arith.constant 0 : i32
      %dma_wait3A_173 = tpu.memref_slice %arg3[%multiple_of3A_169, %dma_wait3A_172] : memref<320000x128xf32, #tpu.memory_space<hbm>> -> memref<40x128xf32, #tpu.memory_space<hbm>>
      tpu.wait_dma2 semaphore(%arg28 : memref<!tpu.dma_semaphore, #tpu.memory_space<semaphore_mem>>) src(%dma_wait3A_173 : memref<40x128xf32, #tpu.memory_space<hbm>>) dst(%arg18 : memref<40x128xf32, #tpu.memory_space<vmem>>)
      %mul3A_174 = arith.constant 40 : i32
      %mul3A_175 = arith.muli %add3A_154, %mul3A_174 : i32
      %add3A_176 = arith.addi %mul3A_10, %mul3A_175 : i32
      %multiple_of3A_177 = tpu.assume_multiple %add3A_176, 8 : i32
      %dma_start3A_178 = tpu.memref_slice %arg5[%multiple_of3A_177] : memref<320000xi32, #tpu.memory_space<hbm>> -> memref<40xi32, #tpu.memory_space<hbm>>
      %dma_start3A_179 = tpu.memref_slice %arg5[%multiple_of3A_177] : memref<320000xi32, #tpu.memory_space<hbm>> -> memref<40xi32, #tpu.memory_space<hbm>>
      tpu.enqueue_dma source(%dma_start3A_179 : memref<40xi32, #tpu.memory_space<hbm>>) target(%arg12 : memref<40xi32, #tpu.memory_space<vmem>>) target_semaphore(%arg26 : memref<!tpu.dma_semaphore, #tpu.memory_space<semaphore_mem>>)
      %add3A_180 = arith.constant 3 : i32
      %add3A_181 = arith.addi %mul3A_71, %add3A_180 : i32
      %lt3A_182 = arith.constant 250 : i32
      %lt3A_183 = arith.cmpi slt, %add3A_181, %lt3A_182 : i32
      %convert_element_type3A_184 = arith.extui %lt3A_183 : i1 to i32
      %cond3A_185 = arith.constant 0 : i32
      %cond3A_186 = arith.cmpi ne, %convert_element_type3A_184, %cond3A_185 : i32
      scf.if %cond3A_186 {
        %add3A_204 = arith.constant 3 : i32
        %add3A_205 = arith.addi %mul3A_71, %add3A_204 : i32
        %mul3A_206 = arith.constant 40 : i32
        %mul3A_207 = arith.muli %add3A_205, %mul3A_206 : i32
        %add3A_208 = arith.addi %mul3A_10, %mul3A_207 : i32
        %multiple_of3A_209 = tpu.assume_multiple %add3A_208, 8 : i32
        %dma_start3A_210 = tpu.memref_slice %arg4[%multiple_of3A_209] : memref<320000xi32, #tpu.memory_space<hbm>> -> memref<40xi32, #tpu.memory_space<hbm>>
        %dma_start3A_211 = tpu.memref_slice %arg4[%multiple_of3A_209] : memref<320000xi32, #tpu.memory_space<hbm>> -> memref<40xi32, #tpu.memory_space<hbm>>
        tpu.enqueue_dma source(%dma_start3A_211 : memref<40xi32, #tpu.memory_space<hbm>>) target(%arg8 : memref<40xi32, #tpu.memory_space<vmem>>) target_semaphore(%arg24 : memref<!tpu.dma_semaphore, #tpu.memory_space<semaphore_mem>>)
        %mul3A_212 = arith.constant 40 : i32
        %mul3A_213 = arith.muli %add3A_205, %mul3A_212 : i32
        %add3A_214 = arith.addi %mul3A_10, %mul3A_213 : i32
        %multiple_of3A_215 = tpu.assume_multiple %add3A_214, 8 : i32
        %dma_start3A_216 = tpu.memref_slice %arg5[%multiple_of3A_215] : memref<320000xi32, #tpu.memory_space<hbm>> -> memref<40xi32, #tpu.memory_space<hbm>>
        %dma_start3A_217 = tpu.memref_slice %arg5[%multiple_of3A_215] : memref<320000xi32, #tpu.memory_space<hbm>> -> memref<40xi32, #tpu.memory_space<hbm>>
        tpu.enqueue_dma source(%dma_start3A_217 : memref<40xi32, #tpu.memory_space<hbm>>) target(%arg10 : memref<40xi32, #tpu.memory_space<vmem>>) target_semaphore(%arg24 : memref<!tpu.dma_semaphore, #tpu.memory_space<semaphore_mem>>)
      } else {
      }
      %add3A_187 = arith.constant 1 : i32
      %add3A_188 = arith.addi %mul3A_71, %add3A_187 : i32
      %scan3A_189 = arith.constant 0 : i32
      %scan3A_190 = arith.constant 0 : i32
      %scan3A_191 = arith.constant 40 : i32
      %scan3A_192 = arith.addi %scan3A_190, %scan3A_191 : i32
      %scan3A_193 = arith.constant 1 : i32
      scf.for %scan3A_204 = %scan3A_190 to %scan3A_192 step %scan3A_193  : i32 {
        %get3A = arith.index_cast %scan3A_204 : i32 to index
        %get3A_205 = arith.constant 0 : index
        %get3A_206 = tpu.vector_load %arg18[%get3A, %get3A_205] {strides = array<i32>} : memref<40x128xf32, #tpu.memory_space<vmem>>, vector<1x16xf32>,
        %get3A_207 = vector.shape_cast %get3A_206 : vector<1x16xf32> to vector<16xf32>
        %get3A_208 = arith.index_cast %scan3A_204 : i32 to index
        %get3A_209 = arith.constant 0 : index
        %get3A_210 = tpu.vector_load %arg14[%get3A_208, %get3A_209] {strides = array<i32>} : memref<40x128xf32, #tpu.memory_space<vmem>>, vector<1x16xf32>,
        %get3A_211 = vector.shape_cast %get3A_210 : vector<1x16xf32> to vector<16xf32>
        %get3A_212 = arith.index_cast %scan3A_204 : i32 to index
        %get3A_213 = arith.constant 0 : index
        %get3A_214 = tpu.vector_load %arg16[%get3A_212, %get3A_213] {strides = array<i32>} : memref<40x128xf32, #tpu.memory_space<vmem>>, vector<1x16xf32>,
        %get3A_215 = vector.shape_cast %get3A_214 : vector<1x16xf32> to vector<16xf32>
        %sub3A = arith.subf %get3A_211, %get3A_215 : vector<16xf32>
        %mul3A_216 = arith.mulf %get3A_207, %sub3A : vector<16xf32>
        %swap3A = arith.index_cast %scan3A_204 : i32 to index
        %swap3A_217 = arith.constant 0 : index
        %swap3A_218 = tpu.vector_load %arg20[%swap3A, %swap3A_217] {strides = array<i32>} : memref<40x128xf32, #tpu.memory_space<vmem>>, vector<1x16xf32>,
        %swap3A_219 = vector.shape_cast %swap3A_218 : vector<1x16xf32> to vector<16xf32>
        %swap3A_220 = vector.shape_cast %mul3A_216 : vector<16xf32> to vector<1x16xf32>
        tpu.vector_store %arg20[%swap3A, %swap3A_217], %swap3A_220 {strides = array<i32>} : memref<40x128xf32, #tpu.memory_space<vmem>>, vector<1x16xf32>,
        %get3A_221 = arith.index_cast %scan3A_204 : i32 to index
        %get3A_222 = arith.constant 16 : index
        %get3A_223 = tpu.vector_load %arg18[%get3A_221, %get3A_222] {strides = array<i32>} : memref<40x128xf32, #tpu.memory_space<vmem>>, vector<1x16xf32>,
        %get3A_224 = vector.shape_cast %get3A_223 : vector<1x16xf32> to vector<16xf32>
        %get3A_225 = arith.index_cast %scan3A_204 : i32 to index
        %get3A_226 = arith.constant 16 : index
        %get3A_227 = tpu.vector_load %arg14[%get3A_225, %get3A_226] {strides = array<i32>} : memref<40x128xf32, #tpu.memory_space<vmem>>, vector<1x16xf32>,
        %get3A_228 = vector.shape_cast %get3A_227 : vector<1x16xf32> to vector<16xf32>
        %get3A_229 = arith.index_cast %scan3A_204 : i32 to index
        %get3A_230 = arith.constant 16 : index
        %get3A_231 = tpu.vector_load %arg16[%get3A_229, %get3A_230] {strides = array<i32>} : memref<40x128xf32, #tpu.memory_space<vmem>>, vector<1x16xf32>,
        %get3A_232 = vector.shape_cast %get3A_231 : vector<1x16xf32> to vector<16xf32>
        %sub3A_233 = arith.subf %get3A_228, %get3A_232 : vector<16xf32>
        %mul3A_234 = arith.mulf %get3A_224, %sub3A_233 : vector<16xf32>
        %swap3A_235 = arith.index_cast %scan3A_204 : i32 to index
        %swap3A_236 = arith.constant 16 : index
        %swap3A_237 = tpu.vector_load %arg20[%swap3A_235, %swap3A_236] {strides = array<i32>} : memref<40x128xf32, #tpu.memory_space<vmem>>, vector<1x16xf32>,
        %swap3A_238 = vector.shape_cast %swap3A_237 : vector<1x16xf32> to vector<16xf32>
        %swap3A_239 = vector.shape_cast %mul3A_234 : vector<16xf32> to vector<1x16xf32>
        tpu.vector_store %arg20[%swap3A_235, %swap3A_236], %swap3A_239 {strides = array<i32>} : memref<40x128xf32, #tpu.memory_space<vmem>>, vector<1x16xf32>,
        %get3A_240 = arith.index_cast %scan3A_204 : i32 to index
        %get3A_241 = arith.constant 32 : index
        %get3A_242 = tpu.vector_load %arg18[%get3A_240, %get3A_241] {strides = array<i32>} : memref<40x128xf32, #tpu.memory_space<vmem>>, vector<1x16xf32>,
        %get3A_243 = vector.shape_cast %get3A_242 : vector<1x16xf32> to vector<16xf32>
        %get3A_244 = arith.index_cast %scan3A_204 : i32 to index
        %get3A_245 = arith.constant 32 : index
        %get3A_246 = tpu.vector_load %arg14[%get3A_244, %get3A_245] {strides = array<i32>} : memref<40x128xf32, #tpu.memory_space<vmem>>, vector<1x16xf32>,
        %get3A_247 = vector.shape_cast %get3A_246 : vector<1x16xf32> to vector<16xf32>
        %get3A_248 = arith.index_cast %scan3A_204 : i32 to index
        %get3A_249 = arith.constant 32 : index
        %get3A_250 = tpu.vector_load %arg16[%get3A_248, %get3A_249] {strides = array<i32>} : memref<40x128xf32, #tpu.memory_space<vmem>>, vector<1x16xf32>,
        %get3A_251 = vector.shape_cast %get3A_250 : vector<1x16xf32> to vector<16xf32>
        %sub3A_252 = arith.subf %get3A_247, %get3A_251 : vector<16xf32>
        %mul3A_253 = arith.mulf %get3A_243, %sub3A_252 : vector<16xf32>
        %swap3A_254 = arith.index_cast %scan3A_204 : i32 to index
        %swap3A_255 = arith.constant 32 : index
        %swap3A_256 = tpu.vector_load %arg20[%swap3A_254, %swap3A_255] {strides = array<i32>} : memref<40x128xf32, #tpu.memory_space<vmem>>, vector<1x16xf32>,
        %swap3A_257 = vector.shape_cast %swap3A_256 : vector<1x16xf32> to vector<16xf32>
        %swap3A_258 = vector.shape_cast %mul3A_253 : vector<16xf32> to vector<1x16xf32>
        tpu.vector_store %arg20[%swap3A_254, %swap3A_255], %swap3A_258 {strides = array<i32>} : memref<40x128xf32, #tpu.memory_space<vmem>>, vector<1x16xf32>,
        %get3A_259 = arith.index_cast %scan3A_204 : i32 to index
        %get3A_260 = arith.constant 48 : index
        %get3A_261 = tpu.vector_load %arg18[%get3A_259, %get3A_260] {strides = array<i32>} : memref<40x128xf32, #tpu.memory_space<vmem>>, vector<1x16xf32>,
        %get3A_262 = vector.shape_cast %get3A_261 : vector<1x16xf32> to vector<16xf32>
        %get3A_263 = arith.index_cast %scan3A_204 : i32 to index
        %get3A_264 = arith.constant 48 : index
        %get3A_265 = tpu.vector_load %arg14[%get3A_263, %get3A_264] {strides = array<i32>} : memref<40x128xf32, #tpu.memory_space<vmem>>, vector<1x16xf32>,
        %get3A_266 = vector.shape_cast %get3A_265 : vector<1x16xf32> to vector<16xf32>
        %get3A_267 = arith.index_cast %scan3A_204 : i32 to index
        %get3A_268 = arith.constant 48 : index
        %get3A_269 = tpu.vector_load %arg16[%get3A_267, %get3A_268] {strides = array<i32>} : memref<40x128xf32, #tpu.memory_space<vmem>>, vector<1x16xf32>,
        %get3A_270 = vector.shape_cast %get3A_269 : vector<1x16xf32> to vector<16xf32>
        %sub3A_271 = arith.subf %get3A_266, %get3A_270 : vector<16xf32>
        %mul3A_272 = arith.mulf %get3A_262, %sub3A_271 : vector<16xf32>
        %swap3A_273 = arith.index_cast %scan3A_204 : i32 to index
        %swap3A_274 = arith.constant 48 : index
        %swap3A_275 = tpu.vector_load %arg20[%swap3A_273, %swap3A_274] {strides = array<i32>} : memref<40x128xf32, #tpu.memory_space<vmem>>, vector<1x16xf32>,
        %swap3A_276 = vector.shape_cast %swap3A_275 : vector<1x16xf32> to vector<16xf32>
        %swap3A_277 = vector.shape_cast %mul3A_272 : vector<16xf32> to vector<1x16xf32>
        tpu.vector_store %arg20[%swap3A_273, %swap3A_274], %swap3A_277 {strides = array<i32>} : memref<40x128xf32, #tpu.memory_space<vmem>>, vector<1x16xf32>,
        %get3A_278 = arith.index_cast %scan3A_204 : i32 to index
        %get3A_279 = arith.constant 64 : index
        %get3A_280 = tpu.vector_load %arg18[%get3A_278, %get3A_279] {strides = array<i32>} : memref<40x128xf32, #tpu.memory_space<vmem>>, vector<1x16xf32>,
        %get3A_281 = vector.shape_cast %get3A_280 : vector<1x16xf32> to vector<16xf32>
        %get3A_282 = arith.index_cast %scan3A_204 : i32 to index
        %get3A_283 = arith.constant 64 : index
        %get3A_284 = tpu.vector_load %arg14[%get3A_282, %get3A_283] {strides = array<i32>} : memref<40x128xf32, #tpu.memory_space<vmem>>, vector<1x16xf32>,
        %get3A_285 = vector.shape_cast %get3A_284 : vector<1x16xf32> to vector<16xf32>
        %get3A_286 = arith.index_cast %scan3A_204 : i32 to index
        %get3A_287 = arith.constant 64 : index
        %get3A_288 = tpu.vector_load %arg16[%get3A_286, %get3A_287] {strides = array<i32>} : memref<40x128xf32, #tpu.memory_space<vmem>>, vector<1x16xf32>,
        %get3A_289 = vector.shape_cast %get3A_288 : vector<1x16xf32> to vector<16xf32>
        %sub3A_290 = arith.subf %get3A_285, %get3A_289 : vector<16xf32>
        %mul3A_291 = arith.mulf %get3A_281, %sub3A_290 : vector<16xf32>
        %swap3A_292 = arith.index_cast %scan3A_204 : i32 to index
        %swap3A_293 = arith.constant 64 : index
        %swap3A_294 = tpu.vector_load %arg20[%swap3A_292, %swap3A_293] {strides = array<i32>} : memref<40x128xf32, #tpu.memory_space<vmem>>, vector<1x16xf32>,
        %swap3A_295 = vector.shape_cast %swap3A_294 : vector<1x16xf32> to vector<16xf32>
        %swap3A_296 = vector.shape_cast %mul3A_291 : vector<16xf32> to vector<1x16xf32>
        tpu.vector_store %arg20[%swap3A_292, %swap3A_293], %swap3A_296 {strides = array<i32>} : memref<40x128xf32, #tpu.memory_space<vmem>>, vector<1x16xf32>,
        %get3A_297 = arith.index_cast %scan3A_204 : i32 to index
        %get3A_298 = arith.constant 80 : index
        %get3A_299 = tpu.vector_load %arg18[%get3A_297, %get3A_298] {strides = array<i32>} : memref<40x128xf32, #tpu.memory_space<vmem>>, vector<1x16xf32>,
        %get3A_300 = vector.shape_cast %get3A_299 : vector<1x16xf32> to vector<16xf32>
        %get3A_301 = arith.index_cast %scan3A_204 : i32 to index
        %get3A_302 = arith.constant 80 : index
        %get3A_303 = tpu.vector_load %arg14[%get3A_301, %get3A_302] {strides = array<i32>} : memref<40x128xf32, #tpu.memory_space<vmem>>, vector<1x16xf32>,
        %get3A_304 = vector.shape_cast %get3A_303 : vector<1x16xf32> to vector<16xf32>
        %get3A_305 = arith.index_cast %scan3A_204 : i32 to index
        %get3A_306 = arith.constant 80 : index
        %get3A_307 = tpu.vector_load %arg16[%get3A_305, %get3A_306] {strides = array<i32>} : memref<40x128xf32, #tpu.memory_space<vmem>>, vector<1x16xf32>,
        %get3A_308 = vector.shape_cast %get3A_307 : vector<1x16xf32> to vector<16xf32>
        %sub3A_309 = arith.subf %get3A_304, %get3A_308 : vector<16xf32>
        %mul3A_310 = arith.mulf %get3A_300, %sub3A_309 : vector<16xf32>
        %swap3A_311 = arith.index_cast %scan3A_204 : i32 to index
        %swap3A_312 = arith.constant 80 : index
        %swap3A_313 = tpu.vector_load %arg20[%swap3A_311, %swap3A_312] {strides = array<i32>} : memref<40x128xf32, #tpu.memory_space<vmem>>, vector<1x16xf32>,
        %swap3A_314 = vector.shape_cast %swap3A_313 : vector<1x16xf32> to vector<16xf32>
        %swap3A_315 = vector.shape_cast %mul3A_310 : vector<16xf32> to vector<1x16xf32>
        tpu.vector_store %arg20[%swap3A_311, %swap3A_312], %swap3A_315 {strides = array<i32>} : memref<40x128xf32, #tpu.memory_space<vmem>>, vector<1x16xf32>,
        %get3A_316 = arith.index_cast %scan3A_204 : i32 to index
        %get3A_317 = arith.constant 96 : index
        %get3A_318 = tpu.vector_load %arg18[%get3A_316, %get3A_317] {strides = array<i32>} : memref<40x128xf32, #tpu.memory_space<vmem>>, vector<1x16xf32>,
        %get3A_319 = vector.shape_cast %get3A_318 : vector<1x16xf32> to vector<16xf32>
        %get3A_320 = arith.index_cast %scan3A_204 : i32 to index
        %get3A_321 = arith.constant 96 : index
        %get3A_322 = tpu.vector_load %arg14[%get3A_320, %get3A_321] {strides = array<i32>} : memref<40x128xf32, #tpu.memory_space<vmem>>, vector<1x16xf32>,
        %get3A_323 = vector.shape_cast %get3A_322 : vector<1x16xf32> to vector<16xf32>
        %get3A_324 = arith.index_cast %scan3A_204 : i32 to index
        %get3A_325 = arith.constant 96 : index
        %get3A_326 = tpu.vector_load %arg16[%get3A_324, %get3A_325] {strides = array<i32>} : memref<40x128xf32, #tpu.memory_space<vmem>>, vector<1x16xf32>,
        %get3A_327 = vector.shape_cast %get3A_326 : vector<1x16xf32> to vector<16xf32>
        %sub3A_328 = arith.subf %get3A_323, %get3A_327 : vector<16xf32>
        %mul3A_329 = arith.mulf %get3A_319, %sub3A_328 : vector<16xf32>
        %swap3A_330 = arith.index_cast %scan3A_204 : i32 to index
        %swap3A_331 = arith.constant 96 : index
        %swap3A_332 = tpu.vector_load %arg20[%swap3A_330, %swap3A_331] {strides = array<i32>} : memref<40x128xf32, #tpu.memory_space<vmem>>, vector<1x16xf32>,
        %swap3A_333 = vector.shape_cast %swap3A_332 : vector<1x16xf32> to vector<16xf32>
        %swap3A_334 = vector.shape_cast %mul3A_329 : vector<16xf32> to vector<1x16xf32>
        tpu.vector_store %arg20[%swap3A_330, %swap3A_331], %swap3A_334 {strides = array<i32>} : memref<40x128xf32, #tpu.memory_space<vmem>>, vector<1x16xf32>,
        %get3A_335 = arith.index_cast %scan3A_204 : i32 to index
        %get3A_336 = arith.constant 112 : index
        %get3A_337 = tpu.vector_load %arg18[%get3A_335, %get3A_336] {strides = array<i32>} : memref<40x128xf32, #tpu.memory_space<vmem>>, vector<1x16xf32>,
        %get3A_338 = vector.shape_cast %get3A_337 : vector<1x16xf32> to vector<16xf32>
        %get3A_339 = arith.index_cast %scan3A_204 : i32 to index
        %get3A_340 = arith.constant 112 : index
        %get3A_341 = tpu.vector_load %arg14[%get3A_339, %get3A_340] {strides = array<i32>} : memref<40x128xf32, #tpu.memory_space<vmem>>, vector<1x16xf32>,
        %get3A_342 = vector.shape_cast %get3A_341 : vector<1x16xf32> to vector<16xf32>
        %get3A_343 = arith.index_cast %scan3A_204 : i32 to index
        %get3A_344 = arith.constant 112 : index
        %get3A_345 = tpu.vector_load %arg16[%get3A_343, %get3A_344] {strides = array<i32>} : memref<40x128xf32, #tpu.memory_space<vmem>>, vector<1x16xf32>,
        %get3A_346 = vector.shape_cast %get3A_345 : vector<1x16xf32> to vector<16xf32>
        %sub3A_347 = arith.subf %get3A_342, %get3A_346 : vector<16xf32>
        %mul3A_348 = arith.mulf %get3A_338, %sub3A_347 : vector<16xf32>
        %swap3A_349 = arith.index_cast %scan3A_204 : i32 to index
        %swap3A_350 = arith.constant 112 : index
        %swap3A_351 = tpu.vector_load %arg20[%swap3A_349, %swap3A_350] {strides = array<i32>} : memref<40x128xf32, #tpu.memory_space<vmem>>, vector<1x16xf32>,
        %swap3A_352 = vector.shape_cast %swap3A_351 : vector<1x16xf32> to vector<16xf32>
        %swap3A_353 = vector.shape_cast %mul3A_348 : vector<16xf32> to vector<1x16xf32>
        tpu.vector_store %arg20[%swap3A_349, %swap3A_350], %swap3A_353 {strides = array<i32>} : memref<40x128xf32, #tpu.memory_space<vmem>>, vector<1x16xf32>,
      }
      %scan3A_194 = arith.constant 40 : i32
      %mul3A_195 = arith.constant 40 : i32
      %mul3A_196 = arith.muli %add3A_188, %mul3A_195 : i32
      %add3A_197 = arith.addi %mul3A_10, %mul3A_196 : i32
      %multiple_of3A_198 = tpu.assume_multiple %add3A_197, 8 : i32
      %dma_wait3A_199 = tpu.memref_slice %arg5[%multiple_of3A_198] : memref<320000xi32, #tpu.memory_space<hbm>> -> memref<40xi32, #tpu.memory_space<hbm>>
      %dma_wait3A_200 = tpu.memref_slice %arg5[%multiple_of3A_198] : memref<320000xi32, #tpu.memory_space<hbm>> -> memref<40xi32, #tpu.memory_space<hbm>>
      tpu.wait_dma2 semaphore(%arg26 : memref<!tpu.dma_semaphore, #tpu.memory_space<semaphore_mem>>) src(%dma_wait3A_200 : memref<40xi32, #tpu.memory_space<hbm>>) dst(%arg12 : memref<40xi32, #tpu.memory_space<vmem>>)
      %dma_start3A_201 = arith.constant 0 : i32
      %dma_start3A_202 = arith.constant 0 : i32
      %dma_start3A_203 = tpu.memref_slice %arg22[%dma_start3A_201, %dma_start3A_202] : memref<10000x128xf32, #tpu.memory_space<vmem_shared>> -> memref<10000x128xf32, #tpu.memory_space<vmem_shared>>
      tpu.enqueue_indirect_dma source(%arg20 : memref<40x128xf32, #tpu.memory_space<vmem>>) target(%dma_start3A_203 : memref<10000x128xf32, #tpu.memory_space<vmem_shared>>) offsets(%arg12 : memref<40xi32, #tpu.memory_space<vmem>>) semaphore(%arg30 : memref<!tpu.dma_semaphore, #tpu.memory_space<semaphore_mem>>) {add = true}
    }
    %scan3A_56 = arith.constant 125 : i32
    %dma_wait3A_57 = arith.constant 0 : i32
    %dma_wait3A_58 = arith.constant 0 : i32
    %dma_wait3A_59 = tpu.memref_slice %arg22[%dma_wait3A_57, %dma_wait3A_58] : memref<10000x128xf32, #tpu.memory_space<vmem_shared>> -> memref<10000x128xf32, #tpu.memory_space<vmem_shared>>
    tpu.wait_indirect_dma semaphore(%arg29 : memref<!tpu.dma_semaphore, #tpu.memory_space<semaphore_mem>>) src(%arg19 : memref<40x128xf32, #tpu.memory_space<vmem>>) dst(%dma_wait3A_59 : memref<10000x128xf32, #tpu.memory_space<vmem_shared>>)
    %dma_wait3A_60 = arith.constant 0 : i32
    %dma_wait3A_61 = arith.constant 0 : i32
    %dma_wait3A_62 = tpu.memref_slice %arg22[%dma_wait3A_60, %dma_wait3A_61] : memref<10000x128xf32, #tpu.memory_space<vmem_shared>> -> memref<10000x128xf32, #tpu.memory_space<vmem_shared>>
    tpu.wait_indirect_dma semaphore(%arg30 : memref<!tpu.dma_semaphore, #tpu.memory_space<semaphore_mem>>) src(%arg20 : memref<40x128xf32, #tpu.memory_space<vmem>>) dst(%dma_wait3A_62 : memref<10000x128xf32, #tpu.memory_space<vmem_shared>>)
    %barrier3A_63 = arith.constant 0 : index
    tpu.barrier barrier_id(%barrier3A_63)
    %lt3A_64 = arith.constant 10 : i32
    %lt3A_65 = arith.cmpi slt, %arg1, %lt3A_64 : i32
    %convert_element_type3A_66 = arith.extui %lt3A_65 : i1 to i32
    %cond3A_67 = arith.constant 0 : i32
    %cond3A_68 = arith.cmpi ne, %convert_element_type3A_66, %cond3A_67 : i32
    scf.if %cond3A_68 {
      %mul3A_69 = arith.constant 1000 : i32
      %mul3A_70 = arith.muli %arg1, %mul3A_69 : i32
      %multiple_of3A_71 = tpu.assume_multiple %mul3A_70, 8 : i32
      "tpu.region"() ({
        %run_scoped3A = tpu.sem_alloc : memref<!tpu.dma_semaphore, #tpu.memory_space<semaphore_mem>>
        %dma_start3A_72 = arith.constant 0 : i32
        %dma_start3A_73 = tpu.memref_slice %arg6[%arg0, %multiple_of3A_71, %dma_start3A_72] : memref<2x10000x128xf32, #tpu.memory_space<hbm>> -> memref<1x1000x128xf32, #tpu.memory_space<hbm>>
        %dma_start3A_74 = tpu.memref_squeeze %dma_start3A_73 : memref<1x1000x128xf32, #tpu.memory_space<hbm>> -> memref<1000x128xf32, #tpu.memory_space<hbm>>
        %dma_start3A_75 = arith.constant 0 : i32
        %dma_start3A_76 = tpu.memref_slice %arg22[%multiple_of3A_71, %dma_start3A_75] : memref<10000x128xf32, #tpu.memory_space<vmem_shared>> -> memref<1000x128xf32, #tpu.memory_space<vmem_shared>>
        tpu.enqueue_dma source(%dma_start3A_76 : memref<1000x128xf32, #tpu.memory_space<vmem_shared>>) target(%dma_start3A_74 : memref<1000x128xf32, #tpu.memory_space<hbm>>) target_semaphore(%run_scoped3A : memref<!tpu.dma_semaphore, #tpu.memory_space<semaphore_mem>>)
        %dma_wait3A_77 = arith.constant 0 : i32
        %dma_wait3A_78 = tpu.memref_slice %arg6[%arg0, %multiple_of3A_71, %dma_wait3A_77] : memref<2x10000x128xf32, #tpu.memory_space<hbm>> -> memref<1x1000x128xf32, #tpu.memory_space<hbm>>
        %dma_wait3A_79 = tpu.memref_squeeze %dma_wait3A_78 : memref<1x1000x128xf32, #tpu.memory_space<hbm>> -> memref<1000x128xf32, #tpu.memory_space<hbm>>
        %dma_wait3A_80 = arith.constant 0 : i32
        %dma_wait3A_81 = tpu.memref_slice %arg22[%multiple_of3A_71, %dma_wait3A_80] : memref<10000x128xf32, #tpu.memory_space<vmem_shared>> -> memref<1000x128xf32, #tpu.memory_space<vmem_shared>>
        tpu.wait_dma2 semaphore(%run_scoped3A : memref<!tpu.dma_semaphore, #tpu.memory_space<semaphore_mem>>) src(%dma_wait3A_81 : memref<1000x128xf32, #tpu.memory_space<vmem_shared>>) dst(%dma_wait3A_79 : memref<1000x128xf32, #tpu.memory_space<hbm>>)
        tpu.yield
      }) : () -> ()
    } else {
    }
    return
  }
}

module attributes {stable_mosaic.version = 14 : i64} {
  func.func @_precompute_body(%arg0: i32, %arg1: memref<2000x128xf32, #tpu.memory_space<vmem>>, %arg2: memref<2000x128xf32, #tpu.memory_space<vmem>>, %arg3: memref<128x128xf32, #tpu.memory_space<vmem>>, %arg4: memref<128x128xf32, #tpu.memory_space<vmem>>, %arg5: memref<1x128xf32, #tpu.memory_space<vmem>>, %arg6: memref<2000x128xf32, #tpu.memory_space<vmem>>) attributes {dimension_semantics = [#tpu.dimension_semantics<arbitrary>], iteration_bounds = array<i64: 5>, scalar_prefetch = 0 : i64, scratch_operands = 0 : i64, tpu.core_type = #tpu.core_type<tc>, window_params = [{transform_indices = @transform_0, window_bounds = array<i64: 2000, 128>}, {transform_indices = @transform_1, window_bounds = array<i64: 2000, 128>}, {pipeline_mode = #tpu.pipeline_mode<synchronous>, transform_indices = @transform_2, window_bounds = array<i64: 128, 128>}, {pipeline_mode = #tpu.pipeline_mode<synchronous>, transform_indices = @transform_3, window_bounds = array<i64: 128, 128>}, {pipeline_mode = #tpu.pipeline_mode<synchronous>, transform_indices = @transform_4, window_bounds = array<i64: 1, 128>}, {transform_indices = @transform_5, window_bounds = array<i64: 2000, 128>}]} {
    %get3A = arith.constant 0 : index
    %get3A_0 = arith.constant 0 : index
    %get3A_1 = vector.load %arg1[%get3A, %get3A_0] : memref<2000x128xf32, #tpu.memory_space<vmem>>, vector<2000x128xf32>
    %get3A_2 = arith.constant 0 : index
    %get3A_3 = arith.constant 0 : index
    %get3A_4 = vector.load %arg3[%get3A_2, %get3A_3] : memref<128x128xf32, #tpu.memory_space<vmem>>, vector<128x128xf32>
    %dot_general3A = arith.constant dense<0.000000e+00> : vector<2000x128xf32>
    %dot_general3A_5 = tpu.matmul %get3A_1, %get3A_4, %dot_general3A {dimension_numbers = #tpu.dot_dimension_numbers<[1], [0], [0], [1], [0, 0, 1, 1], [], []>, transpose_lhs_hint = false} : vector<2000x128xf32>, vector<128x128xf32>, vector<2000x128xf32> -> vector<2000x128xf32>
    %get3A_6 = arith.constant 0 : index
    %get3A_7 = arith.constant 0 : index
    %get3A_8 = vector.load %arg2[%get3A_6, %get3A_7] : memref<2000x128xf32, #tpu.memory_space<vmem>>, vector<2000x128xf32>
    %get3A_9 = arith.constant 0 : index
    %get3A_10 = arith.constant 0 : index
    %get3A_11 = vector.load %arg4[%get3A_9, %get3A_10] : memref<128x128xf32, #tpu.memory_space<vmem>>, vector<128x128xf32>
    %dot_general3A_12 = arith.constant dense<0.000000e+00> : vector<2000x128xf32>
    %dot_general3A_13 = tpu.matmul %get3A_8, %get3A_11, %dot_general3A_12 {dimension_numbers = #tpu.dot_dimension_numbers<[1], [0], [0], [1], [0, 0, 1, 1], [], []>, transpose_lhs_hint = false} : vector<2000x128xf32>, vector<128x128xf32>, vector<2000x128xf32> -> vector<2000x128xf32>
    %add3A = arith.addf %dot_general3A_5, %dot_general3A_13 : vector<2000x128xf32>
    %get3A_14 = arith.constant 0 : index
    %get3A_15 = arith.constant 0 : index
    %get3A_16 = vector.load %arg5[%get3A_14, %get3A_15] : memref<1x128xf32, #tpu.memory_space<vmem>>, vector<1x128xf32>
    %add3A_17 = vector.broadcast %get3A_16 : vector<1x128xf32> to vector<2000x128xf32>
    %add3A_18 = arith.addf %add3A, %add3A_17 : vector<2000x128xf32>
    %swap3A = arith.constant 0 : index
    %swap3A_19 = arith.constant 0 : index
    %swap3A_20 = vector.load %arg6[%swap3A, %swap3A_19] : memref<2000x128xf32, #tpu.memory_space<vmem>>, vector<2000x128xf32>
    tpu.vector_store %arg6[%swap3A, %swap3A_19], %add3A_18 {strides = array<i32>} : memref<2000x128xf32, #tpu.memory_space<vmem>>, vector<2000x128xf32>,
    return
  }
  func.func @transform_0(%arg0: i32) -> (i32, i32) {
    %c0_i32 = arith.constant 0 : i32
    %c0_i32_0 = arith.constant 0 : i32
    return %arg0, %c0_i32 : i32, i32
  }
  func.func @transform_1(%arg0: i32) -> (i32, i32) {
    %c0_i32 = arith.constant 0 : i32
    %c0_i32_0 = arith.constant 0 : i32
    return %arg0, %c0_i32 : i32, i32
  }
  func.func @transform_2(%arg0: i32) -> (i32, i32) {
    %c0_i32 = arith.constant 0 : i32
    %c0_i32_0 = arith.constant 0 : i32
    %c0_i32_1 = arith.constant 0 : i32
    return %c0_i32, %c0_i32_0 : i32, i32
  }
  func.func @transform_3(%arg0: i32) -> (i32, i32) {
    %c0_i32 = arith.constant 0 : i32
    %c0_i32_0 = arith.constant 0 : i32
    %c0_i32_1 = arith.constant 0 : i32
    return %c0_i32, %c0_i32_0 : i32, i32
  }
  func.func @transform_4(%arg0: i32) -> (i32, i32) {
    %c0_i32 = arith.constant 0 : i32
    %c0_i32_0 = arith.constant 0 : i32
    %c0_i32_1 = arith.constant 0 : i32
    return %c0_i32, %c0_i32_0 : i32, i32
  }
  func.func @transform_5(%arg0: i32) -> (i32, i32) {
    %c0_i32 = arith.constant 0 : i32
    %c0_i32_0 = arith.constant 0 : i32
    return %arg0, %c0_i32 : i32, i32
  }
}

module attributes {stable_mosaic.version = 14 : i64} {
  func.func @_mlp_body(%arg0: i32, %arg1: memref<2000x64xf32, #tpu.memory_space<vmem>>, %arg2: memref<2000x16xf32, #tpu.memory_space<vmem>>, %arg3: memref<16x64xf32, #tpu.memory_space<vmem>>, %arg4: memref<64x128xf32, #tpu.memory_space<vmem>>, %arg5: memref<1x128xf32, #tpu.memory_space<vmem>>, %arg6: memref<2000x128xf32, #tpu.memory_space<vmem>>) attributes {dimension_semantics = [#tpu.dimension_semantics<arbitrary>], iteration_bounds = array<i64: 160>, scalar_prefetch = 0 : i64, scratch_operands = 0 : i64, tpu.core_type = #tpu.core_type<tc>, window_params = [{transform_indices = @transform_0, window_bounds = array<i64: 2000, 64>}, {transform_indices = @transform_1, window_bounds = array<i64: 2000, 16>}, {pipeline_mode = #tpu.pipeline_mode<synchronous>, transform_indices = @transform_2, window_bounds = array<i64: 16, 64>}, {pipeline_mode = #tpu.pipeline_mode<synchronous>, transform_indices = @transform_3, window_bounds = array<i64: 64, 128>}, {pipeline_mode = #tpu.pipeline_mode<synchronous>, transform_indices = @transform_4, window_bounds = array<i64: 1, 128>}, {transform_indices = @transform_5, window_bounds = array<i64: 2000, 128>}]} {
    %get3A = arith.constant 0 : index
    %get3A_0 = arith.constant 0 : index
    %get3A_1 = vector.load %arg1[%get3A, %get3A_0] : memref<2000x64xf32, #tpu.memory_space<vmem>>, vector<2000x64xf32>
    %get3A_2 = arith.constant 0 : index
    %get3A_3 = arith.constant 0 : index
    %get3A_4 = vector.load %arg2[%get3A_2, %get3A_3] : memref<2000x16xf32, #tpu.memory_space<vmem>>, vector<2000x16xf32>
    %get3A_5 = arith.constant 0 : index
    %get3A_6 = arith.constant 0 : index
    %get3A_7 = vector.load %arg3[%get3A_5, %get3A_6] : memref<16x64xf32, #tpu.memory_space<vmem>>, vector<16x64xf32>
    %dot_general3A = arith.constant dense<0.000000e+00> : vector<2000x64xf32>
    %dot_general3A_8 = tpu.matmul %get3A_4, %get3A_7, %dot_general3A {dimension_numbers = #tpu.dot_dimension_numbers<[1], [0], [0], [1], [0, 0, 1, 1], [], []>, transpose_lhs_hint = false} : vector<2000x16xf32>, vector<16x64xf32>, vector<2000x64xf32> -> vector<2000x64xf32>
    %add3A = arith.addf %get3A_1, %dot_general3A_8 : vector<2000x64xf32>
    %max3A = arith.constant 0.000000e+00 : f32
    %max3A_9 = vector.broadcast %max3A : f32 to vector<2000x64xf32>
    %max3A_10 = arith.maximumf %add3A, %max3A_9 : vector<2000x64xf32>
    %get3A_11 = arith.constant 0 : index
    %get3A_12 = arith.constant 0 : index
    %get3A_13 = vector.load %arg4[%get3A_11, %get3A_12] : memref<64x128xf32, #tpu.memory_space<vmem>>, vector<64x128xf32>
    %dot_general3A_14 = arith.constant dense<0.000000e+00> : vector<2000x128xf32>
    %dot_general3A_15 = tpu.matmul %max3A_10, %get3A_13, %dot_general3A_14 {dimension_numbers = #tpu.dot_dimension_numbers<[1], [0], [0], [1], [0, 0, 1, 1], [], []>, transpose_lhs_hint = false} : vector<2000x64xf32>, vector<64x128xf32>, vector<2000x128xf32> -> vector<2000x128xf32>
    %get3A_16 = arith.constant 0 : index
    %get3A_17 = arith.constant 0 : index
    %get3A_18 = vector.load %arg5[%get3A_16, %get3A_17] : memref<1x128xf32, #tpu.memory_space<vmem>>, vector<1x128xf32>
    %add3A_19 = vector.broadcast %get3A_18 : vector<1x128xf32> to vector<2000x128xf32>
    %add3A_20 = arith.addf %dot_general3A_15, %add3A_19 : vector<2000x128xf32>
    %max3A_21 = arith.constant 0.000000e+00 : f32
    %max3A_22 = vector.broadcast %max3A_21 : f32 to vector<2000x128xf32>
    %max3A_23 = arith.maximumf %add3A_20, %max3A_22 : vector<2000x128xf32>
    %swap3A = arith.constant 0 : index
    %swap3A_24 = arith.constant 0 : index
    %swap3A_25 = vector.load %arg6[%swap3A, %swap3A_24] : memref<2000x128xf32, #tpu.memory_space<vmem>>, vector<2000x128xf32>
    tpu.vector_store %arg6[%swap3A, %swap3A_24], %max3A_23 {strides = array<i32>} : memref<2000x128xf32, #tpu.memory_space<vmem>>, vector<2000x128xf32>,
    return
  }
  func.func @transform_0(%arg0: i32) -> (i32, i32) {
    %c0_i32 = arith.constant 0 : i32
    %c0_i32_0 = arith.constant 0 : i32
    return %arg0, %c0_i32 : i32, i32
  }
  func.func @transform_1(%arg0: i32) -> (i32, i32) {
    %c0_i32 = arith.constant 0 : i32
    %c0_i32_0 = arith.constant 0 : i32
    return %arg0, %c0_i32 : i32, i32
  }
  func.func @transform_2(%arg0: i32) -> (i32, i32) {
    %c0_i32 = arith.constant 0 : i32
    %c0_i32_0 = arith.constant 0 : i32
    %c0_i32_1 = arith.constant 0 : i32
    return %c0_i32, %c0_i32_0 : i32, i32
  }
  func.func @transform_3(%arg0: i32) -> (i32, i32) {
    %c0_i32 = arith.constant 0 : i32
    %c0_i32_0 = arith.constant 0 : i32
    %c0_i32_1 = arith.constant 0 : i32
    return %c0_i32, %c0_i32_0 : i32, i32
  }
  func.func @transform_4(%arg0: i32) -> (i32, i32) {
    %c0_i32 = arith.constant 0 : i32
    %c0_i32_0 = arith.constant 0 : i32
    %c0_i32_1 = arith.constant 0 : i32
    return %c0_i32, %c0_i32_0 : i32, i32
  }
  func.func @transform_5(%arg0: i32) -> (i32, i32) {
    %c0_i32 = arith.constant 0 : i32
    %c0_i32_0 = arith.constant 0 : i32
    return %arg0, %c0_i32 : i32, i32
  }
}

module attributes {stable_mosaic.version = 14 : i64} {
  func.func @_final_body(%arg0: i32, %arg1: memref<2000x128xf32, #tpu.memory_space<vmem>>, %arg2: memref<2x2000x128xf32, #tpu.memory_space<vmem>>, %arg3: memref<128x128xf32, #tpu.memory_space<vmem>>, %arg4: memref<2000x128xf32, #tpu.memory_space<vmem>>) attributes {dimension_semantics = [#tpu.dimension_semantics<arbitrary>], iteration_bounds = array<i64: 5>, scalar_prefetch = 0 : i64, scratch_operands = 0 : i64, tpu.core_type = #tpu.core_type<tc>, window_params = [{transform_indices = @transform_0, window_bounds = array<i64: 2000, 128>}, {transform_indices = @transform_1, window_bounds = array<i64: 2, 2000, 128>}, {pipeline_mode = #tpu.pipeline_mode<synchronous>, transform_indices = @transform_2, window_bounds = array<i64: 128, 128>}, {transform_indices = @transform_3, window_bounds = array<i64: 2000, 128>}]} {
    %get3A = arith.constant 0 : index
    %get3A_0 = arith.constant 0 : index
    %get3A_1 = arith.constant 0 : index
    %get3A_2 = vector.load %arg2[%get3A, %get3A_0, %get3A_1] : memref<2x2000x128xf32, #tpu.memory_space<vmem>>, vector<1x2000x128xf32>
    %get3A_3 = vector.shape_cast %get3A_2 : vector<1x2000x128xf32> to vector<2000x128xf32>
    %get3A_4 = arith.constant 1 : index
    %get3A_5 = arith.constant 0 : index
    %get3A_6 = arith.constant 0 : index
    %get3A_7 = vector.load %arg2[%get3A_4, %get3A_5, %get3A_6] : memref<2x2000x128xf32, #tpu.memory_space<vmem>>, vector<1x2000x128xf32>
    %get3A_8 = vector.shape_cast %get3A_7 : vector<1x2000x128xf32> to vector<2000x128xf32>
    %add3A = arith.addf %get3A_3, %get3A_8 : vector<2000x128xf32>
    %get3A_9 = arith.constant 0 : index
    %get3A_10 = arith.constant 0 : index
    %get3A_11 = vector.load %arg1[%get3A_9, %get3A_10] : memref<2000x128xf32, #tpu.memory_space<vmem>>, vector<2000x128xf32>
    %get3A_12 = arith.constant 0 : index
    %get3A_13 = arith.constant 0 : index
    %get3A_14 = vector.load %arg3[%get3A_12, %get3A_13] : memref<128x128xf32, #tpu.memory_space<vmem>>, vector<128x128xf32>
    %dot_general3A = arith.constant dense<0.000000e+00> : vector<2000x128xf32>
    %dot_general3A_15 = tpu.matmul %add3A, %get3A_14, %dot_general3A {dimension_numbers = #tpu.dot_dimension_numbers<[1], [0], [0], [1], [0, 0, 1, 1], [], []>, transpose_lhs_hint = false} : vector<2000x128xf32>, vector<128x128xf32>, vector<2000x128xf32> -> vector<2000x128xf32>
    %add3A_16 = arith.addf %get3A_11, %dot_general3A_15 : vector<2000x128xf32>
    %swap3A = arith.constant 0 : index
    %swap3A_17 = arith.constant 0 : index
    %swap3A_18 = vector.load %arg4[%swap3A, %swap3A_17] : memref<2000x128xf32, #tpu.memory_space<vmem>>, vector<2000x128xf32>
    tpu.vector_store %arg4[%swap3A, %swap3A_17], %add3A_16 {strides = array<i32>} : memref<2000x128xf32, #tpu.memory_space<vmem>>, vector<2000x128xf32>,
    return
  }
  func.func @transform_0(%arg0: i32) -> (i32, i32) {
    %c0_i32 = arith.constant 0 : i32
    %c0_i32_0 = arith.constant 0 : i32
    return %arg0, %c0_i32 : i32, i32
  }
  func.func @transform_1(%arg0: i32) -> (i32, i32, i32) {
    %c0_i32 = arith.constant 0 : i32
    %c0_i32_0 = arith.constant 0 : i32
    %c0_i32_1 = arith.constant 0 : i32
    return %c0_i32, %arg0, %c0_i32_0 : i32, i32, i32
  }
  func.func @transform_2(%arg0: i32) -> (i32, i32) {
    %c0_i32 = arith.constant 0 : i32
    %c0_i32_0 = arith.constant 0 : i32
    %c0_i32_1 = arith.constant 0 : i32
    return %c0_i32, %c0_i32_0 : i32, i32
  }
  func.func @transform_3(%arg0: i32) -> (i32, i32) {
    %c0_i32 = arith.constant 0 : i32
    %c0_i32_0 = arith.constant 0 : i32
    return %arg0, %c0_i32 : i32, i32
  }
}

</mosaic_0001>

<sc_bundles>
// kernel: kernel.10.cloned.1.call-start
scs
__scs_entry_jumppad:
0x0: {  	(pc) =	sbr.rel $0x88, $3  }
0x1: {  	(tag) =	ssettag $0x0;
	lr =	simm.s32 $0x1  }
0x2: {  	[smem:$0x3F97] =	sst lr;
	_ =	strace $0xD0000000  }
0x3: {  	_ = 	snop  }
0x4: {  	_ = 	snop  }
0x5: {  	_ = 	snop  }
0x6: {  	_ = 	snop  }
0x7: {  	_ = 	snop  }
__scs_overlays_trampoline_lowered:
0x8: {  	[smem:$0x3FA6] =	sst s0  }
0x9: {  	[smem:$0x3FA7] =	sst s1  }
0xa: {  	[smem:$0x3FA8] =	sst s2  }
0xb: {  	[smem:$0x3FA9] =	sst s3  }
0xc: {  	[smem:$0x3FAA] =	sst s4  }
0xd: {  	[smem:$0x3FAB] =	sst s5  }
0xe: {  	[smem:$0x3FAC] =	sst s6  }
0xf: {  	[smem:$0x3FAD] =	sst s7  }
0x10: {  	[smem:$0x3FAE] =	sst s8  }
0x11: {  	[smem:$0x3FAF] =	sst s9;
	s0 =	simm.s32 @!p0 $0x0  }
0x12: {  	s1 =	sld [smem:$0x3F95];
	s0 =	simm.s32 @p0 $0x1  }
0x13: {  	[smem:$0x3FB0] =	sst s0;
	s0 =	simm.s32 @!p1 $0x0  }
0x14: {  	s2 =	sld [smem:$0x3F94];
	s0 =	simm.s32 @p1 $0x1  }
0x15: {  	[smem:$0x3FB1] =	sst s0;
	s0 =	simm.s32 @!p2 $0x0  }
0x16: {  	s3 =	sld [smem:$0x3FDB];
	s0 =	simm.s32 @p2 $0x1  }
0x17: {  	s4 =	simm.s32 $0x1BF5;
	[smem:$0x3FB3] =	sst s0  }
0x18: {  	s0 =	sld [smem:$0x3F96];
	_ =	swait.ge [sflag:s4], $0x0  }
0x19: {  	s7 =	sld [smem:$0x3F97]  }
0x1a: {  	s8 =	sadd.s32 $0xFFFFE003, lr  }
0x1b: {  	s9 =	sadd.s32 $0xFFFFFEF7, lr;
	s5 =	simm.s32 $0xFFFFFFFF;
	p2 =	slt.u32 s8, $0xFFFFF086  }
0x1c: {  	p1 =	slt.u32 s9, $0xF7A;
	s5 =	simm.s32 @!p2 $0x0  }
0x1d: {  	s5 =	simm.s32 @p1 $0x1;
	p0 =	seq.s32 s7, s2  }
0x1e: {  	s7 =	smul.u32 @!p0 $0xF7A, s2;
	p2 =	seq.s32 @!p0 s5, $0x0  }
0x1f: {  	s9 =	smul.u32 $0xF7A, s1;
	s8 =	simm.s32 @!p0 $0x1BF5;
	p2 =	por !p2, p0  }
0x20: {  	[sflag:s8] =	ssyncset.s32 @!p0 $0xFFFFF086;
	s6 =	sadd.s32 @!p0 s3, s7;
	s7 =	simm.s32 @!p0 $0x108  }
0x21: {  	s3 =	sadd.s32 s3, s9;
	s6 =	sadd.s32 @!p0 $0x88, s6;
	s7 =	simm.s32 @p2 $0x1082  }
0x22: {  	[simem:s7], [sflag:s8] =	dma.local @!p0 [hbm:s6], $0xF7A  }
0x23: {  	s9 =	sor.u32 $0xD0000000, s2;
	s6 =	simm.s32 $0x108;
	_ =	swait.ge @!p0 [sflag:s8], $0x0  }
0x24: {  	s3 =	sadd.s32 $0x88, s3;
	s6 =	simm.s32 @!p1 $0x1082;
	[sflag:s4] =	ssyncset.s32 $0xFFFFF086  }
0x25: {  	[simem:s6], [sflag:s4] =	dma.local [hbm:s3], $0xF7A  }
0x26: {  	[smem:$0x3F97] =	sst s1;
	(tag) =	ssettag s2;
	_ =	strace s9  }
0x27: {  	s1 =	sld [smem:$0x3FA7]  }
0x28: {  	s2 =	sld [smem:$0x3FA8]  }
0x29: {  	s4 =	sld [smem:$0x3FAA]  }
0x2a: {  	p0 =	seq.s32 s5, $0x0;
	s5 =	sld [smem:$0x3FAB]  }
0x2b: {  	s6 =	sld [smem:$0x3FAC]  }
0x2c: {  	s7 =	sld [smem:$0x3FAD]  }
0x2d: {  	s3 =	simm.s32 $0x108;
	s8 =	sld [smem:$0x3FAE]  }
0x2e: {  	s3 =	simm.s32 @!p0 $0x1082;
	s9 =	sld [smem:$0x3FAF]  }
0x2f: {  	lr =	sadd.s32 s0, s3;
	s0 =	sld [smem:$0x3FA6]  }
0x30: {  	s3 =	sld [smem:$0x3FA9]  }
0x31: {  	[smem:$0x3FB2] =	sst s10  }
0x32: {  	s10 =	sld [smem:$0x3FB0];
	_ =	sdelay $0x3  }
0x33: {  	p0 =	seq.s32 s10, $0x1;
	s10 =	sld [smem:$0x3FB2];
	_ =	sdelay $0x3  }
0x34: {  	[smem:$0x3FB2] =	sst s10  }
0x35: {  	s10 =	sld [smem:$0x3FB1];
	_ =	sdelay $0x3  }
0x36: {  	p1 =	seq.s32 s10, $0x1;
	s10 =	sld [smem:$0x3FB2];
	_ =	sdelay $0x3  }
0x37: {  	[smem:$0x3FB2] =	sst s10  }
0x38: {  	s10 =	sld [smem:$0x3FB3]  }
0x39: {  	_ = 	snop;
	(pc) =	sbr.ind lr, $3  }
0x3a: {  	_ = 	snop  }
0x3b: {  	_ = 	snop  }
0x3c: {  	p2 =	seq.s32 s10, $0x1;
	s10 =	sld [smem:$0x3FB2]  }
0x3d: {  	_ =	shalt  }
0x3e: {  	_ =	shalt  }
0x3f: {  	_ =	shalt  }
0x40: {  	_ =	shalt  }
0x41: {  	_ =	shalt  }
0x42: {  	_ =	shalt  }
0x43: {  	_ =	shalt  }
0x44: {  	_ =	shalt  }
0x45: {  	_ =	shalt  }
0x46: {  	_ =	shalt  }
0x47: {  	_ =	shalt  }
0x48: {  	_ =	shalt  }
0x49: {  	_ =	shalt  }
0x4a: {  	_ =	shalt  }
0x4b: {  	_ =	shalt  }
0x4c: {  	_ =	shalt  }
0x4d: {  	_ =	shalt  }
0x4e: {  	_ =	shalt  }
0x4f: {  	_ =	shalt  }
0x50: {  	_ =	shalt  }
0x51: {  	_ =	shalt  }
0x52: {  	_ =	shalt  }
0x53: {  	_ =	shalt  }
0x54: {  	_ =	shalt  }
0x55: {  	_ =	shalt  }
0x56: {  	_ =	shalt  }
0x57: {  	_ =	shalt  }
0x58: {  	_ =	shalt  }
0x59: {  	_ =	shalt  }
0x5a: {  	_ =	shalt  }
0x5b: {  	_ =	shalt  }
0x5c: {  	_ =	shalt  }
0x5d: {  	_ =	shalt  }
0x5e: {  	_ =	shalt  }
0x5f: {  	_ =	shalt  }
0x60: {  	_ =	shalt  }
0x61: {  	_ =	shalt  }
0x62: {  	_ =	shalt  }
0x63: {  	_ =	shalt  }
0x64: {  	_ =	shalt  }
0x65: {  	_ =	shalt  }
0x66: {  	_ =	shalt  }
0x67: {  	_ =	shalt  }
0x68: {  	_ =	shalt  }
0x69: {  	_ =	shalt  }
0x6a: {  	_ =	shalt  }
0x6b: {  	_ =	shalt  }
0x6c: {  	_ =	shalt  }
0x6d: {  	_ =	shalt  }
0x6e: {  	_ =	shalt  }
0x6f: {  	_ =	shalt  }
0x70: {  	_ =	shalt  }
0x71: {  	_ =	shalt  }
0x72: {  	_ =	shalt  }
0x73: {  	_ =	shalt  }
0x74: {  	_ =	shalt  }
0x75: {  	_ =	shalt  }
0x76: {  	_ =	shalt  }
0x77: {  	_ =	shalt  }
0x78: {  	_ =	shalt  }
0x79: {  	_ =	shalt  }
0x7a: {  	_ =	shalt  }
0x7b: {  	_ =	shalt  }
0x7c: {  	_ =	shalt  }
0x7d: {  	_ =	shalt  }
0x7e: {  	_ =	shalt  }
0x7f: {  	_ =	shalt  }
0x80: {  	_ =	shalt  }
0x81: {  	_ =	shalt  }
0x82: {  	_ =	shalt  }
0x83: {  	_ =	shalt  }
0x84: {  	_ =	shalt  }
0x85: {  	_ =	shalt  }
0x86: {  	_ =	shalt  }
0x87: {  	_ =	shalt  }
.Lfunc_end0:
.L_simem_size_0:
called_computation.1_lowered:
.L_overlay_start_0:
0x88: {  	s2 =	sld [smem:$0x3FD9]  }
0x89: {  	s3 =	sld [smem:$0x3FFE];
	_ =	sdelay $0x1  }
0x8a: {  	s1 =	srdreg.scid  }
0x8b: {  	s0 =	sand.u32 $0x1, s1  }
0x8c: {  	s17 =	sshll.u32 s0, $0xA;
	s2 =	sadd.s32 s3, s2  }
0x8d: {  	s2 =	sadd.s32 s2, s17  }
0x8e: {  	[smem:$0x3FBE] =	sst s2  }
0x8f: {  	_ = 	snop  }
0x90: {  	s2 =	sld [smem:$0x3FC9]  }
0x91: {  	s18 =	sld [smem:$0x3FC6]  }
0x92: {  	s4 =	sld [smem:$0x3FC5];
	(tm) =	ssettm $0x1  }
0x93: {  	s5 =	sld [smem:$0x3FFB];
	_ =	sdelay $0x3  }
0x94: {  	_ =	strace s5  }
0x95: {  	s5 =	sld [smem:$0x3FFC];
	_ =	sdelay $0x3  }
0x96: {  	_ =	strace s5  }
0x97: {  	s5 =	sld [smem:$0x3FFD];
	_ =	sdelay $0x3  }
0x98: {  	_ =	strace s5  }
0x99: {  	_ =	strace $0x8FFFFFFF  }
0x9a: {  	s19 =	sld [smem:$0x3FDB];
	_ =	sdelay $0x1  }
0x9b: {  	s6 =	simm.s32 $_scs_section_size  }
0x9c: {  	s7 =	simm.s32 $_size__tile_overlayer_lowered;
	s8 =	simm.s32 $_tile_overlayer_lowered  }
0x9d: {  	s22 =	simm.s32 $0x1BFF;
	s21 =	sshll.u32 s8, $0x1;
	s5 =	sadd.s32 s6, s19  }
0x9e: {  	s9 =	simm.s32 $0x0;
	s20 =	sshll.u32 s7, $0x1;
	s7 =	sadd.s32 s21, s5  }
0x9f: {  	[timem:s9], [sflag:s22] =	dma.local [hbm:s7], s20  }
0xa0: {  	_ =	swait.ge [sflag:s22], s20  }
0xa1: {  	s6 =	ssub.s32 $0x0, s20;
	[sflag:s22] =	ssyncset.done $0x0  }
0xa2: {  	[sflag:s22] =	ssyncadd.s32 s6;
	_ =	sdelay $0x1  }
0xa3: {  	s23 =	simm.s32 $0x1B8B  }
0xa4: {  	_ =	swait.ge [sflag:s23], $0x1  }
0xa5: {  	[sflag:s23] =	ssyncset.done $0x0  }
0xa6: {  	s25 =	simm.s32 $0x1B8E;
	s24 =	sld [smem:$0x3FFE];
	[sflag:s23] =	ssyncadd.s32 $0xFFFFFFFF  }
0xa7: {  	s26 =	simm.s32 $execute0_lowered;
	[smem:$0x3FD2] =	sst s25  }
0xa8: {  	s7 =	sshll.u32 s26, $0x1;
	_ =	strace $0x80000049;
	[dreg:$0x1] =	wrdreg $0xFFFFFFFF  }
0xa9: {  	s28 =	simm.s32 $_size_execute0_lowered;
	s5 =	sadd.s32 s5, s7;
	[dreg:$0x0] =	wrdreg $0x0  }
0xaa: {  	s7 =	sshll.u32 s28, $0x1;
	[dreg:$0x2] =	wrdreg s5  }
0xab: {  	[dreg:$0x3] =	wrdreg s7  }
0xac: {  	[dreg:$0x4] =	wrdreg $0xC0  }
0xad: {  	_ =	task [dreg:s9], $0x5FFFF  }
0xae: {  	[dreg:$0x1] =	wrdreg $0xFFFFFFFF  }
0xaf: {  	[dreg:$0x0] =	wrdreg $0x60  }
0xb0: {  	[dreg:$0x2] =	wrdreg s2  }
0xb1: {  	[dreg:$0x3] =	wrdreg s24  }
0xb2: {  	[dreg:$0x4] =	wrdreg s18  }
0xb3: {  	[dreg:$0x5] =	wrdreg s4  }
0xb4: {  	[dreg:$0x6] =	wrdreg $0xA7000  }
0xb5: {  	[dreg:$0x7] =	wrdreg $0x9  }
0xb6: {  	_ =	task.clear_ibuf [dreg:s9], $0x8FFFF;
	_ =	strace $0x90000049  }
0xb7: {  	s29 =	simm.s32 $0x9;
	_ =	strace $0x8000004B  }
0xb8: {  	_ =	swait.ge [sflag:s29], $0x1  }
0xb9: {  	[sflag:s29] =	ssyncadd.s32 $0xFFFFFFFF  }
0xba: {  	_ =	strace $0x9000004B  }
0xbb: {  	_ =	sfence  }
0xbc: {  	s30 =	sld [smem:$0x0];
	_ =	sdelay $0x2  }
0xbd: {  	s31 =	sshll.u32 s1, $0xD;
	s1 =	sshrl.u32 s1, $0x2  }
0xbe: {  	s3 =	sand.u32 $0x4000, s31;
	s1 =	sadd.s32 s1, s30  }
0xbf: {  	s0 =	sor.u32 s3, s0;
	s1 =	sshll.u32 s1, $0x11  }
0xc0: {  	s0 =	sor.u32 s1, s0  }
0xc1: {  	s0 =	sadd.s32 $0x8F2B, s0  }
0xc2: {  	[sflag:s0] =	ssyncadd.remote.s32 $0x1  }
0xc3: {  	_ =	sfence.sel $0xFFFF  }
0xc4: {  	[dreg:$0x0] =	wrdreg $0xFFFFFFFF;
	(pc) =	sbr.abs _section_cstart, $3  }
0xc5: {  	[dreg:$0x1] =	wrdreg $0xFFFFFFFF  }
0xc6: {  	_ =	task.clear_ibuf [dreg:s9], $0x2FFFF;
	_ =	strace $0x9FFFFFFF  }
0xc7: {  	(tm) =	ssettm $0x7FFFFFFF  }
tec
execute0_lowered:
.L_overlay_start_1:
0x0: {  	(tag) =	ssettag $0x1  }
0x1: {  	s1 =	rddreg [dreg:$0x0]  }
0x2: {  	s0 =	rddreg [dreg:$0x1]  }
0x3: {  	s2 =	rddreg [dreg:$0x2]  }
0x4: {  	s3 =	rddreg [dreg:$0x3]  }
0x5: {  	s4 =	rddreg [dreg:$0x4];
	s5 =	srdreg.scid  }
0x6: {  	s6 =	simm.s32 $0x0;
	s14 =	stileid.u32;
	s19 =	simm.s32 $0xA300  }
0x7: {  	s30 =	simm.s32 $0x2;
	s28 =	simm.s32 $0x5;
	s29 =	simm.s32 $0x200  }
0x8: {  	s17 =	simm.s32 $0x8;
	s5 =	sand.u32 $0x1, s5;
	[smem:$0x7FF] =	sst s6  }
0x9: {  	s9 =	smul.u32 $0x1F400, s14;
	s7 =	sadd.s32 $0x9C6000, s0;
	s20 =	sshll.u32 s14, $0x1  }
0xa: {  	s21 =	smul.u32 $0x7D000, s14;
	p0 =	sgt.u32 s14, $0x9;
	s14 =	simm.s32 $0x0  }
0xb: {  	s8 =	smul.u32 $0x138800, s5;
	_ =	strace $0x8000004A;
	s10 =	ssub.s32 $0x2, s5  }
0xc: {  	s5 =	sor.u32 s5, s20;
	s20 =	simm.s32 $0x9;
	s12 =	sshrl.u32 s10, $0x1  }
0xd: {  	s8 =	sadd.s32 s9, s8;
	s22 =	ssub.s32 s10, s12;
	s9 =	sshrl.u32 s21, $0x2  }
0xe: {  	s21 =	simm.s32 $0x280;
	s11 =	sshrl.u32 s8, $0x3;
	s8 =	smul.u32 $0x2710, s5  }
0xf: {  	s9 =	sadd.s32 s9, s4;
	s5 =	smul.u32 $0x27100, s5;
	s31 =	smax.u32 s22, $0x1  }
0x10: {  	s22 =	simm.s32 $0x80;
	s0 =	sadd.s32 s11, s0;
	[dreg:$0xc] =	wrdreg s31  }
0x11: {  	s23 =	sshrl.u32 s8, $0x3;
	s10 =	sadd.s32 $0x28, s8;
	s5 =	sadd.s32 s7, s5  }
0x12: {  	s16 =	sadd.s32 $0x78, s8;
	s0 =	sadd.s32 $0x2000, s0;
	[dreg:$0xa] =	wrdreg s5  }
0x13: {  	s13 =	sadd.s32 s2, s23;
	s24 =	sshrl.u32 s10, $0x3;
	[dreg:$0xb] =	wrdreg s0  }
0x14: {  	s12 =	sadd.s32 s3, s23;
	s23 =	simm.s32 $0x180;
	[dreg:$0x6] =	wrdreg s13  }
0x15: {  	s5 =	simm.s32 $0x3;
	[dreg:$0x7] =	wrdreg s12;
	s25 =	sadd.s32 s2, s24  }
0x16: {  	s26 =	sadd.s32 s3, s24;
	s12 =	simm.s32 $0x6;
	[dreg:$0x8] =	wrdreg s25  }
0x17: {  	v0 =	vimm.f32 $0.0e+00;
	s13 =	simm.s32 $0x4;
	[dreg:$0x9] =	wrdreg s26;
	s25 =	simm.s32 $0x28  }
.LBB2_1:
0x18: {  	[tilespmem:$0xA300] =	vst v0  }
0x19: {  	[tilespmem:$0xA310] =	vst v0  }
0x1a: {  	[tilespmem:$0xA320] =	vst v0  }
0x1b: {  	[tilespmem:$0xA330] =	vst v0  }
0x1c: {  	[tilespmem:$0xA340] =	vst v0  }
0x1d: {  	[tilespmem:$0xA350] =	vst v0  }
0x1e: {  	[tilespmem:$0xA360] =	vst v0  }
0x1f: {  	[tilespmem:$0xA370] =	vst v0  }
0x20: {  	[tilespmem:$0xA380] =	vst v0  }
0x21: {  	[tilespmem:$0xA390] =	vst v0  }
0x22: {  	[tilespmem:$0xA3A0] =	vst v0  }
0x23: {  	[tilespmem:$0xA3B0] =	vst v0  }
0x24: {  	[tilespmem:$0xA3C0] =	vst v0  }
0x25: {  	[tilespmem:$0xA3D0] =	vst v0  }
0x26: {  	[tilespmem:$0xA3E0] =	vst v0  }
0x27: {  	[tilespmem:$0xA3F0] =	vst v0  }
0x28: {  	[tilespmem:$0xA400] =	vst v0  }
0x29: {  	[tilespmem:$0xA410] =	vst v0  }
0x2a: {  	[tilespmem:$0xA420] =	vst v0  }
0x2b: {  	[tilespmem:$0xA430] =	vst v0  }
0x2c: {  	[tilespmem:$0xA440] =	vst v0  }
0x2d: {  	[tilespmem:$0xA450] =	vst v0  }
0x2e: {  	[tilespmem:$0xA460] =	vst v0  }
0x2f: {  	[tilespmem:$0xA470] =	vst v0  }
0x30: {  	[tilespmem:$0xA480] =	vst v0  }
0x31: {  	[tilespmem:$0xA490] =	vst v0  }
0x32: {  	[tilespmem:$0xA4A0] =	vst v0  }
0x33: {  	[tilespmem:$0xA4B0] =	vst v0  }
0x34: {  	[tilespmem:$0xA4C0] =	vst v0  }
0x35: {  	[tilespmem:$0xA4D0] =	vst v0  }
0x36: {  	[tilespmem:$0xA4E0] =	vst v0  }
0x37: {  	[tilespmem:$0xA4F0] =	vst v0  }
0x38: {  	[tilespmem:$0xA500] =	vst v0  }
0x39: {  	[tilespmem:$0xA510] =	vst v0  }
0x3a: {  	[tilespmem:$0xA520] =	vst v0  }
0x3b: {  	[tilespmem:$0xA530] =	vst v0  }
0x3c: {  	[tilespmem:$0xA540] =	vst v0  }
0x3d: {  	[tilespmem:$0xA550] =	vst v0  }
0x3e: {  	[tilespmem:$0xA560] =	vst v0  }
0x3f: {  	[tilespmem:$0xA570] =	vst v0  }
0x40: {  	[tilespmem:$0xA580] =	vst v0  }
0x41: {  	[tilespmem:$0xA590] =	vst v0  }
0x42: {  	[tilespmem:$0xA5A0] =	vst v0  }
0x43: {  	[tilespmem:$0xA5B0] =	vst v0  }
0x44: {  	[tilespmem:$0xA5C0] =	vst v0  }
0x45: {  	[tilespmem:$0xA5D0] =	vst v0  }
0x46: {  	[tilespmem:$0xA5E0] =	vst v0  }
0x47: {  	[tilespmem:$0xA5F0] =	vst v0  }
0x48: {  	[tilespmem:$0xA600] =	vst v0  }
0x49: {  	[tilespmem:$0xA610] =	vst v0  }
0x4a: {  	[tilespmem:$0xA620] =	vst v0  }
0x4b: {  	[tilespmem:$0xA630] =	vst v0  }
0x4c: {  	[tilespmem:$0xA640] =	vst v0  }
0x4d: {  	[tilespmem:$0xA650] =	vst v0  }
0x4e: {  	[tilespmem:$0xA660] =	vst v0  }
0x4f: {  	[tilespmem:$0xA670] =	vst v0  }
0x50: {  	[tilespmem:$0xA680] =	vst v0  }
0x51: {  	[tilespmem:$0xA690] =	vst v0  }
0x52: {  	[tilespmem:$0xA6A0] =	vst v0  }
.Ltmp0:
0x53: {  	[tilespmem:$0xA6B0] =	vst v0;
	(pc) =	sbr.rel @p0 .LBB2_5-.Ltmp0, $4  }
0x54: {  	[tilespmem:$0xA6C0] =	vst v0  }
0x55: {  	[tilespmem:$0xA6D0] =	vst v0  }
0x56: {  	[tilespmem:$0xA6E0] =	vst v0  }
0x57: {  	[tilespmem:$0xA6F0] =	vst v0  }
0x58: {  	s0 =	sadd.s32 $0x0, s9  }
0x59: {  	[spmem:s0] =	stream.linear.scatter [tilespmem:s19], [sflag:$0x9], $0x400, $0x38;
	[tilespmem:$0x1DF80] =	vst v63  }
0x5a: {  	s0 =	simm.s32 $0x1000;
	_ =	swait.ge [sflag:s20], $0x400  }
.LBB2_3:
0x5b: {  	s11 =	sshra.s32 s0, $0x2;
	[sflag:s20] =	ssyncset.done $0x0;
	p1 =	sne.s32 s0, $0x7C000  }
.Ltmp1:
0x5c: {  	s11 =	sadd.s32 s11, s9;
	[sflag:s20] =	ssyncadd.s32 $0xFFFFFC00;
	(pc) =	sbr.rel @p1 .LBB2_3-.Ltmp1, $3  }
0x5d: {  	[spmem:s11] =	stream.linear.scatter [tilespmem:s19], [sflag:$0x9], $0x400, $0x38;
	[tilespmem:$0x1DF80] =	vst v63  }
0x5e: {  	s0 =	sadd.s32 $0x1000, s0;
	_ =	sdelay $0x1  }
0x5f: {  	_ =	swait.ge [sflag:s20], $0x400  }
0x60: {  	[sflag:s20] =	ssyncset.done $0x0  }
0x61: {  	[sflag:s20] =	ssyncadd.s32 $0xFFFFFC00  }
.LBB2_5:
0x62: {  	[dreg:$0xd] =	wrdreg s14  }
0x63: {  	[bflag:$0x0] =	sbarrier.arrive $0xFFFF  }
0x64: {  	s15 =	simm.s32 $0x0;
	s0 =	rddreg [dreg:$0x6]  }
0x65: {  	[tilespmem:s15], [sflag:$0x1] =	stream.linear.gather [hbm4b:s0+s15], $0x28, $0x38;
	[tilespmem:$0x1DF80] =	vst v63  }
0x66: {  	s11 =	simm.s32 $0x100;
	s24 =	rddreg [dreg:$0x7]  }
0x67: {  	[tilespmem:s11], [sflag:$0x1] =	stream.linear.gather [hbm4b:s24+s15], $0x28, $0x38;
	[tilespmem:$0x1DF80] =	vst v63  }
0x68: {  	s26 =	rddreg [dreg:$0x8]  }
0x69: {  	[tilespmem:s22], [sflag:$0x2] =	stream.linear.gather [hbm4b:s26+s15], $0x28, $0x38;
	[tilespmem:$0x1DF80] =	vst v63  }
0x6a: {  	s14 =	simm.s32 $0x1;
	s31 =	rddreg [dreg:$0x9]  }
0x6b: {  	[tilespmem:s23], [sflag:$0x2] =	stream.linear.gather [hbm4b:s31+s15], $0x28, $0x38;
	[tilespmem:$0x1DF80] =	vst v63  }
0x6c: {  	_ =	swait.ge [sflag:s14], $0x28  }
0x6d: {  	[sflag:s14] =	ssyncset.done $0x0  }
0x6e: {  	[sflag:s14] =	ssyncadd.s32 $0xFFFFFFD8  }
0x6f: {  	_ =	swait.ge [sflag:s14], $0x28  }
0x70: {  	[sflag:s14] =	ssyncset.done $0x0  }
0x71: {  	s18 =	simm.s32 $0x2B00;
	[sflag:s14] =	ssyncadd.s32 $0xFFFFFFD8  }
0x72: {  	[tilespmem:s18], [sflag:$0x5] =	stream.indirect.gather [hbm4b:s1+s25], $0x80, s15, s25, $0xb8;
	[tilespmem:$0x1DF80] =	vst v63  }
0x73: {  	s24 =	simm.s32 $0x300  }
0x74: {  	[tilespmem:s24], [sflag:$0x5] =	stream.indirect.gather [hbm4b:s1+s25], $0x80, s11, s25, $0xb8;
	[tilespmem:$0x1DF80] =	vst v63  }
0x75: {  	s31 =	simm.s32 $0x5300;
	s26 =	rddreg [dreg:$0xa]  }
0x76: {  	[tilespmem:s31], [sflag:$0x5] =	stream.linear.gather [hbm4b:s26+s15], $0x1400, $0x38;
	[tilespmem:$0x1DF80] =	vst v63  }
.LBB2_6:
0x77: {  	_ =	swait.ge [sflag:s30], $0x28  }
0x78: {  	[sflag:s30] =	ssyncset.done $0x0  }
0x79: {  	[sflag:s30] =	ssyncadd.s32 $0xFFFFFFD8  }
0x7a: {  	s24 =	smul.u32 $0x50, s15;
	_ =	swait.ge [sflag:s30], $0x28  }
0x7b: {  	[sflag:s30] =	ssyncset.done $0x0  }
0x7c: {  	s0 =	simm.s32 $0x3F00;
	s11 =	sadd.s32 s24, s10;
	[sflag:s30] =	ssyncadd.s32 $0xFFFFFFD8  }
0x7d: {  	[tilespmem:s0], [sflag:$0x6] =	stream.indirect.gather [hbm4b:s1+s25], $0x80, s22, s25, $0xb8;
	[tilespmem:$0x1DF80] =	vst v63  }
0x7e: {  	s14 =	simm.s32 $0x1700;
	s18 =	sshll.u32 s11, $0x4  }
0x7f: {  	[tilespmem:s14], [sflag:$0x6] =	stream.indirect.gather [hbm4b:s1+s25], $0x80, s23, s25, $0xb8;
	[tilespmem:$0x1DF80] =	vst v63  }
0x80: {  	p1 =	seq.s32 s15, $0x0;
	s0 =	sadd.s32 s7, s18;
	s14 =	simm.s32 $0x6700  }
0x81: {  	[tilespmem:s14], [sflag:$0x6] =	stream.linear.gather [hbm4b:s0+s6], $0x1400, $0x38;
	[tilespmem:$0x1DF80] =	vst v63  }
0x82: {  	s0 =	simm.s32 @!p1 $0x7  }
0x83: {  	_ =	swait.ge @!p1 [sflag:s0], $0x1400  }
0x84: {  	[sflag:s0] =	ssyncset.done @!p1 $0x0  }
0x85: {  	[sflag:s0] =	ssyncadd.s32 @!p1 $0xFFFFEC00  }
0x86: {  	_ =	swait.ge [sflag:s28], $0x1400  }
0x87: {  	[sflag:s28] =	ssyncset.done $0x0  }
0x88: {  	[sflag:s28] =	ssyncadd.s32 $0xFFFFEC00  }
0x89: {  	_ =	swait.ge [sflag:s28], $0x1400  }
0x8a: {  	[sflag:s28] =	ssyncset.done $0x0  }
0x8b: {  	s18 =	sadd.s32 s8, s24;
	[sflag:s28] =	ssyncadd.s32 $0xFFFFEC00  }
0x8c: {  	s26 =	sshll.u32 s15, $0x1;
	s18 =	sshrl.u32 s18, $0x3;
	_ =	swait.ge [sflag:s28], $0x1400  }
0x8d: {  	s0 =	sadd.s32 $0x2, s26;
	p1 =	seq.s32 s15, $0x7C;
	[sflag:s28] =	ssyncset.done $0x0  }
0x8e: {  	s18 =	sadd.s32 s3, s18;
	s0 =	smul.u32 @!p1 $0x28, s0;
	[sflag:s28] =	ssyncadd.s32 $0xFFFFEC00  }
0x8f: {  	[tilespmem:s29], [sflag:$0x3] =	stream.linear.gather [hbm4b:s18+s6], $0x28, $0x38;
	[tilespmem:$0x1DF80] =	vst v63  }
0x90: {  	s18 =	sadd.s32 @!p1 s8, s0  }
0x91: {  	s0 =	sshrl.u32 @!p1 s18, $0x3  }
0x92: {  	s31 =	simm.s32 @!p1 $0x0;
	s26 =	sadd.s32 @!p1 s2, s0  }
0x93: {  	[tilespmem:s31], [sflag:$0x1] =	stream.linear.gather @!p1 [hbm4b:s26+s31], $0x28, $0x38;
	[tilespmem:$0x1DF80] =	vst v63  }
0x94: {  	s0 =	sadd.s32 @!p1 s3, s0;
	s26 =	simm.s32 @!p1 $0x100  }
0x95: {  	[tilespmem:s26], [sflag:$0x1] =	stream.linear.gather @!p1 [hbm4b:s0+s31], $0x28, $0x38;
	[tilespmem:$0x1DF80] =	vst v63  }
0x96: {  	s0 =	simm.s32 $0x0  }
0x97: {  	v1 =	vld [tilespmem:s0+$0x370]  }
0x98: {  	v2 =	vld [tilespmem:s0+$0x2B70]  }
0x99: {  	v3 =	vld [tilespmem:s0+$0x300]  }
0x9a: {  	v4 =	vld [tilespmem:s0+$0x5370]  }
0x9b: {  	v5 =	vld [tilespmem:s0+$0x2B00]  }
0x9c: {  	v6 =	vld [tilespmem:s0+$0x310]  }
0x9d: {  	v8 =	vld [tilespmem:s0+$0x2B10]  }
0x9e: {  	v10 =	vld [tilespmem:s0+$0x2B20]  }
0x9f: {  	v11 =	vld [tilespmem:s0+$0x330]  }
0xa0: {  	v12 =	vld [tilespmem:s0+$0x2B30]  }
0xa1: {  	v13 =	vld [tilespmem:s0+$0x340]  }
0xa2: {  	v14 =	vld [tilespmem:s0+$0x2B40]  }
0xa3: {  	v15 =	vld [tilespmem:s0+$0x350]  }
0xa4: {  	v16 =	vld [tilespmem:s0+$0x2B50]  }
0xa5: {  	v17 =	vld [tilespmem:s0+$0x360]  }
0xa6: {  	v18 =	vld [tilespmem:s0+$0x2B60]  }
0xa7: {  	v19 =	vld [tilespmem:s0+$0x5300]  }
0xa8: {  	v1 =	vsub.f32 v1, v2;
	v2 =	vld [tilespmem:s0+$0x320]  }
0xa9: {  	v20 =	vld [tilespmem:s0+$0x5310]  }
0xaa: {  	v21 =	vld [tilespmem:s0+$0x5320]  }
0xab: {  	v9 =	vld [tilespmem:s0+$0x5330];
	v3 =	vsub.f32 v3, v5;
	v1 =	vmul.f32 v1, v4  }
0xac: {  	v7 =	vld [tilespmem:s0+$0x5340];
	v22 =	vsub.f32 v6, v8  }
0xad: {  	v4 =	vld [tilespmem:s0+$0x5350];
	[tilespmem:s0+$0x7B70] =	vst v1;
	v1 =	vsub.f32 v11, v12;
	v11 =	vmul.f32 v3, v19;
	v23 =	vsub.f32 v2, v10  }
0xae: {  	s11 =	sshrl.u32 s11, $0x3;
	s26 =	simm.s32 $0x80;
	v8 =	vld [tilespmem:s0+$0x5360];
	v5 =	vsub.f32 v15, v16;
	v10 =	vmul.f32 v22, v20  }
0xaf: {  	s31 =	sadd.s32 s3, s11;
	s11 =	simm.s32 $0x400;
	v6 =	vsub.f32 v17, v18;
	v3 =	vsub.f32 v13, v14;
	v2 =	vld [tilespmem:s26+$0x370];
	[tilespmem:s0+$0x7B00] =	vst v11;
	v11 =	vmul.f32 v23, v21  }
.LBB2_7:
0xb0: {  	p2 =	sne.s32 s11, $0x4E00;
	v12 =	vld [tilespmem:s26+$0x2B70];
	[tilespmem:s0+$0x7B10] =	vst v10;
	v1 =	vmul.f32 v1, v9  }
0xb1: {  	v9 =	vld [tilespmem:s26+$0x300];
	[tilespmem:s0+$0x7B20] =	vst v11;
	v3 =	vmul.f32 v3, v7  }
0xb2: {  	v7 =	vld [tilespmem:s26+$0x5370];
	[tilespmem:s0+$0x7B30] =	vst v1;
	v1 =	vmul.f32 v5, v4  }
0xb3: {  	v4 =	vld [tilespmem:s26+$0x2B00];
	[tilespmem:s0+$0x7B40] =	vst v3;
	v3 =	vmul.f32 v6, v8  }
0xb4: {  	v5 =	vld [tilespmem:s26+$0x310];
	[tilespmem:s0+$0x7B50] =	vst v1  }
0xb5: {  	v1 =	vld [tilespmem:s26+$0x2B10];
	v2 =	vsub.f32 v2, v12;
	[tilespmem:s0+$0x7B60] =	vst v3;
	s0 =	smov.u32 s26  }
0xb6: {  	v3 =	vld [tilespmem:s0+$0x320]  }
0xb7: {  	v6 =	vld [tilespmem:s0+$0x2B20];
	v2 =	vmul.f32 v2, v7  }
0xb8: {  	v4 =	vsub.f32 v9, v4;
	v7 =	vld [tilespmem:s0+$0x330]  }
0xb9: {  	v8 =	vld [tilespmem:s0+$0x2B30];
	[tilespmem:s0+$0x7B70] =	vst v2  }
0xba: {  	v2 =	vsub.f32 v5, v1;
	v5 =	vld [tilespmem:s0+$0x340]  }
0xbb: {  	v9 =	vld [tilespmem:s0+$0x2B40]  }
0xbc: {  	v11 =	vsub.f32 v3, v6;
	v6 =	vld [tilespmem:s0+$0x350]  }
0xbd: {  	v10 =	vld [tilespmem:s0+$0x2B50]  }
0xbe: {  	v1 =	vsub.f32 v7, v8;
	v8 =	vld [tilespmem:s0+$0x360]  }
0xbf: {  	v12 =	vld [tilespmem:s0+$0x2B60]  }
0xc0: {  	v13 =	vld [tilespmem:s0+$0x5300];
	v3 =	vsub.f32 v5, v9  }
0xc1: {  	v14 =	vld [tilespmem:s0+$0x5310]  }
0xc2: {  	v15 =	vld [tilespmem:s0+$0x5320];
	v5 =	vsub.f32 v6, v10  }
.Ltmp2:
0xc3: {  	v9 =	vld [tilespmem:s0+$0x5330];
	(pc) =	sbr.rel @p2 .LBB2_7-.Ltmp2, $4  }
0xc4: {  	v7 =	vld [tilespmem:s0+$0x5340];
	v6 =	vsub.f32 v8, v12  }
0xc5: {  	v12 =	vmul.f32 v4, v13;
	v4 =	vld [tilespmem:s0+$0x5350]  }
0xc6: {  	s26 =	sshra.s32 s11, $0x2;
	v10 =	vmul.f32 v2, v14;
	v8 =	vld [tilespmem:s0+$0x5360]  }
0xc7: {  	s11 =	sadd.s32 $0x200, s11;
	v2 =	vld [tilespmem:s26+$0x370];
	[tilespmem:s0+$0x7B00] =	vst v12;
	v11 =	vmul.f32 v11, v15  }
0xc8: {  	v12 =	vld [tilespmem:s26+$0x2B70];
	[tilespmem:s0+$0x7B10] =	vst v10;
	v1 =	vmul.f32 v1, v9  }
0xc9: {  	v10 =	vld [tilespmem:s26+$0x300];
	[tilespmem:s0+$0x7B20] =	vst v11;
	v3 =	vmul.f32 v3, v7  }
0xca: {  	v9 =	vld [tilespmem:s26+$0x5370];
	[tilespmem:s0+$0x7B30] =	vst v1;
	v4 =	vmul.f32 v5, v4  }
0xcb: {  	v1 =	vld [tilespmem:s26+$0x2B00];
	[tilespmem:s0+$0x7B40] =	vst v3;
	v5 =	vmul.f32 v6, v8  }
0xcc: {  	v3 =	vld [tilespmem:s26+$0x310];
	[tilespmem:s0+$0x7B50] =	vst v4  }
0xcd: {  	v4 =	vld [tilespmem:s26+$0x2B10];
	[tilespmem:s0+$0x7B60] =	vst v5  }
0xce: {  	v5 =	vld [tilespmem:s26+$0x320]  }
0xcf: {  	v6 =	vld [tilespmem:s26+$0x2B20]  }
0xd0: {  	v7 =	vld [tilespmem:s26+$0x330]  }
0xd1: {  	v8 =	vld [tilespmem:s26+$0x2B30]  }
0xd2: {  	v11 =	vld [tilespmem:s26+$0x350]  }
0xd3: {  	v57 =	vld [tilespmem:s26+$0x2B50]  }
0xd4: {  	v13 =	vld [tilespmem:s26+$0x360]  }
0xd5: {  	v14 =	vld [tilespmem:s26+$0x2B60]  }
0xd6: {  	v2 =	vsub.f32 v2, v12;
	v15 =	vld [tilespmem:s26+$0x5300]  }
0xd7: {  	v16 =	vld [tilespmem:s26+$0x5310]  }
0xd8: {  	v17 =	vld [tilespmem:s26+$0x5320];
	v2 =	vmul.f32 v2, v9  }
0xd9: {  	v9 =	vld [tilespmem:s26+$0x2B40]  }
0xda: {  	[tilespmem:s26+$0x7B70] =	vst v2;
	v2 =	vld [tilespmem:s26+$0x340]  }
0xdb: {  	v1 =	vsub.f32 v10, v1;
	v10 =	vld [tilespmem:s26+$0x5330]  }
0xdc: {  	v3 =	vsub.f32 v3, v4;
	v4 =	vld [tilespmem:s26+$0x5340]  }
0xdd: {  	v5 =	vsub.f32 v5, v6;
	v1 =	vmul.f32 v1, v15;
	v6 =	vld [tilespmem:s26+$0x5350]  }
0xde: {  	v7 =	vsub.f32 v7, v8;
	v8 =	vld [tilespmem:s26+$0x5360];
	v3 =	vmul.f32 v3, v16  }
0xdf: {  	[tilespmem:s26+$0x7B00] =	vst v1;
	v1 =	vmul.f32 v5, v17;
	v2 =	vsub.f32 v2, v9  }
0xe0: {  	v5 =	vsub.f32 v11, v57;
	[tilespmem:s26+$0x7B10] =	vst v3;
	v3 =	vmul.f32 v7, v10  }
0xe1: {  	v7 =	vsub.f32 v13, v14;
	[tilespmem:s26+$0x7B20] =	vst v1;
	v1 =	vmul.f32 v2, v4  }
0xe2: {  	[tilespmem:s26+$0x7B30] =	vst v3;
	v2 =	vmul.f32 v5, v6  }
0xe3: {  	[tilespmem:s26+$0x7B40] =	vst v1;
	v1 =	vmul.f32 v7, v8  }
0xe4: {  	[tilespmem:s26+$0x7B50] =	vst v2  }
0xe5: {  	[tilespmem:s26+$0x7B60] =	vst v1  }
0xe6: {  	_ =	swait.ge [sflag:s5], $0x28  }
0xe7: {  	[sflag:s5] =	ssyncset.done $0x0  }
0xe8: {  	s0 =	simm.s32 @!p1 $0x1;
	s26 =	simm.s32 $0x7B00;
	[sflag:s5] =	ssyncadd.s32 $0xFFFFFFD8  }
0xe9: {  	[spmem:s4] =	stream.indirect.scatter.add.f32 [tilespmem:s26], [sflag:$0x7], $0x80, s29, s25, $0xb8;
	[tilespmem:$0x1DF80] =	vst v63  }
0xea: {  	_ =	swait.ge @!p1 [sflag:s0], $0x28  }
0xeb: {  	[sflag:s0] =	ssyncset.done @!p1 $0x0  }
0xec: {  	[sflag:s0] =	ssyncadd.s32 @!p1 $0xFFFFFFD8  }
0xed: {  	_ =	swait.ge @!p1 [sflag:s0], $0x28  }
0xee: {  	s11 =	simm.s32 @!p1 $0x28;
	[sflag:s0] =	ssyncset.done @!p1 $0x0  }
0xef: {  	s26 =	simm.s32 @!p1 $0x2B00;
	[sflag:s0] =	ssyncadd.s32 @!p1 $0xFFFFFFD8;
	s0 =	simm.s32 @!p1 $0x0  }
0xf0: {  	[tilespmem:s26], [sflag:$0x5] =	stream.indirect.gather @!p1 [hbm4b:s1+s11], $0x80, s0, s11, $0xb8;
	[tilespmem:$0x1DF80] =	vst v63  }
0xf1: {  	s14 =	simm.s32 @!p1 $0x300;
	s26 =	simm.s32 @!p1 $0x100  }
0xf2: {  	[tilespmem:s14], [sflag:$0x5] =	stream.indirect.gather @!p1 [hbm4b:s1+s11], $0x80, s26, s11, $0xb8;
	[tilespmem:$0x1DF80] =	vst v63  }
0xf3: {  	p2 =	seq.s32 @!p1 s15, $0x0;
	s11 =	sshll.u32 @!p1 s18, $0x4  }
0xf4: {  	p2 =	por p1, !p2;
	s14 =	simm.s32 @!p1 $0x5300;
	s11 =	sadd.s32 @!p1 s7, s11  }
0xf5: {  	[tilespmem:s14], [sflag:$0x5] =	stream.linear.gather @!p1 [hbm4b:s11+s0], $0x1400, $0x38;
	[tilespmem:$0x1DF80] =	vst v63  }
0xf6: {  	_ =	swait.ge @p2 [sflag:s17], $0x1400  }
0xf7: {  	[sflag:s17] =	ssyncset.done @p2 $0x0  }
0xf8: {  	[sflag:s17] =	ssyncadd.s32 @p2 $0xFFFFEC00  }
0xf9: {  	_ =	swait.ge [sflag:s12], $0x1400  }
0xfa: {  	[sflag:s12] =	ssyncset.done $0x0  }
0xfb: {  	[sflag:s12] =	ssyncadd.s32 $0xFFFFEC00  }
0xfc: {  	_ =	swait.ge [sflag:s12], $0x1400  }
0xfd: {  	[sflag:s12] =	ssyncset.done $0x0  }
0xfe: {  	[sflag:s12] =	ssyncadd.s32 $0xFFFFEC00  }
0xff: {  	_ =	swait.ge [sflag:s12], $0x1400  }
0x100: {  	s11 =	sadd.s32 @!p1 s24, s16;
	[sflag:s12] =	ssyncset.done $0x0  }
0x101: {  	s11 =	sshrl.u32 @!p1 s11, $0x3;
	[sflag:s12] =	ssyncadd.s32 $0xFFFFEC00  }
0x102: {  	[tilespmem:s21], [sflag:$0x4] =	stream.linear.gather [hbm4b:s31+s6], $0x28, $0x38;
	[tilespmem:$0x1DF80] =	vst v63  }
0x103: {  	s18 =	simm.s32 @!p1 $0x80;
	s14 =	sadd.s32 @!p1 s2, s11  }
0x104: {  	[tilespmem:s18], [sflag:$0x2] =	stream.linear.gather @!p1 [hbm4b:s14+s0], $0x28, $0x38;
	[tilespmem:$0x1DF80] =	vst v63  }
0x105: {  	s11 =	sadd.s32 @!p1 s3, s11;
	s14 =	simm.s32 @!p1 $0x180  }
0x106: {  	[tilespmem:s14], [sflag:$0x2] =	stream.linear.gather @!p1 [hbm4b:s11+s0], $0x28, $0x38;
	[tilespmem:$0x1DF80] =	vst v63  }
0x107: {  	s0 =	simm.s32 $0x0  }
0x108: {  	v1 =	vld [tilespmem:s0+$0x1770]  }
0x109: {  	v2 =	vld [tilespmem:s0+$0x3F70]  }
0x10a: {  	v3 =	vld [tilespmem:s0+$0x1700]  }
0x10b: {  	v4 =	vld [tilespmem:s0+$0x6770]  }
0x10c: {  	v5 =	vld [tilespmem:s0+$0x3F00]  }
0x10d: {  	v6 =	vld [tilespmem:s0+$0x1710]  }
0x10e: {  	v8 =	vld [tilespmem:s0+$0x3F10]  }
0x10f: {  	v10 =	vld [tilespmem:s0+$0x3F20]  }
0x110: {  	v11 =	vld [tilespmem:s0+$0x3F30]  }
0x111: {  	v58 =	vld [tilespmem:s0+$0x1740]  }
0x112: {  	v59 =	vld [tilespmem:s0+$0x3F40]  }
0x113: {  	v60 =	vld [tilespmem:s0+$0x1750]  }
0x114: {  	v61 =	vld [tilespmem:s0+$0x3F50]  }
0x115: {  	v62 =	vld [tilespmem:s0+$0x1760]  }
0x116: {  	v63 =	vld [tilespmem:s0+$0x3F60]  }
0x117: {  	v18 =	vld [tilespmem:s0+$0x6700];
	v1 =	vsub.f32 v1, v2  }
0x118: {  	v2 =	vld [tilespmem:s0+$0x1720]  }
0x119: {  	v1 =	vmul.f32 v1, v4;
	v4 =	vld [tilespmem:s0+$0x1730]  }
0x11a: {  	v19 =	vld [tilespmem:s0+$0x6710]  }
0x11b: {  	v20 =	vld [tilespmem:s0+$0x6720]  }
0x11c: {  	v9 =	vld [tilespmem:s0+$0x6730];
	v3 =	vsub.f32 v3, v5  }
0x11d: {  	v7 =	vld [tilespmem:s0+$0x6740];
	v21 =	vsub.f32 v6, v8  }
0x11e: {  	v6 =	vld [tilespmem:s0+$0x6750];
	[tilespmem:s0+$0x8F70] =	vst v1;
	v22 =	vsub.f32 v2, v10;
	v1 =	vsub.f32 v4, v11;
	v11 =	vmul.f32 v3, v18  }
0x11f: {  	s18 =	simm.s32 $0x80;
	v8 =	vld [tilespmem:s0+$0x6760];
	v5 =	vsub.f32 v58, v59;
	v10 =	vmul.f32 v21, v19  }
0x120: {  	s11 =	simm.s32 $0x400;
	v2 =	vld [tilespmem:s18+$0x1770];
	v3 =	vsub.f32 v60, v61;
	v4 =	vsub.f32 v62, v63;
	[tilespmem:s0+$0x8F00] =	vst v11;
	v11 =	vmul.f32 v22, v20  }
.LBB2_9:
0x121: {  	p1 =	sne.s32 s11, $0x4E00;
	v12 =	vld [tilespmem:s18+$0x3F70];
	[tilespmem:s0+$0x8F10] =	vst v10;
	v1 =	vmul.f32 v1, v9  }
0x122: {  	v9 =	vld [tilespmem:s18+$0x1700];
	[tilespmem:s0+$0x8F20] =	vst v11;
	v5 =	vmul.f32 v5, v7  }
0x123: {  	v7 =	vld [tilespmem:s18+$0x6770];
	[tilespmem:s0+$0x8F30] =	vst v1;
	v1 =	vmul.f32 v3, v6  }
0x124: {  	v3 =	vld [tilespmem:s18+$0x3F00];
	[tilespmem:s0+$0x8F40] =	vst v5;
	v4 =	vmul.f32 v4, v8  }
0x125: {  	v5 =	vld [tilespmem:s18+$0x1710];
	[tilespmem:s0+$0x8F50] =	vst v1  }
0x126: {  	v1 =	vld [tilespmem:s18+$0x3F10];
	v2 =	vsub.f32 v2, v12;
	[tilespmem:s0+$0x8F60] =	vst v4;
	s0 =	smov.u32 s18  }
0x127: {  	v4 =	vld [tilespmem:s0+$0x1720]  }
0x128: {  	v6 =	vld [tilespmem:s0+$0x3F20];
	v2 =	vmul.f32 v2, v7  }
0x129: {  	v8 =	vsub.f32 v9, v3;
	v3 =	vld [tilespmem:s0+$0x1730]  }
0x12a: {  	v7 =	vld [tilespmem:s0+$0x3F30];
	[tilespmem:s0+$0x8F70] =	vst v2  }
0x12b: {  	v2 =	vsub.f32 v5, v1;
	v5 =	vld [tilespmem:s0+$0x1740]  }
0x12c: {  	v9 =	vld [tilespmem:s0+$0x3F40]  }
0x12d: {  	v11 =	vsub.f32 v4, v6;
	v4 =	vld [tilespmem:s0+$0x1750]  }
0x12e: {  	v6 =	vld [tilespmem:s0+$0x3F50]  }
0x12f: {  	v1 =	vsub.f32 v3, v7;
	v10 =	vld [tilespmem:s0+$0x1760]  }
0x130: {  	v12 =	vld [tilespmem:s0+$0x3F60]  }
0x131: {  	v13 =	vld [tilespmem:s0+$0x6700];
	v5 =	vsub.f32 v5, v9  }
0x132: {  	v14 =	vld [tilespmem:s0+$0x6710]  }
0x133: {  	v15 =	vld [tilespmem:s0+$0x6720];
	v3 =	vsub.f32 v4, v6  }
.Ltmp3:
0x134: {  	v9 =	vld [tilespmem:s0+$0x6730];
	(pc) =	sbr.rel @p1 .LBB2_9-.Ltmp3, $4  }
0x135: {  	v7 =	vld [tilespmem:s0+$0x6740];
	v4 =	vsub.f32 v10, v12  }
0x136: {  	v12 =	vmul.f32 v8, v13;
	v6 =	vld [tilespmem:s0+$0x6750]  }
0x137: {  	s18 =	sshra.s32 s11, $0x2;
	v10 =	vmul.f32 v2, v14;
	v8 =	vld [tilespmem:s0+$0x6760]  }
0x138: {  	s11 =	sadd.s32 $0x200, s11;
	v2 =	vld [tilespmem:s18+$0x1770];
	[tilespmem:s0+$0x8F00] =	vst v12;
	v11 =	vmul.f32 v11, v15  }
0x139: {  	v12 =	vld [tilespmem:s18+$0x3F70];
	[tilespmem:s0+$0x8F10] =	vst v10;
	v1 =	vmul.f32 v1, v9  }
0x13a: {  	v10 =	vld [tilespmem:s18+$0x1700];
	[tilespmem:s0+$0x8F20] =	vst v11;
	v5 =	vmul.f32 v5, v7  }
0x13b: {  	v52 =	vld [tilespmem:s18+$0x6770];
	[tilespmem:s0+$0x8F30] =	vst v1;
	v3 =	vmul.f32 v3, v6  }
0x13c: {  	v1 =	vld [tilespmem:s18+$0x3F00];
	[tilespmem:s0+$0x8F40] =	vst v5;
	v4 =	vmul.f32 v4, v8  }
0x13d: {  	v5 =	vld [tilespmem:s18+$0x1710];
	[tilespmem:s0+$0x8F50] =	vst v3  }
0x13e: {  	v3 =	vld [tilespmem:s18+$0x3F10];
	[tilespmem:s0+$0x8F60] =	vst v4  }
0x13f: {  	v4 =	vld [tilespmem:s18+$0x1720]  }
0x140: {  	v53 =	vld [tilespmem:s18+$0x3F20]  }
0x141: {  	v54 =	vld [tilespmem:s18+$0x1730]  }
0x142: {  	v55 =	vld [tilespmem:s18+$0x3F30]  }
0x143: {  	v56 =	vld [tilespmem:s18+$0x3F40]  }
0x144: {  	v11 =	vld [tilespmem:s18+$0x1750]  }
0x145: {  	v57 =	vld [tilespmem:s18+$0x3F50]  }
0x146: {  	v13 =	vld [tilespmem:s18+$0x1760]  }
0x147: {  	v2 =	vsub.f32 v2, v12;
	v14 =	vld [tilespmem:s18+$0x3F60]  }
0x148: {  	v15 =	vld [tilespmem:s18+$0x6700]  }
0x149: {  	v16 =	vld [tilespmem:s18+$0x6710];
	v2 =	vmul.f32 v2, v52  }
0x14a: {  	v17 =	vld [tilespmem:s18+$0x6720]  }
0x14b: {  	[tilespmem:s18+$0x8F70] =	vst v2;
	v2 =	vld [tilespmem:s18+$0x1740]  }
0x14c: {  	v58 =	vld [tilespmem:s18+$0x6730];
	v1 =	vsub.f32 v10, v1  }
0x14d: {  	v59 =	vld [tilespmem:s18+$0x6740];
	v3 =	vsub.f32 v5, v3  }
0x14e: {  	v60 =	vld [tilespmem:s18+$0x6750];
	v4 =	vsub.f32 v4, v53;
	v1 =	vmul.f32 v1, v15  }
0x14f: {  	v61 =	vld [tilespmem:s18+$0x6760];
	v7 =	vsub.f32 v54, v55;
	v3 =	vmul.f32 v3, v16  }
0x150: {  	[tilespmem:s18+$0x8F00] =	vst v1;
	v1 =	vmul.f32 v4, v17;
	v2 =	vsub.f32 v2, v56  }
0x151: {  	v62 =	vsub.f32 v11, v57;
	[tilespmem:s18+$0x8F10] =	vst v3;
	v3 =	vmul.f32 v7, v58  }
0x152: {  	v63 =	vsub.f32 v13, v14;
	[tilespmem:s18+$0x8F20] =	vst v1;
	v1 =	vmul.f32 v2, v59  }
0x153: {  	[tilespmem:s18+$0x8F30] =	vst v3;
	v2 =	vmul.f32 v62, v60  }
0x154: {  	s15 =	sadd.s32 $0x1, s15;
	[tilespmem:s18+$0x8F40] =	vst v1;
	v1 =	vmul.f32 v63, v61  }
0x155: {  	p1 =	sne.s32 s15, $0x7D;
	[tilespmem:s18+$0x8F50] =	vst v2  }
.Ltmp4:
0x156: {  	[tilespmem:s18+$0x8F60] =	vst v1;
	(pc) =	sbr.rel @p1 .LBB2_6-.Ltmp4, $4  }
0x157: {  	_ =	swait.ge [sflag:s13], $0x28  }
0x158: {  	[sflag:s13] =	ssyncset.done $0x0  }
0x159: {  	s31 =	simm.s32 $0x8F00;
	[sflag:s13] =	ssyncadd.s32 $0xFFFFFFD8  }
0x15a: {  	[spmem:s4] =	stream.indirect.scatter.add.f32 [tilespmem:s31], [sflag:$0x8], $0x80, s21, s25, $0xb8;
	[tilespmem:$0x1DF80] =	vst v63  }
0x15b: {  	s0 =	simm.s32 $0x7  }
0x15c: {  	_ =	swait.ge [sflag:s0], $0x1400  }
0x15d: {  	[sflag:s0] =	ssyncset.done $0x0  }
0x15e: {  	[sflag:s0] =	ssyncadd.s32 $0xFFFFEC00  }
0x15f: {  	_ =	swait.ge [sflag:s17], $0x1400  }
0x160: {  	[sflag:s17] =	ssyncset.done $0x0  }
0x161: {  	s0 =	stileid.u32;
	[sflag:s17] =	ssyncadd.s32 $0xFFFFEC00  }
0x162: {  	s0 =	sshll.u32 @!p0 s0, $0x6;
	[bflag:$0x0] =	sbarrier.arrive $0xFFFF  }
0x163: {  	s11 =	sshrl.u32 @!p0 s9, $0x3;
	s0 =	sor.u32 @!p0 $0x1C09, s0;
	s14 =	rddreg [dreg:$0xb]  }
0x164: {  	[hbm:s14], [sflag:s0] =	dma.local @!p0 [spmem:s11], $0x3E80  }
0x165: {  	s0 =	simm.s32 @!p0 $0x9  }
0x166: {  	_ =	swait.ge @!p0 [sflag:s0], $0x3E80  }
0x167: {  	s26 =	rddreg [dreg:$0xd]  }
0x168: {  	s31 =	rddreg [dreg:$0xc];
	s14 =	sadd.s32 $0x1, s26  }
0x169: {  	p1 =	sne.s32 s14, s31  }
.Ltmp5:
0x16a: {  	_ = 	snop;
	(pc) =	sbr.rel @p1 .LBB2_1-.Ltmp5, $3  }
0x16b: {  	_ =	sdelay $0x1  }
0x16c: {  	[sflag:s0] =	ssyncset.done @!p0 $0x0  }
0x16d: {  	[sflag:s0] =	ssyncadd.s32 @!p0 $0xFFFFC180  }
0x16e: {  	_ =	sfence.sel $0x180000  }
0x16f: {  	[bflag:$0x0] =	sbarrier.arrive $0xFFFF  }
0x170: {  	_ =	strace $0x9000004A  }
0x171: {  	s0 =	stileid.u32;
	[bflag:$0x2] =	sbarrier.arrive $0xFFFF  }
0x172: {  	p0 =	sne.s32 s0, $0x0;
	s0 =	rddreg [dreg:$0x5]  }
0x173: {  	s0 =	sadd.s32 @!p0 $0x100000, s0  }
0x174: {  	[sflag:s0] =	ssyncadd.tile.s32 @!p0 $0x1;
	_ =	shalt  }
.Lfunc_end2:
_tile_overlayer_lowered:
.L_overlay_start_2:
0x175: {  	(tag) =	ssettag $0x2  }
0x176: {  	s0 =	rddreg [dreg:$0x0];
	s2 =	stileid.u32  }
0x177: {  	s1 =	rddreg [dreg:$0x1];
	p0 =	sne.s32 s2, $0x0  }
0x178: {  	s3 =	rddreg [dreg:$0x2];
	[bflag:$0x3] =	sbarrier.arrive $0xFFFF;
	s2 =	simm.s32 @!p0 $0x1C09  }
0x179: {  	[timem:s3], [sflag:s2] =	dma.local @!p0 [hbm:s0], s1  }
0x17a: {  	s0 =	simm.s32 @!p0 $0x9  }
0x17b: {  	_ =	swait.ge @!p0 [sflag:s0], s1  }
0x17c: {  	s1 =	ssub.s32 @!p0 $0x0, s1;
	[sflag:s0] =	ssyncset.done @!p0 $0x0  }
0x17d: {  	[sflag:s0] =	ssyncadd.s32 @!p0 s1  }
0x17e: {  	[bflag:$0x3] =	sbarrier.arrive $0xFFFF  }
0x17f: {  	_ =	shalt  }

// kernel: kernel.7.cloned.1.call-start
scs
__scs_entry_jumppad:
0x0: {  	(pc) =	sbr.rel $0x88, $3  }
0x1: {  	(tag) =	ssettag $0x0;
	lr =	simm.s32 $0x1  }
0x2: {  	[smem:$0x3F97] =	sst lr;
	_ =	strace $0xD0000000  }
0x3: {  	_ = 	snop  }
0x4: {  	_ = 	snop  }
0x5: {  	_ = 	snop  }
0x6: {  	_ = 	snop  }
0x7: {  	_ = 	snop  }
__scs_overlays_trampoline_lowered:
0x8: {  	[smem:$0x3FA6] =	sst s0  }
0x9: {  	[smem:$0x3FA7] =	sst s1  }
0xa: {  	[smem:$0x3FA8] =	sst s2  }
0xb: {  	[smem:$0x3FA9] =	sst s3  }
0xc: {  	[smem:$0x3FAA] =	sst s4  }
0xd: {  	[smem:$0x3FAB] =	sst s5  }
0xe: {  	[smem:$0x3FAC] =	sst s6  }
0xf: {  	[smem:$0x3FAD] =	sst s7  }
0x10: {  	[smem:$0x3FAE] =	sst s8  }
0x11: {  	[smem:$0x3FAF] =	sst s9;
	s0 =	simm.s32 @!p0 $0x0  }
0x12: {  	s1 =	sld [smem:$0x3F95];
	s0 =	simm.s32 @p0 $0x1  }
0x13: {  	[smem:$0x3FB0] =	sst s0;
	s0 =	simm.s32 @!p1 $0x0  }
0x14: {  	s2 =	sld [smem:$0x3F94];
	s0 =	simm.s32 @p1 $0x1  }
0x15: {  	[smem:$0x3FB1] =	sst s0;
	s0 =	simm.s32 @!p2 $0x0  }
0x16: {  	s3 =	sld [smem:$0x3FDB];
	s0 =	simm.s32 @p2 $0x1  }
0x17: {  	s4 =	simm.s32 $0x1BF5;
	[smem:$0x3FB3] =	sst s0  }
0x18: {  	s0 =	sld [smem:$0x3F96];
	_ =	swait.ge [sflag:s4], $0x0  }
0x19: {  	s7 =	sld [smem:$0x3F97]  }
0x1a: {  	s8 =	sadd.s32 $0xFFFFE003, lr  }
0x1b: {  	s9 =	sadd.s32 $0xFFFFFEF7, lr;
	s5 =	simm.s32 $0xFFFFFFFF;
	p2 =	slt.u32 s8, $0xFFFFF086  }
0x1c: {  	p1 =	slt.u32 s9, $0xF7A;
	s5 =	simm.s32 @!p2 $0x0  }
0x1d: {  	s5 =	simm.s32 @p1 $0x1;
	p0 =	seq.s32 s7, s2  }
0x1e: {  	s7 =	smul.u32 @!p0 $0xF7A, s2;
	p2 =	seq.s32 @!p0 s5, $0x0  }
0x1f: {  	s9 =	smul.u32 $0xF7A, s1;
	s8 =	simm.s32 @!p0 $0x1BF5;
	p2 =	por !p2, p0  }
0x20: {  	[sflag:s8] =	ssyncset.s32 @!p0 $0xFFFFF086;
	s6 =	sadd.s32 @!p0 s3, s7;
	s7 =	simm.s32 @!p0 $0x108  }
0x21: {  	s3 =	sadd.s32 s3, s9;
	s6 =	sadd.s32 @!p0 $0x88, s6;
	s7 =	simm.s32 @p2 $0x1082  }
0x22: {  	[simem:s7], [sflag:s8] =	dma.local @!p0 [hbm:s6], $0xF7A  }
0x23: {  	s9 =	sor.u32 $0xD0000000, s2;
	s6 =	simm.s32 $0x108;
	_ =	swait.ge @!p0 [sflag:s8], $0x0  }
0x24: {  	s3 =	sadd.s32 $0x88, s3;
	s6 =	simm.s32 @!p1 $0x1082;
	[sflag:s4] =	ssyncset.s32 $0xFFFFF086  }
0x25: {  	[simem:s6], [sflag:s4] =	dma.local [hbm:s3], $0xF7A  }
0x26: {  	[smem:$0x3F97] =	sst s1;
	(tag) =	ssettag s2;
	_ =	strace s9  }
0x27: {  	s1 =	sld [smem:$0x3FA7]  }
0x28: {  	s2 =	sld [smem:$0x3FA8]  }
0x29: {  	s4 =	sld [smem:$0x3FAA]  }
0x2a: {  	p0 =	seq.s32 s5, $0x0;
	s5 =	sld [smem:$0x3FAB]  }
0x2b: {  	s6 =	sld [smem:$0x3FAC]  }
0x2c: {  	s7 =	sld [smem:$0x3FAD]  }
0x2d: {  	s3 =	simm.s32 $0x108;
	s8 =	sld [smem:$0x3FAE]  }
0x2e: {  	s3 =	simm.s32 @!p0 $0x1082;
	s9 =	sld [smem:$0x3FAF]  }
0x2f: {  	lr =	sadd.s32 s0, s3;
	s0 =	sld [smem:$0x3FA6]  }
0x30: {  	s3 =	sld [smem:$0x3FA9]  }
0x31: {  	[smem:$0x3FB2] =	sst s10  }
0x32: {  	s10 =	sld [smem:$0x3FB0];
	_ =	sdelay $0x3  }
0x33: {  	p0 =	seq.s32 s10, $0x1;
	s10 =	sld [smem:$0x3FB2];
	_ =	sdelay $0x3  }
0x34: {  	[smem:$0x3FB2] =	sst s10  }
0x35: {  	s10 =	sld [smem:$0x3FB1];
	_ =	sdelay $0x3  }
0x36: {  	p1 =	seq.s32 s10, $0x1;
	s10 =	sld [smem:$0x3FB2];
	_ =	sdelay $0x3  }
0x37: {  	[smem:$0x3FB2] =	sst s10  }
0x38: {  	s10 =	sld [smem:$0x3FB3]  }
0x39: {  	_ = 	snop;
	(pc) =	sbr.ind lr, $3  }
0x3a: {  	_ = 	snop  }
0x3b: {  	_ = 	snop  }
0x3c: {  	p2 =	seq.s32 s10, $0x1;
	s10 =	sld [smem:$0x3FB2]  }
0x3d: {  	_ =	shalt  }
0x3e: {  	_ =	shalt  }
0x3f: {  	_ =	shalt  }
0x40: {  	_ =	shalt  }
0x41: {  	_ =	shalt  }
0x42: {  	_ =	shalt  }
0x43: {  	_ =	shalt  }
0x44: {  	_ =	shalt  }
0x45: {  	_ =	shalt  }
0x46: {  	_ =	shalt  }
0x47: {  	_ =	shalt  }
0x48: {  	_ =	shalt  }
0x49: {  	_ =	shalt  }
0x4a: {  	_ =	shalt  }
0x4b: {  	_ =	shalt  }
0x4c: {  	_ =	shalt  }
0x4d: {  	_ =	shalt  }
0x4e: {  	_ =	shalt  }
0x4f: {  	_ =	shalt  }
0x50: {  	_ =	shalt  }
0x51: {  	_ =	shalt  }
0x52: {  	_ =	shalt  }
0x53: {  	_ =	shalt  }
0x54: {  	_ =	shalt  }
0x55: {  	_ =	shalt  }
0x56: {  	_ =	shalt  }
0x57: {  	_ =	shalt  }
0x58: {  	_ =	shalt  }
0x59: {  	_ =	shalt  }
0x5a: {  	_ =	shalt  }
0x5b: {  	_ =	shalt  }
0x5c: {  	_ =	shalt  }
0x5d: {  	_ =	shalt  }
0x5e: {  	_ =	shalt  }
0x5f: {  	_ =	shalt  }
0x60: {  	_ =	shalt  }
0x61: {  	_ =	shalt  }
0x62: {  	_ =	shalt  }
0x63: {  	_ =	shalt  }
0x64: {  	_ =	shalt  }
0x65: {  	_ =	shalt  }
0x66: {  	_ =	shalt  }
0x67: {  	_ =	shalt  }
0x68: {  	_ =	shalt  }
0x69: {  	_ =	shalt  }
0x6a: {  	_ =	shalt  }
0x6b: {  	_ =	shalt  }
0x6c: {  	_ =	shalt  }
0x6d: {  	_ =	shalt  }
0x6e: {  	_ =	shalt  }
0x6f: {  	_ =	shalt  }
0x70: {  	_ =	shalt  }
0x71: {  	_ =	shalt  }
0x72: {  	_ =	shalt  }
0x73: {  	_ =	shalt  }
0x74: {  	_ =	shalt  }
0x75: {  	_ =	shalt  }
0x76: {  	_ =	shalt  }
0x77: {  	_ =	shalt  }
0x78: {  	_ =	shalt  }
0x79: {  	_ =	shalt  }
0x7a: {  	_ =	shalt  }
0x7b: {  	_ =	shalt  }
0x7c: {  	_ =	shalt  }
0x7d: {  	_ =	shalt  }
0x7e: {  	_ =	shalt  }
0x7f: {  	_ =	shalt  }
0x80: {  	_ =	shalt  }
0x81: {  	_ =	shalt  }
0x82: {  	_ =	shalt  }
0x83: {  	_ =	shalt  }
0x84: {  	_ =	shalt  }
0x85: {  	_ =	shalt  }
0x86: {  	_ =	shalt  }
0x87: {  	_ =	shalt  }
.Lfunc_end0:
.L_simem_size_0:
called_computation_lowered:
.L_overlay_start_0:
0x88: {  	s2 =	sld [smem:$0x3FD9]  }
0x89: {  	s3 =	sld [smem:$0x3FFE];
	_ =	sdelay $0x1  }
0x8a: {  	s1 =	srdreg.scid  }
0x8b: {  	s0 =	sand.u32 $0x1, s1  }
0x8c: {  	s17 =	sshll.u32 s0, $0xA;
	s2 =	sadd.s32 s3, s2  }
0x8d: {  	s2 =	sadd.s32 s2, s17  }
0x8e: {  	[smem:$0x3FBE] =	sst s2  }
0x8f: {  	_ = 	snop  }
0x90: {  	s2 =	sld [smem:$0x3FC6]  }
0x91: {  	s18 =	sld [smem:$0x3FC5]  }
0x92: {  	s4 =	sld [smem:$0x3FD0];
	(tm) =	ssettm $0x1  }
0x93: {  	s5 =	sld [smem:$0x3FFB];
	_ =	sdelay $0x3  }
0x94: {  	_ =	strace s5  }
0x95: {  	s5 =	sld [smem:$0x3FFC];
	_ =	sdelay $0x3  }
0x96: {  	_ =	strace s5  }
0x97: {  	s5 =	sld [smem:$0x3FFD];
	_ =	sdelay $0x3  }
0x98: {  	_ =	strace s5  }
0x99: {  	_ =	strace $0x8FFFFFFF  }
0x9a: {  	s19 =	sld [smem:$0x3FDB];
	_ =	sdelay $0x1  }
0x9b: {  	s6 =	simm.s32 $_scs_section_size  }
0x9c: {  	s7 =	simm.s32 $_size__tile_overlayer_lowered;
	s8 =	simm.s32 $_tile_overlayer_lowered  }
0x9d: {  	s22 =	simm.s32 $0x1BFF;
	s21 =	sshll.u32 s8, $0x1;
	s5 =	sadd.s32 s6, s19  }
0x9e: {  	s9 =	simm.s32 $0x0;
	s20 =	sshll.u32 s7, $0x1;
	s7 =	sadd.s32 s21, s5  }
0x9f: {  	[timem:s9], [sflag:s22] =	dma.local [hbm:s7], s20  }
0xa0: {  	_ =	swait.ge [sflag:s22], s20  }
0xa1: {  	s6 =	ssub.s32 $0x0, s20;
	[sflag:s22] =	ssyncset.done $0x0  }
0xa2: {  	[sflag:s22] =	ssyncadd.s32 s6;
	_ =	sdelay $0x1  }
0xa3: {  	s23 =	simm.s32 $0x1B8B  }
0xa4: {  	_ =	swait.ge [sflag:s23], $0x1  }
0xa5: {  	[sflag:s23] =	ssyncset.done $0x0  }
0xa6: {  	s25 =	simm.s32 $0x1B8E;
	s24 =	sld [smem:$0x3FFE];
	[sflag:s23] =	ssyncadd.s32 $0xFFFFFFFF  }
0xa7: {  	s26 =	simm.s32 $execute0_lowered;
	[smem:$0x3FD2] =	sst s25  }
0xa8: {  	s7 =	sshll.u32 s26, $0x1;
	_ =	strace $0x80000046;
	[dreg:$0x1] =	wrdreg $0xFFFFFFFF  }
0xa9: {  	s28 =	simm.s32 $_size_execute0_lowered;
	s5 =	sadd.s32 s5, s7;
	[dreg:$0x0] =	wrdreg $0x0  }
0xaa: {  	s7 =	sshll.u32 s28, $0x1;
	[dreg:$0x2] =	wrdreg s5  }
0xab: {  	[dreg:$0x3] =	wrdreg s7  }
0xac: {  	[dreg:$0x4] =	wrdreg $0xC0  }
0xad: {  	_ =	task [dreg:s9], $0x5FFFF  }
0xae: {  	[dreg:$0x1] =	wrdreg $0xFFFFFFFF  }
0xaf: {  	[dreg:$0x0] =	wrdreg $0x60  }
0xb0: {  	[dreg:$0x2] =	wrdreg s4  }
0xb1: {  	[dreg:$0x3] =	wrdreg s2  }
0xb2: {  	[dreg:$0x4] =	wrdreg s18  }
0xb3: {  	[dreg:$0x5] =	wrdreg s24  }
0xb4: {  	[dreg:$0x6] =	wrdreg $0x9  }
0xb5: {  	_ =	task.clear_ibuf [dreg:s9], $0x7FFFF;
	_ =	strace $0x90000046  }
0xb6: {  	s29 =	simm.s32 $0x9;
	_ =	strace $0x80000048  }
0xb7: {  	_ =	swait.ge [sflag:s29], $0x1  }
0xb8: {  	[sflag:s29] =	ssyncadd.s32 $0xFFFFFFFF  }
0xb9: {  	_ =	strace $0x90000048  }
0xba: {  	_ =	sfence  }
0xbb: {  	s30 =	sld [smem:$0x0];
	_ =	sdelay $0x2  }
0xbc: {  	s31 =	sshll.u32 s1, $0xD;
	s1 =	sshrl.u32 s1, $0x2  }
0xbd: {  	s3 =	sand.u32 $0x4000, s31;
	s1 =	sadd.s32 s1, s30  }
0xbe: {  	s0 =	sor.u32 s3, s0;
	s1 =	sshll.u32 s1, $0x11  }
0xbf: {  	s0 =	sor.u32 s1, s0  }
0xc0: {  	s0 =	sadd.s32 $0x8F2B, s0  }
0xc1: {  	[sflag:s0] =	ssyncadd.remote.s32 $0x1  }
0xc2: {  	_ =	sfence.sel $0xFFFF  }
0xc3: {  	[dreg:$0x0] =	wrdreg $0xFFFFFFFF;
	(pc) =	sbr.abs _section_cstart, $3  }
0xc4: {  	[dreg:$0x1] =	wrdreg $0xFFFFFFFF  }
0xc5: {  	_ =	task.clear_ibuf [dreg:s9], $0x2FFFF;
	_ =	strace $0x9FFFFFFF  }
0xc6: {  	(tm) =	ssettm $0x7FFFFFFF  }
0xc7: {  	_ =	shalt  }
tec
execute0_lowered:
.L_overlay_start_1:
0x0: {  	(tag) =	ssettag $0x1  }
0x1: {  	s1 =	rddreg [dreg:$0x0]  }
0x2: {  	s2 =	rddreg [dreg:$0x1]  }
0x3: {  	s4 =	rddreg [dreg:$0x2]  }
0x4: {  	s0 =	srdreg.scid;
	s5 =	stileid.u32  }
0x5: {  	s3 =	rddreg [dreg:$0x3];
	s17 =	simm.s32 $0x100;
	s18 =	simm.s32 $0x80  }
0x6: {  	s19 =	simm.s32 $0x180;
	s20 =	simm.s32 $0x1;
	s28 =	simm.s32 $0x3  }
0x7: {  	s29 =	simm.s32 $0xA200;
	s30 =	simm.s32 $0x4;
	s31 =	simm.s32 $0xCA00  }
0x8: {  	s0 =	sand.u32 $0x1, s0;
	s6 =	sshll.u32 s5, $0x1;
	s5 =	simm.s32 $0x0  }
0x9: {  	s7 =	sadd.s32 $0x2000, s3;
	s8 =	sor.u32 s0, s6;
	s0 =	ssub.s32 $0x2, s0  }
0xa: {  	[smem:$0x7FF] =	sst s5;
	s6 =	smul.u32 $0x2710, s8;
	s21 =	sshrl.u32 s0, $0x1  }
0xb: {  	_ =	strace $0x80000047;
	s8 =	smul.u32 $0x138800, s8;
	s0 =	ssub.s32 s0, s21  }
0xc: {  	s21 =	simm.s32 $0x50;
	s10 =	sshrl.u32 s6, $0x3;
	s9 =	sadd.s32 $0x50, s6  }
0xd: {  	s8 =	sshrl.u32 s8, $0x3;
	s13 =	sadd.s32 $0xA0, s6;
	s14 =	sadd.s32 $0xF0, s6  }
0xe: {  	s0 =	smax.u32 s0, $0x1;
	s22 =	sadd.s32 s2, s10;
	s23 =	sadd.s32 s4, s10  }
0xf: {  	s24 =	sshrl.u32 s9, $0x3;
	s26 =	sadd.s32 s7, s8;
	[dreg:$0xa] =	wrdreg s0  }
0x10: {  	s0 =	simm.s32 $0x6;
	s8 =	simm.s32 $0x0;
	[dreg:$0x5] =	wrdreg s22  }
0x11: {  	[dreg:$0x6] =	wrdreg s23;
	s25 =	sadd.s32 s2, s24;
	s3 =	sadd.s32 s4, s24  }
0x12: {  	s22 =	simm.s32 $0x200;
	s23 =	simm.s32 $0x5200;
	[dreg:$0x7] =	wrdreg s25  }
0x13: {  	s24 =	simm.s32 $0x2;
	[dreg:$0x8] =	wrdreg s3;
	s3 =	sadd.s32 $0x26C00, s26  }
0x14: {  	s25 =	simm.s32 $0x2A00;
	s26 =	simm.s32 $0x7A00;
	[dreg:$0x9] =	wrdreg s3  }
.LBB2_1:
0x15: {  	s3 =	rddreg [dreg:$0x5]  }
0x16: {  	[tilespmem:s5], [sflag:$0x1] =	stream.linear.gather [hbm4b:s3+s5], $0x50, $0x38;
	[tilespmem:$0xF200] =	vst v63  }
0x17: {  	s12 =	rddreg [dreg:$0x6]  }
0x18: {  	[tilespmem:s17], [sflag:$0x1] =	stream.linear.gather [hbm4b:s12+s5], $0x50, $0x38;
	[tilespmem:$0xF200] =	vst v63  }
0x19: {  	s15 =	rddreg [dreg:$0x7]  }
0x1a: {  	[tilespmem:s18], [sflag:$0x2] =	stream.linear.gather [hbm4b:s15+s5], $0x50, $0x38;
	[tilespmem:$0xF200] =	vst v63  }
0x1b: {  	s16 =	rddreg [dreg:$0x8]  }
0x1c: {  	[tilespmem:s19], [sflag:$0x2] =	stream.linear.gather [hbm4b:s16+s5], $0x50, $0x38;
	[tilespmem:$0xF200] =	vst v63  }
0x1d: {  	_ =	swait.ge [sflag:s20], $0x50  }
0x1e: {  	[sflag:s20] =	ssyncset.done $0x0  }
0x1f: {  	[sflag:s20] =	ssyncadd.s32 $0xFFFFFFB0  }
0x20: {  	_ =	swait.ge [sflag:s20], $0x50  }
0x21: {  	[sflag:s20] =	ssyncset.done $0x0  }
0x22: {  	[sflag:s20] =	ssyncadd.s32 $0xFFFFFFB0  }
0x23: {  	[tilespmem:s22], [sflag:$0x3] =	stream.indirect.gather [hbm4b:s1+s21], $0x80, s5, s21, $0xb8;
	[tilespmem:$0xF200] =	vst v63  }
0x24: {  	s10 =	simm.s32 $0x0  }
0x25: {  	[tilespmem:s23], [sflag:$0x3] =	stream.indirect.gather [hbm4b:s1+s21], $0x80, s17, s21, $0xb8;
	[tilespmem:$0xF200] =	vst v63  }
.LBB2_2:
0x26: {  	_ =	swait.ge [sflag:s24], $0x50  }
0x27: {  	[sflag:s24] =	ssyncset.done $0x0  }
0x28: {  	[sflag:s24] =	ssyncadd.s32 $0xFFFFFFB0  }
0x29: {  	_ =	swait.ge [sflag:s24], $0x50  }
0x2a: {  	[sflag:s24] =	ssyncset.done $0x0  }
0x2b: {  	[sflag:s24] =	ssyncadd.s32 $0xFFFFFFB0  }
0x2c: {  	[tilespmem:s25], [sflag:$0x4] =	stream.indirect.gather [hbm4b:s1+s21], $0x80, s18, s21, $0xb8;
	[tilespmem:$0xF200] =	vst v63  }
0x2d: {  	_ = 	snop  }
0x2e: {  	[tilespmem:s26], [sflag:$0x4] =	stream.indirect.gather [hbm4b:s1+s21], $0x80, s19, s21, $0xb8;
	[tilespmem:$0xF200] =	vst v63  }
0x2f: {  	_ =	swait.ge [sflag:s28], $0x2800  }
0x30: {  	s12 =	smul.u32 $0xA0, s10;
	[sflag:s28] =	ssyncset.done $0x0  }
0x31: {  	[sflag:s28] =	ssyncadd.s32 $0xFFFFD800  }
0x32: {  	s3 =	sadd.s32 s12, s13;
	_ =	swait.ge [sflag:s28], $0x2800  }
0x33: {  	s3 =	sshrl.u32 s3, $0x3;
	[sflag:s28] =	ssyncset.done $0x0  }
0x34: {  	s11 =	sadd.s32 s2, s3;
	[sflag:s28] =	ssyncadd.s32 $0xFFFFD800  }
0x35: {  	[tilespmem:s5], [sflag:$0x1] =	stream.linear.gather [hbm4b:s11+s5], $0x50, $0x38;
	[tilespmem:$0xF200] =	vst v63  }
0x36: {  	p0 =	seq.s32 s10, $0x0;
	s3 =	sadd.s32 s4, s3  }
0x37: {  	[tilespmem:s17], [sflag:$0x1] =	stream.linear.gather [hbm4b:s3+s5], $0x50, $0x38;
	[tilespmem:$0xF200] =	vst v63  }
0x38: {  	s3 =	simm.s32 @!p0 $0x5  }
0x39: {  	_ =	swait.ge @!p0 [sflag:s3], $0x2800  }
0x3a: {  	[sflag:s3] =	ssyncset.done @!p0 $0x0  }
0x3b: {  	s16 =	simm.s32 $0x0;
	[sflag:s3] =	ssyncadd.s32 @!p0 $0xFFFFD800  }
0x3c: {  	v2 =	vld [tilespmem:s16+$0x230]  }
0x3d: {  	v4 =	vld [tilespmem:s16+$0x5270]  }
0x3e: {  	v5 =	vld [tilespmem:s16+$0x200]  }
0x3f: {  	v6 =	vld [tilespmem:s16+$0x5240]  }
0x40: {  	v1 =	vld [tilespmem:s16+$0x210]  }
0x41: {  	v3 =	vld [tilespmem:s16+$0x5250]  }
0x42: {  	v0 =	vld [tilespmem:s16+$0x220];
	v7 =	vadd.f32 v4, v2  }
0x43: {  	s15 =	simm.s32 $0x80;
	v4 =	vld [tilespmem:s16+$0x5260]  }
0x44: {  	s11 =	sadd.s32 s12, s9;
	s3 =	simm.s32 $0x400;
	v2 =	vld [tilespmem:s15+$0x230];
	v5 =	vadd.f32 v6, v5;
	[tilespmem:s16+$0xA230] =	vst v7  }
.LBB2_3:
0x45: {  	p0 =	sne.s32 s3, $0x9E00;
	v6 =	vld [tilespmem:s15+$0x5270]  }
0x46: {  	v7 =	vld [tilespmem:s15+$0x200];
	[tilespmem:s16+$0xA200] =	vst v5;
	v3 =	vadd.f32 v3, v1  }
0x47: {  	v5 =	vld [tilespmem:s15+$0x5240]  }
.Ltmp0:
0x48: {  	v1 =	vld [tilespmem:s15+$0x210];
	[tilespmem:s16+$0xA210] =	vst v3;
	v4 =	vadd.f32 v4, v0;
	(pc) =	sbr.rel @p0 .LBB2_3-.Ltmp0, $4  }
0x49: {  	v3 =	vld [tilespmem:s15+$0x5250]  }
0x4a: {  	v0 =	vld [tilespmem:s15+$0x220];
	v6 =	vadd.f32 v6, v2;
	[tilespmem:s16+$0xA220] =	vst v4;
	s16 =	smov.u32 s15  }
0x4b: {  	s15 =	sshra.s32 s3, $0x2;
	v4 =	vld [tilespmem:s16+$0x5260]  }
0x4c: {  	s3 =	sadd.s32 $0x200, s3;
	v2 =	vld [tilespmem:s15+$0x230];
	v5 =	vadd.f32 v5, v7;
	[tilespmem:s16+$0xA230] =	vst v6  }
0x4d: {  	v6 =	vld [tilespmem:s15+$0x5270]  }
0x4e: {  	v7 =	vld [tilespmem:s15+$0x200];
	[tilespmem:s16+$0xA200] =	vst v5;
	v1 =	vadd.f32 v3, v1  }
0x4f: {  	v3 =	vld [tilespmem:s15+$0x5240]  }
0x50: {  	v5 =	vld [tilespmem:s15+$0x210];
	[tilespmem:s16+$0xA210] =	vst v1;
	v0 =	vadd.f32 v4, v0  }
0x51: {  	v1 =	vld [tilespmem:s15+$0x5250]  }
0x52: {  	v4 =	vld [tilespmem:s15+$0x220];
	[tilespmem:s16+$0xA220] =	vst v0  }
0x53: {  	v0 =	vld [tilespmem:s15+$0x5260];
	_ =	sdelay $0x1  }
0x54: {  	v2 =	vadd.f32 v6, v2  }
0x55: {  	v3 =	vadd.f32 v3, v7  }
0x56: {  	[tilespmem:s15+$0xA230] =	vst v2;
	v1 =	vadd.f32 v1, v5  }
0x57: {  	s3 =	sadd.s32 s6, s12;
	[tilespmem:s15+$0xA200] =	vst v3;
	v0 =	vadd.f32 v0, v4  }
0x58: {  	s3 =	sshll.u32 s3, $0x4;
	[tilespmem:s15+$0xA210] =	vst v1  }
0x59: {  	s3 =	sadd.s32 s7, s3;
	[tilespmem:s15+$0xA220] =	vst v0  }
0x5a: {  	[hbm4b:s3+s5] =	stream.linear.scatter [tilespmem:s29], [sflag:$0x5], $0x2800, $0x38;
	[tilespmem:$0xF200] =	vst v63  }
0x5b: {  	_ =	swait.ge [sflag:s20], $0x50  }
0x5c: {  	[sflag:s20] =	ssyncset.done $0x0  }
0x5d: {  	[sflag:s20] =	ssyncadd.s32 $0xFFFFFFB0  }
0x5e: {  	_ =	swait.ge [sflag:s20], $0x50  }
0x5f: {  	[sflag:s20] =	ssyncset.done $0x0  }
0x60: {  	[sflag:s20] =	ssyncadd.s32 $0xFFFFFFB0  }
0x61: {  	[tilespmem:s22], [sflag:$0x3] =	stream.indirect.gather [hbm4b:s1+s21], $0x80, s5, s21, $0xb8;
	[tilespmem:$0xF200] =	vst v63  }
0x62: {  	_ = 	snop  }
0x63: {  	[tilespmem:s23], [sflag:$0x3] =	stream.indirect.gather [hbm4b:s1+s21], $0x80, s17, s21, $0xb8;
	[tilespmem:$0xF200] =	vst v63  }
0x64: {  	_ =	swait.ge [sflag:s30], $0x2800  }
0x65: {  	[sflag:s30] =	ssyncset.done $0x0  }
0x66: {  	p0 =	seq.s32 s10, $0x3D;
	[sflag:s30] =	ssyncadd.s32 $0xFFFFD800  }
0x67: {  	s3 =	sadd.s32 @!p0 s12, s14;
	_ =	swait.ge [sflag:s30], $0x2800  }
0x68: {  	s16 =	simm.s32 @!p0 $0x80;
	s3 =	sshrl.u32 @!p0 s3, $0x3;
	[sflag:s30] =	ssyncset.done $0x0  }
0x69: {  	s15 =	simm.s32 @!p0 $0x0;
	s12 =	sadd.s32 @!p0 s2, s3;
	[sflag:s30] =	ssyncadd.s32 $0xFFFFD800  }
0x6a: {  	[tilespmem:s16], [sflag:$0x2] =	stream.linear.gather @!p0 [hbm4b:s12+s15], $0x50, $0x38;
	[tilespmem:$0xF200] =	vst v63  }
0x6b: {  	p1 =	seq.s32 @!p0 s10, $0x0;
	s3 =	sadd.s32 @!p0 s4, s3;
	s12 =	simm.s32 @!p0 $0x180  }
0x6c: {  	[tilespmem:s12], [sflag:$0x2] =	stream.linear.gather @!p0 [hbm4b:s3+s15], $0x50, $0x38;
	[tilespmem:$0xF200] =	vst v63  }
0x6d: {  	p0 =	por p0, !p1  }
0x6e: {  	_ =	swait.ge @p0 [sflag:s0], $0x2800  }
0x6f: {  	[sflag:s0] =	ssyncset.done @p0 $0x0  }
0x70: {  	s12 =	simm.s32 $0x0;
	[sflag:s0] =	ssyncadd.s32 @p0 $0xFFFFD800  }
0x71: {  	v2 =	vld [tilespmem:s12+$0x2A30]  }
0x72: {  	v4 =	vld [tilespmem:s12+$0x7A70]  }
0x73: {  	v5 =	vld [tilespmem:s12+$0x2A00]  }
0x74: {  	v6 =	vld [tilespmem:s12+$0x7A40]  }
0x75: {  	v1 =	vld [tilespmem:s12+$0x2A10]  }
0x76: {  	v3 =	vld [tilespmem:s12+$0x7A50]  }
0x77: {  	v0 =	vld [tilespmem:s12+$0x2A20];
	v7 =	vadd.f32 v4, v2  }
0x78: {  	s15 =	simm.s32 $0x80;
	v4 =	vld [tilespmem:s12+$0x7A60]  }
0x79: {  	s3 =	simm.s32 $0x400;
	v2 =	vld [tilespmem:s15+$0x2A30];
	v5 =	vadd.f32 v6, v5;
	[tilespmem:s12+$0xCA30] =	vst v7  }
.LBB2_5:
0x7a: {  	p0 =	sne.s32 s3, $0x9E00;
	v6 =	vld [tilespmem:s15+$0x7A70]  }
0x7b: {  	v7 =	vld [tilespmem:s15+$0x2A00];
	[tilespmem:s12+$0xCA00] =	vst v5;
	v3 =	vadd.f32 v3, v1  }
0x7c: {  	v5 =	vld [tilespmem:s15+$0x7A40]  }
.Ltmp1:
0x7d: {  	v1 =	vld [tilespmem:s15+$0x2A10];
	[tilespmem:s12+$0xCA10] =	vst v3;
	v4 =	vadd.f32 v4, v0;
	(pc) =	sbr.rel @p0 .LBB2_5-.Ltmp1, $4  }
0x7e: {  	v3 =	vld [tilespmem:s15+$0x7A50]  }
0x7f: {  	v0 =	vld [tilespmem:s15+$0x2A20];
	v6 =	vadd.f32 v6, v2;
	[tilespmem:s12+$0xCA20] =	vst v4;
	s12 =	smov.u32 s15  }
0x80: {  	s15 =	sshra.s32 s3, $0x2;
	v4 =	vld [tilespmem:s12+$0x7A60]  }
0x81: {  	s3 =	sadd.s32 $0x200, s3;
	v2 =	vld [tilespmem:s15+$0x2A30];
	v5 =	vadd.f32 v5, v7;
	[tilespmem:s12+$0xCA30] =	vst v6  }
0x82: {  	v6 =	vld [tilespmem:s15+$0x7A70]  }
0x83: {  	v7 =	vld [tilespmem:s15+$0x2A00];
	[tilespmem:s12+$0xCA00] =	vst v5;
	v1 =	vadd.f32 v3, v1  }
0x84: {  	v62 =	vld [tilespmem:s15+$0x7A40]  }
0x85: {  	v5 =	vld [tilespmem:s15+$0x2A10];
	[tilespmem:s12+$0xCA10] =	vst v1;
	v0 =	vadd.f32 v4, v0  }
0x86: {  	v1 =	vld [tilespmem:s15+$0x7A50]  }
0x87: {  	v63 =	vld [tilespmem:s15+$0x2A20];
	[tilespmem:s12+$0xCA20] =	vst v0  }
0x88: {  	v0 =	vld [tilespmem:s15+$0x7A60];
	_ =	sdelay $0x1  }
0x89: {  	s10 =	sadd.s32 $0x1, s10;
	v2 =	vadd.f32 v6, v2  }
0x8a: {  	p0 =	sne.s32 s10, $0x3E;
	v3 =	vadd.f32 v62, v7  }
.Ltmp2:
0x8b: {  	[tilespmem:s15+$0xCA30] =	vst v2;
	v1 =	vadd.f32 v1, v5;
	(pc) =	sbr.rel @p0 .LBB2_2-.Ltmp2, $4  }
0x8c: {  	[tilespmem:s15+$0xCA00] =	vst v3;
	v0 =	vadd.f32 v0, v63  }
0x8d: {  	s3 =	sshll.u32 s11, $0x4;
	[tilespmem:s15+$0xCA10] =	vst v1  }
0x8e: {  	s3 =	sadd.s32 s7, s3;
	[tilespmem:s15+$0xCA20] =	vst v0  }
0x8f: {  	[hbm4b:s3+s5] =	stream.linear.scatter [tilespmem:s31], [sflag:$0x6], $0x2800, $0x38;
	[tilespmem:$0xF200] =	vst v63  }
0x90: {  	_ =	swait.ge [sflag:s28], $0x2800  }
0x91: {  	[sflag:s28] =	ssyncset.done $0x0  }
0x92: {  	[sflag:s28] =	ssyncadd.s32 $0xFFFFD800  }
0x93: {  	_ =	swait.ge [sflag:s28], $0x2800  }
0x94: {  	[sflag:s28] =	ssyncset.done $0x0  }
0x95: {  	s12 =	simm.s32 $0x5;
	[sflag:s28] =	ssyncadd.s32 $0xFFFFD800  }
0x96: {  	_ =	swait.ge [sflag:s12], $0x2800  }
0x97: {  	[sflag:s12] =	ssyncset.done $0x0  }
0x98: {  	s10 =	simm.s32 $0x0;
	[sflag:s12] =	ssyncadd.s32 $0xFFFFD800  }
0x99: {  	v2 =	vld [tilespmem:s10+$0x230]  }
0x9a: {  	v4 =	vld [tilespmem:s10+$0x5270]  }
0x9b: {  	v5 =	vld [tilespmem:s10+$0x200]  }
0x9c: {  	v6 =	vld [tilespmem:s10+$0x5240]  }
0x9d: {  	v1 =	vld [tilespmem:s10+$0x210]  }
0x9e: {  	v3 =	vld [tilespmem:s10+$0x5250]  }
0x9f: {  	v0 =	vld [tilespmem:s10+$0x220];
	v7 =	vadd.f32 v4, v2  }
0xa0: {  	s11 =	simm.s32 $0x80;
	v4 =	vld [tilespmem:s10+$0x5260]  }
0xa1: {  	s3 =	simm.s32 $0x400;
	v2 =	vld [tilespmem:s11+$0x230];
	v5 =	vadd.f32 v6, v5;
	[tilespmem:s10+$0xA230] =	vst v7  }
.LBB2_8:
0xa2: {  	p0 =	sne.s32 s3, $0x9E00;
	v6 =	vld [tilespmem:s11+$0x5270]  }
0xa3: {  	v7 =	vld [tilespmem:s11+$0x200];
	[tilespmem:s10+$0xA200] =	vst v5;
	v3 =	vadd.f32 v3, v1  }
0xa4: {  	v5 =	vld [tilespmem:s11+$0x5240]  }
.Ltmp3:
0xa5: {  	v1 =	vld [tilespmem:s11+$0x210];
	[tilespmem:s10+$0xA210] =	vst v3;
	v4 =	vadd.f32 v4, v0;
	(pc) =	sbr.rel @p0 .LBB2_8-.Ltmp3, $4  }
0xa6: {  	v3 =	vld [tilespmem:s11+$0x5250]  }
0xa7: {  	v0 =	vld [tilespmem:s11+$0x220];
	v6 =	vadd.f32 v6, v2;
	[tilespmem:s10+$0xA220] =	vst v4;
	s10 =	smov.u32 s11  }
0xa8: {  	s11 =	sshra.s32 s3, $0x2;
	v4 =	vld [tilespmem:s10+$0x5260]  }
0xa9: {  	s3 =	sadd.s32 $0x200, s3;
	v2 =	vld [tilespmem:s11+$0x230];
	v5 =	vadd.f32 v5, v7;
	[tilespmem:s10+$0xA230] =	vst v6  }
0xaa: {  	v6 =	vld [tilespmem:s11+$0x5270]  }
0xab: {  	v7 =	vld [tilespmem:s11+$0x200];
	[tilespmem:s10+$0xA200] =	vst v5;
	v1 =	vadd.f32 v3, v1  }
0xac: {  	v62 =	vld [tilespmem:s11+$0x5240]  }
0xad: {  	v5 =	vld [tilespmem:s11+$0x210];
	[tilespmem:s10+$0xA210] =	vst v1;
	v0 =	vadd.f32 v4, v0  }
0xae: {  	v1 =	vld [tilespmem:s11+$0x5250]  }
0xaf: {  	v63 =	vld [tilespmem:s11+$0x220];
	[tilespmem:s10+$0xA220] =	vst v0  }
0xb0: {  	v0 =	vld [tilespmem:s11+$0x5260];
	_ =	sdelay $0x1  }
0xb1: {  	v2 =	vadd.f32 v6, v2  }
0xb2: {  	v3 =	vadd.f32 v62, v7  }
0xb3: {  	[tilespmem:s11+$0xA230] =	vst v2;
	v1 =	vadd.f32 v1, v5  }
0xb4: {  	[tilespmem:s11+$0xA200] =	vst v3;
	v0 =	vadd.f32 v0, v63  }
0xb5: {  	[tilespmem:s11+$0xA210] =	vst v1  }
0xb6: {  	s3 =	rddreg [dreg:$0x9];
	[tilespmem:s11+$0xA220] =	vst v0  }
0xb7: {  	[hbm4b:s3+s5] =	stream.linear.scatter [tilespmem:s29], [sflag:$0x5], $0x2800, $0x38;
	[tilespmem:$0xF200] =	vst v63  }
0xb8: {  	_ =	swait.ge [sflag:s12], $0x2800  }
0xb9: {  	[sflag:s12] =	ssyncset.done $0x0  }
0xba: {  	[sflag:s12] =	ssyncadd.s32 $0xFFFFD800  }
0xbb: {  	_ =	swait.ge [sflag:s0], $0x2800  }
0xbc: {  	s8 =	sadd.s32 $0x1, s8;
	s16 =	rddreg [dreg:$0xa]  }
0xbd: {  	p0 =	sne.s32 s8, s16  }
.Ltmp4:
0xbe: {  	_ = 	snop;
	(pc) =	sbr.rel @p0 .LBB2_1-.Ltmp4, $3  }
0xbf: {  	_ =	sdelay $0x1  }
0xc0: {  	[sflag:s0] =	ssyncset.done $0x0  }
0xc1: {  	[sflag:s0] =	ssyncadd.s32 $0xFFFFD800  }
0xc2: {  	_ =	sfence.sel $0x180000  }
0xc3: {  	[bflag:$0x0] =	sbarrier.arrive $0xFFFF  }
0xc4: {  	_ =	strace $0x90000047  }
0xc5: {  	s0 =	stileid.u32;
	[bflag:$0x2] =	sbarrier.arrive $0xFFFF  }
0xc6: {  	p0 =	sne.s32 s0, $0x0;
	s0 =	rddreg [dreg:$0x4]  }
0xc7: {  	s0 =	sadd.s32 @!p0 $0x100000, s0  }
0xc8: {  	[sflag:s0] =	ssyncadd.tile.s32 @!p0 $0x1;
	_ =	shalt  }
.Lfunc_end2:
_tile_overlayer_lowered:
.L_overlay_start_2:
0xc9: {  	(tag) =	ssettag $0x2  }
0xca: {  	s0 =	rddreg [dreg:$0x0];
	s2 =	stileid.u32  }
0xcb: {  	s1 =	rddreg [dreg:$0x1];
	p0 =	sne.s32 s2, $0x0  }
0xcc: {  	s3 =	rddreg [dreg:$0x2];
	[bflag:$0x3] =	sbarrier.arrive $0xFFFF;
	s2 =	simm.s32 @!p0 $0x1C07  }
0xcd: {  	[timem:s3], [sflag:s2] =	dma.local @!p0 [hbm:s0], s1  }
0xce: {  	s0 =	simm.s32 @!p0 $0x7  }
0xcf: {  	_ =	swait.ge @!p0 [sflag:s0], s1  }
0xd0: {  	s1 =	ssub.s32 @!p0 $0x0, s1;
	[sflag:s0] =	ssyncset.done @!p0 $0x0  }
0xd1: {  	[sflag:s0] =	ssyncadd.s32 @!p0 s1  }
0xd2: {  	[bflag:$0x3] =	sbarrier.arrive $0xFFFF  }
0xd3: {  	_ =	shalt  }

</sc_bundles>
